<compile_context>
chip_gen: v7x
topology: tpu7x:2x2x1
jax: 0.10.2.dev20260603
libtpu: 0.0.44.dev20260713+nightly
codegen_flags: <defaults>
</compile_context>

<pallas_src>
import functools

import jax
import jax.numpy as jnp
from jax import lax
from jax.experimental import pallas as pl
from jax.experimental.pallas import tpu as pltpu
from jax.experimental.pallas import tpu_sc as plsc

B, L, D = 4096, 50, 16
NV, NU = 1000000, 1000000
NC, NS = 2, 16
NW = NC * NS
RPW = B * L // NW
CHUNK = 128
NCH = RPW // CHUNK
UPW = B // NW
BBLK = 256
LD = L * D


def _sc_gather(hist2d, nodes2d, v2e, u2e):
    mesh = plsc.VectorSubcoreMesh(core_axis_name="c", subcore_axis_name="s")

    @functools.partial(
        pl.kernel,
        mesh=mesh,
        out_type=(
            jax.ShapeDtypeStruct((NW * NCH, CHUNK, D), jnp.float32),
            jax.ShapeDtypeStruct((NW, CHUNK, D), jnp.float32),
        ),
        scratch_types=[
            pltpu.VMEM((NCH, CHUNK), jnp.int32),
            pltpu.VMEM((NCH, CHUNK, D), jnp.float32),
            pltpu.VMEM((1, CHUNK), jnp.int32),
            pltpu.VMEM((1, CHUNK, D), jnp.float32),
            pltpu.SemaphoreType.DMA,
            pltpu.SemaphoreType.DMA,
        ],
        compiler_params=pltpu.CompilerParams(use_tc_tiling_on_sc=False),
    )
    def k(hist_hbm, nodes_hbm, v2e_hbm, u2e_hbm, outv_hbm, outu_hbm,
          idx_v, rows_v, uidx_v, urows_v, sem, usem):
        wid = lax.axis_index("s") * NC + lax.axis_index("c")
        pltpu.sync_copy(hist_hbm.at[wid], idx_v)
        pltpu.sync_copy(nodes_hbm.at[wid], uidx_v)
        uh = pltpu.async_copy(u2e_hbm.at[uidx_v.at[0]], urows_v.at[0], usem)
        handles = [
            pltpu.async_copy(v2e_hbm.at[idx_v.at[j]], rows_v.at[j], sem)
            for j in range(NCH)
        ]
        uh.wait()
        pltpu.sync_copy(urows_v, outu_hbm.at[pl.ds(wid, 1)])
        for h in handles:
            h.wait()
        pltpu.sync_copy(rows_v, outv_hbm.at[pl.ds(wid * NCH, NCH)])

    return k(hist2d, nodes2d, v2e, u2e)


DTC = 1 << 16
NP = 16 * DTC
DCH = DTC // 8


def _tc_detile(vT, uT):
    grid = (NP // DTC,)

    def body(xv_ref, xu_ref, ov_ref, ou_ref):
        def detile(x, o_ref):
            xb = jnp.concatenate(
                [x[:, a * DCH:(a + 1) * DCH] for a in range(8)], axis=0)
            o_ref[...] = xb.T

        detile(xv_ref[...], ov_ref)
        detile(xu_ref[...], ou_ref)

    return pl.pallas_call(
        body,
        grid=grid,
        in_specs=[
            pl.BlockSpec((D, DTC), lambda i: (0, i)),
            pl.BlockSpec((D, DTC), lambda i: (0, i)),
        ],
        out_specs=[
            pl.BlockSpec((DTC // 8, 128), lambda i: (i, 0)),
            pl.BlockSpec((DTC // 8, 128), lambda i: (i, 0)),
        ],
        out_shape=[
            jax.ShapeDtypeStruct((NP * D // 128, 128), jnp.float32),
            jax.ShapeDtypeStruct((NP * D // 128, 128), jnp.float32),
        ],
    )(vT, uT)


def _remap_idx(idx):
    return (idx & ~(DTC - 1)) + ((idx & (DCH - 1)) << 3) + ((idx // DCH) & 7)


def _tc_body(x_ref, lab_ref, u_ref,
             w1a_ref, t5_ref, rep5_ref, w2_ref, b2_ref,
             a1o_ref, a1u_ref, ba1_ref, tile16_ref,
             a2_ref, ba2_ref, a3_ref, k50_ref, p16_ref,
             o_ref):
    f32 = jnp.float32
    x = x_ref[...]
    lab = lab_ref[...].astype(f32)
    lab_rep = jnp.dot(lab, rep5_ref[...], preferred_element_type=f32)
    r_iota = lax.broadcasted_iota(jnp.int32, (BBLK, 5 * L), 1) % 5
    oh = (jnp.abs(lab_rep - r_iota.astype(f32)) < 0.5).astype(f32)
    labterm = jnp.dot(oh, t5_ref[...], preferred_element_type=f32)
    h = jnp.maximum(jnp.dot(x, w1a_ref[...], preferred_element_type=f32) + labterm, 0.0)
    o = jnp.maximum(jnp.dot(h, w2_ref[...], preferred_element_type=f32) + b2_ref[...], 0.0)
    u = u_ref[...]
    uterm = jnp.dot(u, a1u_ref[...], preferred_element_type=f32) + ba1_ref[...]
    uterm = jnp.dot(uterm, tile16_ref[...], preferred_element_type=f32)
    a1 = jnp.maximum(jnp.dot(o, a1o_ref[...], preferred_element_type=f32) + uterm, 0.0)
    a2 = jnp.maximum(jnp.dot(a1, a2_ref[...], preferred_element_type=f32) + ba2_ref[...], 0.0)
    scores = jnp.dot(a2, a3_ref[...], preferred_element_type=f32)
    m = jnp.max(scores, axis=1, keepdims=True)
    e = jnp.exp(scores - m)
    att = e / jnp.sum(e, axis=1, keepdims=True)
    attrep = jnp.dot(att, k50_ref[...], preferred_element_type=f32)
    ah = jnp.dot(o * attrep, p16_ref[...], preferred_element_type=f32)
    o_ref[...] = (ah + u) * 0.5


def kernel(nodes_u, hist_ids, hist_labels, v2e, u2e, r2e,
           w_r1_w, w_r1_b, w_r2_w, w_r2_b,
           att1_w, att1_b, att2_w, att2_b, att3_w, att3_b):
    f32 = jnp.float32
    hist2d = _remap_idx(hist_ids.astype(jnp.int32)).reshape(NW, NCH, CHUNK)
    nodes2d = _remap_idx(nodes_u.astype(jnp.int32)).reshape(NW, 1, CHUNK)

    vlin, ulin = _tc_detile(v2e.T, u2e.T)
    outv, outu = _sc_gather(hist2d, nodes2d,
                            vlin.reshape(NP, D), ulin.reshape(NP, D))
    x800 = outv.reshape(B, LD)
    urep = outu.reshape(B, D)
    labels = hist_labels.astype(jnp.int32)

    eye_l = jnp.eye(L, dtype=f32)
    w1a = jnp.kron(eye_l, w_r1_w[:, :D].T)
    lab_tab = r2e @ w_r1_w[:, D:].T + w_r1_b[None, :]
    t5 = jnp.kron(eye_l, lab_tab)
    rep5 = jnp.kron(eye_l, jnp.ones((1, 5), dtype=f32))
    w2 = jnp.kron(eye_l, w_r2_w.T)
    b2 = jnp.tile(w_r2_b, L)[None, :]
    a1o = jnp.kron(eye_l, att1_w[:, :D].T)
    a1u = att1_w[:, D:].T
    ba1 = att1_b[None, :]
    tile16 = jnp.tile(jnp.eye(D, dtype=f32), (1, L))
    a2m = jnp.kron(eye_l, att2_w.T)
    ba2 = jnp.tile(att2_b, L)[None, :]
    a3 = jnp.kron(eye_l, att3_w.T)
    k50 = jnp.kron(eye_l, jnp.ones((1, D), dtype=f32))
    p16 = jnp.tile(jnp.eye(D, dtype=f32), (L, 1))

    grid = (B // BBLK,)

    def blk(shape):
        return pl.BlockSpec(shape, lambda i: (0, 0))

    out = pl.pallas_call(
        _tc_body,
        grid=grid,
        in_specs=[
            pl.BlockSpec((BBLK, LD), lambda i: (i, 0)),
            pl.BlockSpec((BBLK, L), lambda i: (i, 0)),
            pl.BlockSpec((BBLK, D), lambda i: (i, 0)),
            blk((LD, LD)), blk((5 * L, LD)), blk((L, 5 * L)),
            blk((LD, LD)), blk((1, LD)),
            blk((LD, LD)), blk((D, D)), blk((1, D)), blk((D, LD)),
            blk((LD, LD)), blk((1, LD)), blk((LD, L)),
            blk((L, LD)), blk((LD, D)),
        ],
        out_specs=pl.BlockSpec((BBLK, D), lambda i: (i, 0)),
        out_shape=jax.ShapeDtypeStruct((B, D), f32),
    )(x800, labels, urep,
      w1a, t5, rep5, w2, b2,
      a1o, a1u, ba1, tile16,
      a2m, ba2, a3, k50, p16)
    return out

# --- scband reference (transcript-rebuilt; emitter-appended) ---
"""Pipeline reference for scband-plaggregator-33878702031556 (READ-ONLY COPY).

The authoritative reference and input builder live on the scoring server;
editing this copy changes nothing except your own understanding.
"""

import jax, jax.numpy as jnp
import numpy as np

B, L, D = 4096, 50, 16
NU, NV, NR = 1000000, 1000000, 5

def setup_inputs(seed: int = 0) -> dict:
    key = jax.random.key(seed)
    ks = jax.random.split(key, 12)
    s1 = 1.0 / np.sqrt(2 * D)
    s2 = 1.0 / np.sqrt(D)
    inp = {}
    inp['nodes_u'] = jax.random.randint(ks[0], (B,), 0, NU)
    inp['hist_ids'] = jax.random.randint(ks[1], (B, L), 0, NV)
    inp['hist_labels'] = jax.random.randint(ks[2], (B, L), 0, NR)
    inp['v2e'] = jax.random.normal(ks[3], (NV, D), dtype=jnp.float32) * 0.1
    inp['u2e'] = jax.random.normal(ks[4], (NU, D), dtype=jnp.float32) * 0.1
    inp['r2e'] = jax.random.normal(ks[5], (NR, D), dtype=jnp.float32) * 0.1
    inp['w_r1_w'] = jax.random.uniform(ks[6], (D, 2 * D), minval=-s1, maxval=s1, dtype=jnp.float32)
    inp['w_r1_b'] = jnp.zeros((D,), dtype=jnp.float32)
    inp['w_r2_w'] = jax.random.uniform(ks[7], (D, D), minval=-s2, maxval=s2, dtype=jnp.float32)
    inp['w_r2_b'] = jnp.zeros((D,), dtype=jnp.float32)
    inp['att1_w'] = jax.random.uniform(ks[8], (D, 2 * D), minval=-s1, maxval=s1, dtype=jnp.float32)
    inp['att1_b'] = jnp.zeros((D,), dtype=jnp.float32)
    inp['att2_w'] = jax.random.uniform(ks[9], (D, D), minval=-s2, maxval=s2, dtype=jnp.float32)
    inp['att2_b'] = jnp.zeros((D,), dtype=jnp.float32)
    inp['att3_w'] = jax.random.uniform(ks[10], (1, D), minval=-s2, maxval=s2, dtype=jnp.float32)
    inp['att3_b'] = jnp.zeros((1,), dtype=jnp.float32)
    return inp

def reference(nodes_u, hist_ids, hist_labels, v2e, u2e, r2e,
              w_r1_w, w_r1_b, w_r2_w, w_r2_b,
              att1_w, att1_b, att2_w, att2_b, att3_w, att3_b):
    # gather embeddings (batched form of the per-row python loop)
    e_uv = jnp.take(v2e, hist_ids, axis=0)        # [B, L, D]
    e_r = jnp.take(r2e, hist_labels, axis=0)      # [B, L, D]
    uv_rep = jnp.take(u2e, nodes_u, axis=0)       # [B, D]
    x = jnp.concatenate([e_uv, e_r], axis=-1)     # [B, L, 2D]
    x = jax.nn.relu(x @ w_r1_w.T + w_r1_b)
    o_history = jax.nn.relu(x @ w_r2_w.T + w_r2_b)  # [B, L, D]
    # GraphRec Attention(o_history, uv_rep, L): softmax over history dim
    u_b = jnp.broadcast_to(uv_rep[:, None, :], o_history.shape)
    a = jnp.concatenate([o_history, u_b], axis=-1)  # [B, L, 2D]
    a = jax.nn.relu(a @ att1_w.T + att1_b)
    a = jax.nn.relu(a @ att2_w.T + att2_b)
    a = a @ att3_w.T + att3_b                       # [B, L, 1]
    att_w = jax.nn.softmax(a, axis=1)
    # torch.mm(o_history.t(), att_w).t() == weighted sum over history
    att_history = jnp.sum(o_history * att_w, axis=1)  # [B, D]
    embed_matrix = (att_history + uv_rep) / 2.0
    return embed_matrix

if __name__ == "__main__":
    import jax
    _d = setup_inputs()
    print(jax.jit(kernel)(*tuple(_d.values())))

</pallas_src>

<mosaic_0001>
#map = affine_map<(d0, d1) -> (0, 0, 0)>
#map1 = affine_map<(d0, d1) -> (0, 0)>
module attributes {stable_mosaic.version = 14 : i64} {
  func.func @k(%arg0: i32, %arg1: i32, %arg2: memref<32x50x128xi32, #tpu.memory_space<hbm>>, %arg3: memref<32x1x128xi32, #tpu.memory_space<hbm>>, %arg4: memref<1048576x16xf32, #tpu.memory_space<hbm>>, %arg5: memref<1048576x16xf32, #tpu.memory_space<hbm>>, %arg6: memref<1600x128x16xf32, #tpu.memory_space<hbm>>, %arg7: memref<32x128x16xf32, #tpu.memory_space<hbm>>, %arg8: memref<50x128xi32, #tpu.memory_space<vmem>>, %arg9: memref<50x128x16xf32, #tpu.memory_space<vmem>>, %arg10: memref<1x128xi32, #tpu.memory_space<vmem>>, %arg11: memref<1x128x16xf32, #tpu.memory_space<vmem>>, %arg12: memref<!tpu.dma_semaphore, #tpu.memory_space<semaphore_mem>>, %arg13: memref<!tpu.dma_semaphore, #tpu.memory_space<semaphore_mem>>) attributes {dimension_semantics = [#tpu.dimension_semantics<core_parallel>, #tpu.dimension_semantics<subcore_parallel>], iteration_bounds = array<i64: 2, 16>, scalar_prefetch = 0 : i64, scratch_operands = 6 : i64, tpu.core_type = #tpu.core_type<sc_vector_subcore>, window_params = [{transform_indices = #map}, {transform_indices = #map}, {transform_indices = #map1}, {transform_indices = #map1}, {transform_indices = #map}, {transform_indices = #map}]} {
    %mul3A = arith.constant 2 : i32
    %mul3A_0 = arith.muli %arg1, %mul3A : i32
    %add3A = arith.addi %mul3A_0, %arg0 : i32
    "tpu.region"() ({
      %run_scoped3A = tpu.sem_alloc : memref<!tpu.dma_semaphore, #tpu.memory_space<semaphore_mem>>
      %dma_start3A_1225 = arith.constant 0 : i32
      %dma_start3A_1226 = arith.constant 0 : i32
      %dma_start3A_1227 = tpu.memref_slice %arg2[%add3A, %dma_start3A_1225, %dma_start3A_1226] : memref<32x50x128xi32, #tpu.memory_space<hbm>> -> memref<1x50x128xi32, #tpu.memory_space<hbm>>
      %dma_start3A_1228 = tpu.memref_squeeze %dma_start3A_1227 : memref<1x50x128xi32, #tpu.memory_space<hbm>> -> memref<50x128xi32, #tpu.memory_space<hbm>>
      %dma_start3A_1229 = arith.constant 0 : i32
      %dma_start3A_1230 = arith.constant 0 : i32
      %dma_start3A_1231 = tpu.memref_slice %arg2[%add3A, %dma_start3A_1229, %dma_start3A_1230] : memref<32x50x128xi32, #tpu.memory_space<hbm>> -> memref<1x50x128xi32, #tpu.memory_space<hbm>>
      %dma_start3A_1232 = tpu.memref_squeeze %dma_start3A_1231 : memref<1x50x128xi32, #tpu.memory_space<hbm>> -> memref<50x128xi32, #tpu.memory_space<hbm>>
      tpu.enqueue_dma source(%dma_start3A_1232 : memref<50x128xi32, #tpu.memory_space<hbm>>) target(%arg8 : memref<50x128xi32, #tpu.memory_space<vmem>>) target_semaphore(%run_scoped3A : memref<!tpu.dma_semaphore, #tpu.memory_space<semaphore_mem>>)
      %dma_wait3A_1233 = arith.constant 0 : i32
      %dma_wait3A_1234 = arith.constant 0 : i32
      %dma_wait3A_1235 = tpu.memref_slice %arg2[%add3A, %dma_wait3A_1233, %dma_wait3A_1234] : memref<32x50x128xi32, #tpu.memory_space<hbm>> -> memref<1x50x128xi32, #tpu.memory_space<hbm>>
      %dma_wait3A_1236 = tpu.memref_squeeze %dma_wait3A_1235 : memref<1x50x128xi32, #tpu.memory_space<hbm>> -> memref<50x128xi32, #tpu.memory_space<hbm>>
      %dma_wait3A_1237 = arith.constant 0 : i32
      %dma_wait3A_1238 = arith.constant 0 : i32
      %dma_wait3A_1239 = tpu.memref_slice %arg2[%add3A, %dma_wait3A_1237, %dma_wait3A_1238] : memref<32x50x128xi32, #tpu.memory_space<hbm>> -> memref<1x50x128xi32, #tpu.memory_space<hbm>>
      %dma_wait3A_1240 = tpu.memref_squeeze %dma_wait3A_1239 : memref<1x50x128xi32, #tpu.memory_space<hbm>> -> memref<50x128xi32, #tpu.memory_space<hbm>>
      tpu.wait_dma2 semaphore(%run_scoped3A : memref<!tpu.dma_semaphore, #tpu.memory_space<semaphore_mem>>) src(%dma_wait3A_1240 : memref<50x128xi32, #tpu.memory_space<hbm>>) dst(%arg8 : memref<50x128xi32, #tpu.memory_space<vmem>>)
      tpu.yield
    }) : () -> ()
    "tpu.region"() ({
      %run_scoped3A = tpu.sem_alloc : memref<!tpu.dma_semaphore, #tpu.memory_space<semaphore_mem>>
      %dma_start3A_1225 = arith.constant 0 : i32
      %dma_start3A_1226 = arith.constant 0 : i32
      %dma_start3A_1227 = tpu.memref_slice %arg3[%add3A, %dma_start3A_1225, %dma_start3A_1226] : memref<32x1x128xi32, #tpu.memory_space<hbm>> -> memref<1x1x128xi32, #tpu.memory_space<hbm>>
      %dma_start3A_1228 = tpu.memref_squeeze %dma_start3A_1227 : memref<1x1x128xi32, #tpu.memory_space<hbm>> -> memref<1x128xi32, #tpu.memory_space<hbm>>
      %dma_start3A_1229 = arith.constant 0 : i32
      %dma_start3A_1230 = arith.constant 0 : i32
      %dma_start3A_1231 = tpu.memref_slice %arg3[%add3A, %dma_start3A_1229, %dma_start3A_1230] : memref<32x1x128xi32, #tpu.memory_space<hbm>> -> memref<1x1x128xi32, #tpu.memory_space<hbm>>
      %dma_start3A_1232 = tpu.memref_squeeze %dma_start3A_1231 : memref<1x1x128xi32, #tpu.memory_space<hbm>> -> memref<1x128xi32, #tpu.memory_space<hbm>>
      tpu.enqueue_dma source(%dma_start3A_1232 : memref<1x128xi32, #tpu.memory_space<hbm>>) target(%arg10 : memref<1x128xi32, #tpu.memory_space<vmem>>) target_semaphore(%run_scoped3A : memref<!tpu.dma_semaphore, #tpu.memory_space<semaphore_mem>>)
      %dma_wait3A_1233 = arith.constant 0 : i32
      %dma_wait3A_1234 = arith.constant 0 : i32
      %dma_wait3A_1235 = tpu.memref_slice %arg3[%add3A, %dma_wait3A_1233, %dma_wait3A_1234] : memref<32x1x128xi32, #tpu.memory_space<hbm>> -> memref<1x1x128xi32, #tpu.memory_space<hbm>>
      %dma_wait3A_1236 = tpu.memref_squeeze %dma_wait3A_1235 : memref<1x1x128xi32, #tpu.memory_space<hbm>> -> memref<1x128xi32, #tpu.memory_space<hbm>>
      %dma_wait3A_1237 = arith.constant 0 : i32
      %dma_wait3A_1238 = arith.constant 0 : i32
      %dma_wait3A_1239 = tpu.memref_slice %arg3[%add3A, %dma_wait3A_1237, %dma_wait3A_1238] : memref<32x1x128xi32, #tpu.memory_space<hbm>> -> memref<1x1x128xi32, #tpu.memory_space<hbm>>
      %dma_wait3A_1240 = tpu.memref_squeeze %dma_wait3A_1239 : memref<1x1x128xi32, #tpu.memory_space<hbm>> -> memref<1x128xi32, #tpu.memory_space<hbm>>
      tpu.wait_dma2 semaphore(%run_scoped3A : memref<!tpu.dma_semaphore, #tpu.memory_space<semaphore_mem>>) src(%dma_wait3A_1240 : memref<1x128xi32, #tpu.memory_space<hbm>>) dst(%arg10 : memref<1x128xi32, #tpu.memory_space<vmem>>)
      tpu.yield
    }) : () -> ()
    %dma_start3A = arith.constant 0 : i32
    %dma_start3A_1 = arith.constant 0 : i32
    %dma_start3A_2 = arith.constant 0 : i32
    %dma_start3A_3 = arith.constant 0 : i32
    %dma_start3A_4 = tpu.memref_slice %arg11[%dma_start3A_1, %dma_start3A_2, %dma_start3A_3] : memref<1x128x16xf32, #tpu.memory_space<vmem>> -> memref<1x128x16xf32, #tpu.memory_space<vmem>>
    %dma_start3A_5 = tpu.memref_squeeze %dma_start3A_4 : memref<1x128x16xf32, #tpu.memory_space<vmem>> -> memref<128x16xf32, #tpu.memory_space<vmem>>
    %dma_start3A_6 = arith.constant 0 : i32
    %dma_start3A_7 = tpu.memref_slice %arg10[%dma_start3A, %dma_start3A_6] : memref<1x128xi32, #tpu.memory_space<vmem>> -> memref<1x128xi32, #tpu.memory_space<vmem>>
    %dma_start3A_8 = tpu.memref_squeeze %dma_start3A_7 : memref<1x128xi32, #tpu.memory_space<vmem>> -> memref<128xi32, #tpu.memory_space<vmem>>
    %dma_start3A_9 = arith.constant 0 : i32
    %dma_start3A_10 = arith.constant 0 : i32
    %dma_start3A_11 = tpu.memref_slice %arg5[%dma_start3A_9, %dma_start3A_10] : memref<1048576x16xf32, #tpu.memory_space<hbm>> -> memref<1048576x16xf32, #tpu.memory_space<hbm>>
    tpu.enqueue_indirect_dma source(%dma_start3A_11 : memref<1048576x16xf32, #tpu.memory_space<hbm>>) target(%dma_start3A_5 : memref<128x16xf32, #tpu.memory_space<vmem>>) offsets(%dma_start3A_8 : memref<128xi32, #tpu.memory_space<vmem>>) semaphore(%arg13 : memref<!tpu.dma_semaphore, #tpu.memory_space<semaphore_mem>>)
    %dma_start3A_12 = arith.constant 0 : i32
    %dma_start3A_13 = arith.constant 0 : i32
    %dma_start3A_14 = arith.constant 0 : i32
    %dma_start3A_15 = arith.constant 0 : i32
    %dma_start3A_16 = tpu.memref_slice %arg9[%dma_start3A_13, %dma_start3A_14, %dma_start3A_15] : memref<50x128x16xf32, #tpu.memory_space<vmem>> -> memref<1x128x16xf32, #tpu.memory_space<vmem>>
    %dma_start3A_17 = tpu.memref_squeeze %dma_start3A_16 : memref<1x128x16xf32, #tpu.memory_space<vmem>> -> memref<128x16xf32, #tpu.memory_space<vmem>>
    %dma_start3A_18 = arith.constant 0 : i32
    %dma_start3A_19 = tpu.memref_slice %arg8[%dma_start3A_12, %dma_start3A_18] : memref<50x128xi32, #tpu.memory_space<vmem>> -> memref<1x128xi32, #tpu.memory_space<vmem>>
    %dma_start3A_20 = tpu.memref_squeeze %dma_start3A_19 : memref<1x128xi32, #tpu.memory_space<vmem>> -> memref<128xi32, #tpu.memory_space<vmem>>
    %dma_start3A_21 = arith.constant 0 : i32
    %dma_start3A_22 = arith.constant 0 : i32
    %dma_start3A_23 = tpu.memref_slice %arg4[%dma_start3A_21, %dma_start3A_22] : memref<1048576x16xf32, #tpu.memory_space<hbm>> -> memref<1048576x16xf32, #tpu.memory_space<hbm>>
    tpu.enqueue_indirect_dma source(%dma_start3A_23 : memref<1048576x16xf32, #tpu.memory_space<hbm>>) target(%dma_start3A_17 : memref<128x16xf32, #tpu.memory_space<vmem>>) offsets(%dma_start3A_20 : memref<128xi32, #tpu.memory_space<vmem>>) semaphore(%arg12 : memref<!tpu.dma_semaphore, #tpu.memory_space<semaphore_mem>>)
    %dma_start3A_24 = arith.constant 1 : i32
    %dma_start3A_25 = arith.constant 1 : i32
    %dma_start3A_26 = arith.constant 0 : i32
    %dma_start3A_27 = arith.constant 0 : i32
    %dma_start3A_28 = tpu.memref_slice %arg9[%dma_start3A_25, %dma_start3A_26, %dma_start3A_27] : memref<50x128x16xf32, #tpu.memory_space<vmem>> -> memref<1x128x16xf32, #tpu.memory_space<vmem>>
    %dma_start3A_29 = tpu.memref_squeeze %dma_start3A_28 : memref<1x128x16xf32, #tpu.memory_space<vmem>> -> memref<128x16xf32, #tpu.memory_space<vmem>>
    %dma_start3A_30 = arith.constant 0 : i32
    %dma_start3A_31 = tpu.memref_slice %arg8[%dma_start3A_24, %dma_start3A_30] : memref<50x128xi32, #tpu.memory_space<vmem>> -> memref<1x128xi32, #tpu.memory_space<vmem>>
    %dma_start3A_32 = tpu.memref_squeeze %dma_start3A_31 : memref<1x128xi32, #tpu.memory_space<vmem>> -> memref<128xi32, #tpu.memory_space<vmem>>
    %dma_start3A_33 = arith.constant 0 : i32
    %dma_start3A_34 = arith.constant 0 : i32
    %dma_start3A_35 = tpu.memref_slice %arg4[%dma_start3A_33, %dma_start3A_34] : memref<1048576x16xf32, #tpu.memory_space<hbm>> -> memref<1048576x16xf32, #tpu.memory_space<hbm>>
    tpu.enqueue_indirect_dma source(%dma_start3A_35 : memref<1048576x16xf32, #tpu.memory_space<hbm>>) target(%dma_start3A_29 : memref<128x16xf32, #tpu.memory_space<vmem>>) offsets(%dma_start3A_32 : memref<128xi32, #tpu.memory_space<vmem>>) semaphore(%arg12 : memref<!tpu.dma_semaphore, #tpu.memory_space<semaphore_mem>>)
    %dma_start3A_36 = arith.constant 2 : i32
    %dma_start3A_37 = arith.constant 2 : i32
    %dma_start3A_38 = arith.constant 0 : i32
    %dma_start3A_39 = arith.constant 0 : i32
    %dma_start3A_40 = tpu.memref_slice %arg9[%dma_start3A_37, %dma_start3A_38, %dma_start3A_39] : memref<50x128x16xf32, #tpu.memory_space<vmem>> -> memref<1x128x16xf32, #tpu.memory_space<vmem>>
    %dma_start3A_41 = tpu.memref_squeeze %dma_start3A_40 : memref<1x128x16xf32, #tpu.memory_space<vmem>> -> memref<128x16xf32, #tpu.memory_space<vmem>>
    %dma_start3A_42 = arith.constant 0 : i32
    %dma_start3A_43 = tpu.memref_slice %arg8[%dma_start3A_36, %dma_start3A_42] : memref<50x128xi32, #tpu.memory_space<vmem>> -> memref<1x128xi32, #tpu.memory_space<vmem>>
    %dma_start3A_44 = tpu.memref_squeeze %dma_start3A_43 : memref<1x128xi32, #tpu.memory_space<vmem>> -> memref<128xi32, #tpu.memory_space<vmem>>
    %dma_start3A_45 = arith.constant 0 : i32
    %dma_start3A_46 = arith.constant 0 : i32
    %dma_start3A_47 = tpu.memref_slice %arg4[%dma_start3A_45, %dma_start3A_46] : memref<1048576x16xf32, #tpu.memory_space<hbm>> -> memref<1048576x16xf32, #tpu.memory_space<hbm>>
    tpu.enqueue_indirect_dma source(%dma_start3A_47 : memref<1048576x16xf32, #tpu.memory_space<hbm>>) target(%dma_start3A_41 : memref<128x16xf32, #tpu.memory_space<vmem>>) offsets(%dma_start3A_44 : memref<128xi32, #tpu.memory_space<vmem>>) semaphore(%arg12 : memref<!tpu.dma_semaphore, #tpu.memory_space<semaphore_mem>>)
    %dma_start3A_48 = arith.constant 3 : i32
    %dma_start3A_49 = arith.constant 3 : i32
    %dma_start3A_50 = arith.constant 0 : i32
    %dma_start3A_51 = arith.constant 0 : i32
    %dma_start3A_52 = tpu.memref_slice %arg9[%dma_start3A_49, %dma_start3A_50, %dma_start3A_51] : memref<50x128x16xf32, #tpu.memory_space<vmem>> -> memref<1x128x16xf32, #tpu.memory_space<vmem>>
    %dma_start3A_53 = tpu.memref_squeeze %dma_start3A_52 : memref<1x128x16xf32, #tpu.memory_space<vmem>> -> memref<128x16xf32, #tpu.memory_space<vmem>>
    %dma_start3A_54 = arith.constant 0 : i32
    %dma_start3A_55 = tpu.memref_slice %arg8[%dma_start3A_48, %dma_start3A_54] : memref<50x128xi32, #tpu.memory_space<vmem>> -> memref<1x128xi32, #tpu.memory_space<vmem>>
    %dma_start3A_56 = tpu.memref_squeeze %dma_start3A_55 : memref<1x128xi32, #tpu.memory_space<vmem>> -> memref<128xi32, #tpu.memory_space<vmem>>
    %dma_start3A_57 = arith.constant 0 : i32
    %dma_start3A_58 = arith.constant 0 : i32
    %dma_start3A_59 = tpu.memref_slice %arg4[%dma_start3A_57, %dma_start3A_58] : memref<1048576x16xf32, #tpu.memory_space<hbm>> -> memref<1048576x16xf32, #tpu.memory_space<hbm>>
    tpu.enqueue_indirect_dma source(%dma_start3A_59 : memref<1048576x16xf32, #tpu.memory_space<hbm>>) target(%dma_start3A_53 : memref<128x16xf32, #tpu.memory_space<vmem>>) offsets(%dma_start3A_56 : memref<128xi32, #tpu.memory_space<vmem>>) semaphore(%arg12 : memref<!tpu.dma_semaphore, #tpu.memory_space<semaphore_mem>>)
    %dma_start3A_60 = arith.constant 4 : i32
    %dma_start3A_61 = arith.constant 4 : i32
    %dma_start3A_62 = arith.constant 0 : i32
    %dma_start3A_63 = arith.constant 0 : i32
    %dma_start3A_64 = tpu.memref_slice %arg9[%dma_start3A_61, %dma_start3A_62, %dma_start3A_63] : memref<50x128x16xf32, #tpu.memory_space<vmem>> -> memref<1x128x16xf32, #tpu.memory_space<vmem>>
    %dma_start3A_65 = tpu.memref_squeeze %dma_start3A_64 : memref<1x128x16xf32, #tpu.memory_space<vmem>> -> memref<128x16xf32, #tpu.memory_space<vmem>>
    %dma_start3A_66 = arith.constant 0 : i32
    %dma_start3A_67 = tpu.memref_slice %arg8[%dma_start3A_60, %dma_start3A_66] : memref<50x128xi32, #tpu.memory_space<vmem>> -> memref<1x128xi32, #tpu.memory_space<vmem>>
    %dma_start3A_68 = tpu.memref_squeeze %dma_start3A_67 : memref<1x128xi32, #tpu.memory_space<vmem>> -> memref<128xi32, #tpu.memory_space<vmem>>
    %dma_start3A_69 = arith.constant 0 : i32
    %dma_start3A_70 = arith.constant 0 : i32
    %dma_start3A_71 = tpu.memref_slice %arg4[%dma_start3A_69, %dma_start3A_70] : memref<1048576x16xf32, #tpu.memory_space<hbm>> -> memref<1048576x16xf32, #tpu.memory_space<hbm>>
    tpu.enqueue_indirect_dma source(%dma_start3A_71 : memref<1048576x16xf32, #tpu.memory_space<hbm>>) target(%dma_start3A_65 : memref<128x16xf32, #tpu.memory_space<vmem>>) offsets(%dma_start3A_68 : memref<128xi32, #tpu.memory_space<vmem>>) semaphore(%arg12 : memref<!tpu.dma_semaphore, #tpu.memory_space<semaphore_mem>>)
    %dma_start3A_72 = arith.constant 5 : i32
    %dma_start3A_73 = arith.constant 5 : i32
    %dma_start3A_74 = arith.constant 0 : i32
    %dma_start3A_75 = arith.constant 0 : i32
    %dma_start3A_76 = tpu.memref_slice %arg9[%dma_start3A_73, %dma_start3A_74, %dma_start3A_75] : memref<50x128x16xf32, #tpu.memory_space<vmem>> -> memref<1x128x16xf32, #tpu.memory_space<vmem>>
    %dma_start3A_77 = tpu.memref_squeeze %dma_start3A_76 : memref<1x128x16xf32, #tpu.memory_space<vmem>> -> memref<128x16xf32, #tpu.memory_space<vmem>>
    %dma_start3A_78 = arith.constant 0 : i32
    %dma_start3A_79 = tpu.memref_slice %arg8[%dma_start3A_72, %dma_start3A_78] : memref<50x128xi32, #tpu.memory_space<vmem>> -> memref<1x128xi32, #tpu.memory_space<vmem>>
    %dma_start3A_80 = tpu.memref_squeeze %dma_start3A_79 : memref<1x128xi32, #tpu.memory_space<vmem>> -> memref<128xi32, #tpu.memory_space<vmem>>
    %dma_start3A_81 = arith.constant 0 : i32
    %dma_start3A_82 = arith.constant 0 : i32
    %dma_start3A_83 = tpu.memref_slice %arg4[%dma_start3A_81, %dma_start3A_82] : memref<1048576x16xf32, #tpu.memory_space<hbm>> -> memref<1048576x16xf32, #tpu.memory_space<hbm>>
    tpu.enqueue_indirect_dma source(%dma_start3A_83 : memref<1048576x16xf32, #tpu.memory_space<hbm>>) target(%dma_start3A_77 : memref<128x16xf32, #tpu.memory_space<vmem>>) offsets(%dma_start3A_80 : memref<128xi32, #tpu.memory_space<vmem>>) semaphore(%arg12 : memref<!tpu.dma_semaphore, #tpu.memory_space<semaphore_mem>>)
    %dma_start3A_84 = arith.constant 6 : i32
    %dma_start3A_85 = arith.constant 6 : i32
    %dma_start3A_86 = arith.constant 0 : i32
    %dma_start3A_87 = arith.constant 0 : i32
    %dma_start3A_88 = tpu.memref_slice %arg9[%dma_start3A_85, %dma_start3A_86, %dma_start3A_87] : memref<50x128x16xf32, #tpu.memory_space<vmem>> -> memref<1x128x16xf32, #tpu.memory_space<vmem>>
    %dma_start3A_89 = tpu.memref_squeeze %dma_start3A_88 : memref<1x128x16xf32, #tpu.memory_space<vmem>> -> memref<128x16xf32, #tpu.memory_space<vmem>>
    %dma_start3A_90 = arith.constant 0 : i32
    %dma_start3A_91 = tpu.memref_slice %arg8[%dma_start3A_84, %dma_start3A_90] : memref<50x128xi32, #tpu.memory_space<vmem>> -> memref<1x128xi32, #tpu.memory_space<vmem>>
    %dma_start3A_92 = tpu.memref_squeeze %dma_start3A_91 : memref<1x128xi32, #tpu.memory_space<vmem>> -> memref<128xi32, #tpu.memory_space<vmem>>
    %dma_start3A_93 = arith.constant 0 : i32
    %dma_start3A_94 = arith.constant 0 : i32
    %dma_start3A_95 = tpu.memref_slice %arg4[%dma_start3A_93, %dma_start3A_94] : memref<1048576x16xf32, #tpu.memory_space<hbm>> -> memref<1048576x16xf32, #tpu.memory_space<hbm>>
    tpu.enqueue_indirect_dma source(%dma_start3A_95 : memref<1048576x16xf32, #tpu.memory_space<hbm>>) target(%dma_start3A_89 : memref<128x16xf32, #tpu.memory_space<vmem>>) offsets(%dma_start3A_92 : memref<128xi32, #tpu.memory_space<vmem>>) semaphore(%arg12 : memref<!tpu.dma_semaphore, #tpu.memory_space<semaphore_mem>>)
    %dma_start3A_96 = arith.constant 7 : i32
    %dma_start3A_97 = arith.constant 7 : i32
    %dma_start3A_98 = arith.constant 0 : i32
    %dma_start3A_99 = arith.constant 0 : i32
    %dma_start3A_100 = tpu.memref_slice %arg9[%dma_start3A_97, %dma_start3A_98, %dma_start3A_99] : memref<50x128x16xf32, #tpu.memory_space<vmem>> -> memref<1x128x16xf32, #tpu.memory_space<vmem>>
    %dma_start3A_101 = tpu.memref_squeeze %dma_start3A_100 : memref<1x128x16xf32, #tpu.memory_space<vmem>> -> memref<128x16xf32, #tpu.memory_space<vmem>>
    %dma_start3A_102 = arith.constant 0 : i32
    %dma_start3A_103 = tpu.memref_slice %arg8[%dma_start3A_96, %dma_start3A_102] : memref<50x128xi32, #tpu.memory_space<vmem>> -> memref<1x128xi32, #tpu.memory_space<vmem>>
    %dma_start3A_104 = tpu.memref_squeeze %dma_start3A_103 : memref<1x128xi32, #tpu.memory_space<vmem>> -> memref<128xi32, #tpu.memory_space<vmem>>
    %dma_start3A_105 = arith.constant 0 : i32
    %dma_start3A_106 = arith.constant 0 : i32
    %dma_start3A_107 = tpu.memref_slice %arg4[%dma_start3A_105, %dma_start3A_106] : memref<1048576x16xf32, #tpu.memory_space<hbm>> -> memref<1048576x16xf32, #tpu.memory_space<hbm>>
    tpu.enqueue_indirect_dma source(%dma_start3A_107 : memref<1048576x16xf32, #tpu.memory_space<hbm>>) target(%dma_start3A_101 : memref<128x16xf32, #tpu.memory_space<vmem>>) offsets(%dma_start3A_104 : memref<128xi32, #tpu.memory_space<vmem>>) semaphore(%arg12 : memref<!tpu.dma_semaphore, #tpu.memory_space<semaphore_mem>>)
    %dma_start3A_108 = arith.constant 8 : i32
    %dma_start3A_109 = arith.constant 8 : i32
    %dma_start3A_110 = arith.constant 0 : i32
    %dma_start3A_111 = arith.constant 0 : i32
    %dma_start3A_112 = tpu.memref_slice %arg9[%dma_start3A_109, %dma_start3A_110, %dma_start3A_111] : memref<50x128x16xf32, #tpu.memory_space<vmem>> -> memref<1x128x16xf32, #tpu.memory_space<vmem>>
    %dma_start3A_113 = tpu.memref_squeeze %dma_start3A_112 : memref<1x128x16xf32, #tpu.memory_space<vmem>> -> memref<128x16xf32, #tpu.memory_space<vmem>>
    %dma_start3A_114 = arith.constant 0 : i32
    %dma_start3A_115 = tpu.memref_slice %arg8[%dma_start3A_108, %dma_start3A_114] : memref<50x128xi32, #tpu.memory_space<vmem>> -> memref<1x128xi32, #tpu.memory_space<vmem>>
    %dma_start3A_116 = tpu.memref_squeeze %dma_start3A_115 : memref<1x128xi32, #tpu.memory_space<vmem>> -> memref<128xi32, #tpu.memory_space<vmem>>
    %dma_start3A_117 = arith.constant 0 : i32
    %dma_start3A_118 = arith.constant 0 : i32
    %dma_start3A_119 = tpu.memref_slice %arg4[%dma_start3A_117, %dma_start3A_118] : memref<1048576x16xf32, #tpu.memory_space<hbm>> -> memref<1048576x16xf32, #tpu.memory_space<hbm>>
    tpu.enqueue_indirect_dma source(%dma_start3A_119 : memref<1048576x16xf32, #tpu.memory_space<hbm>>) target(%dma_start3A_113 : memref<128x16xf32, #tpu.memory_space<vmem>>) offsets(%dma_start3A_116 : memref<128xi32, #tpu.memory_space<vmem>>) semaphore(%arg12 : memref<!tpu.dma_semaphore, #tpu.memory_space<semaphore_mem>>)
    %dma_start3A_120 = arith.constant 9 : i32
    %dma_start3A_121 = arith.constant 9 : i32
    %dma_start3A_122 = arith.constant 0 : i32
    %dma_start3A_123 = arith.constant 0 : i32
    %dma_start3A_124 = tpu.memref_slice %arg9[%dma_start3A_121, %dma_start3A_122, %dma_start3A_123] : memref<50x128x16xf32, #tpu.memory_space<vmem>> -> memref<1x128x16xf32, #tpu.memory_space<vmem>>
    %dma_start3A_125 = tpu.memref_squeeze %dma_start3A_124 : memref<1x128x16xf32, #tpu.memory_space<vmem>> -> memref<128x16xf32, #tpu.memory_space<vmem>>
    %dma_start3A_126 = arith.constant 0 : i32
    %dma_start3A_127 = tpu.memref_slice %arg8[%dma_start3A_120, %dma_start3A_126] : memref<50x128xi32, #tpu.memory_space<vmem>> -> memref<1x128xi32, #tpu.memory_space<vmem>>
    %dma_start3A_128 = tpu.memref_squeeze %dma_start3A_127 : memref<1x128xi32, #tpu.memory_space<vmem>> -> memref<128xi32, #tpu.memory_space<vmem>>
    %dma_start3A_129 = arith.constant 0 : i32
    %dma_start3A_130 = arith.constant 0 : i32
    %dma_start3A_131 = tpu.memref_slice %arg4[%dma_start3A_129, %dma_start3A_130] : memref<1048576x16xf32, #tpu.memory_space<hbm>> -> memref<1048576x16xf32, #tpu.memory_space<hbm>>
    tpu.enqueue_indirect_dma source(%dma_start3A_131 : memref<1048576x16xf32, #tpu.memory_space<hbm>>) target(%dma_start3A_125 : memref<128x16xf32, #tpu.memory_space<vmem>>) offsets(%dma_start3A_128 : memref<128xi32, #tpu.memory_space<vmem>>) semaphore(%arg12 : memref<!tpu.dma_semaphore, #tpu.memory_space<semaphore_mem>>)
    %dma_start3A_132 = arith.constant 10 : i32
    %dma_start3A_133 = arith.constant 10 : i32
    %dma_start3A_134 = arith.constant 0 : i32
    %dma_start3A_135 = arith.constant 0 : i32
    %dma_start3A_136 = tpu.memref_slice %arg9[%dma_start3A_133, %dma_start3A_134, %dma_start3A_135] : memref<50x128x16xf32, #tpu.memory_space<vmem>> -> memref<1x128x16xf32, #tpu.memory_space<vmem>>
    %dma_start3A_137 = tpu.memref_squeeze %dma_start3A_136 : memref<1x128x16xf32, #tpu.memory_space<vmem>> -> memref<128x16xf32, #tpu.memory_space<vmem>>
    %dma_start3A_138 = arith.constant 0 : i32
    %dma_start3A_139 = tpu.memref_slice %arg8[%dma_start3A_132, %dma_start3A_138] : memref<50x128xi32, #tpu.memory_space<vmem>> -> memref<1x128xi32, #tpu.memory_space<vmem>>
    %dma_start3A_140 = tpu.memref_squeeze %dma_start3A_139 : memref<1x128xi32, #tpu.memory_space<vmem>> -> memref<128xi32, #tpu.memory_space<vmem>>
    %dma_start3A_141 = arith.constant 0 : i32
    %dma_start3A_142 = arith.constant 0 : i32
    %dma_start3A_143 = tpu.memref_slice %arg4[%dma_start3A_141, %dma_start3A_142] : memref<1048576x16xf32, #tpu.memory_space<hbm>> -> memref<1048576x16xf32, #tpu.memory_space<hbm>>
    tpu.enqueue_indirect_dma source(%dma_start3A_143 : memref<1048576x16xf32, #tpu.memory_space<hbm>>) target(%dma_start3A_137 : memref<128x16xf32, #tpu.memory_space<vmem>>) offsets(%dma_start3A_140 : memref<128xi32, #tpu.memory_space<vmem>>) semaphore(%arg12 : memref<!tpu.dma_semaphore, #tpu.memory_space<semaphore_mem>>)
    %dma_start3A_144 = arith.constant 11 : i32
    %dma_start3A_145 = arith.constant 11 : i32
    %dma_start3A_146 = arith.constant 0 : i32
    %dma_start3A_147 = arith.constant 0 : i32
    %dma_start3A_148 = tpu.memref_slice %arg9[%dma_start3A_145, %dma_start3A_146, %dma_start3A_147] : memref<50x128x16xf32, #tpu.memory_space<vmem>> -> memref<1x128x16xf32, #tpu.memory_space<vmem>>
    %dma_start3A_149 = tpu.memref_squeeze %dma_start3A_148 : memref<1x128x16xf32, #tpu.memory_space<vmem>> -> memref<128x16xf32, #tpu.memory_space<vmem>>
    %dma_start3A_150 = arith.constant 0 : i32
    %dma_start3A_151 = tpu.memref_slice %arg8[%dma_start3A_144, %dma_start3A_150] : memref<50x128xi32, #tpu.memory_space<vmem>> -> memref<1x128xi32, #tpu.memory_space<vmem>>
    %dma_start3A_152 = tpu.memref_squeeze %dma_start3A_151 : memref<1x128xi32, #tpu.memory_space<vmem>> -> memref<128xi32, #tpu.memory_space<vmem>>
    %dma_start3A_153 = arith.constant 0 : i32
    %dma_start3A_154 = arith.constant 0 : i32
    %dma_start3A_155 = tpu.memref_slice %arg4[%dma_start3A_153, %dma_start3A_154] : memref<1048576x16xf32, #tpu.memory_space<hbm>> -> memref<1048576x16xf32, #tpu.memory_space<hbm>>
    tpu.enqueue_indirect_dma source(%dma_start3A_155 : memref<1048576x16xf32, #tpu.memory_space<hbm>>) target(%dma_start3A_149 : memref<128x16xf32, #tpu.memory_space<vmem>>) offsets(%dma_start3A_152 : memref<128xi32, #tpu.memory_space<vmem>>) semaphore(%arg12 : memref<!tpu.dma_semaphore, #tpu.memory_space<semaphore_mem>>)
    %dma_start3A_156 = arith.constant 12 : i32
    %dma_start3A_157 = arith.constant 12 : i32
    %dma_start3A_158 = arith.constant 0 : i32
    %dma_start3A_159 = arith.constant 0 : i32
    %dma_start3A_160 = tpu.memref_slice %arg9[%dma_start3A_157, %dma_start3A_158, %dma_start3A_159] : memref<50x128x16xf32, #tpu.memory_space<vmem>> -> memref<1x128x16xf32, #tpu.memory_space<vmem>>
    %dma_start3A_161 = tpu.memref_squeeze %dma_start3A_160 : memref<1x128x16xf32, #tpu.memory_space<vmem>> -> memref<128x16xf32, #tpu.memory_space<vmem>>
    %dma_start3A_162 = arith.constant 0 : i32
    %dma_start3A_163 = tpu.memref_slice %arg8[%dma_start3A_156, %dma_start3A_162] : memref<50x128xi32, #tpu.memory_space<vmem>> -> memref<1x128xi32, #tpu.memory_space<vmem>>
    %dma_start3A_164 = tpu.memref_squeeze %dma_start3A_163 : memref<1x128xi32, #tpu.memory_space<vmem>> -> memref<128xi32, #tpu.memory_space<vmem>>
    %dma_start3A_165 = arith.constant 0 : i32
    %dma_start3A_166 = arith.constant 0 : i32
    %dma_start3A_167 = tpu.memref_slice %arg4[%dma_start3A_165, %dma_start3A_166] : memref<1048576x16xf32, #tpu.memory_space<hbm>> -> memref<1048576x16xf32, #tpu.memory_space<hbm>>
    tpu.enqueue_indirect_dma source(%dma_start3A_167 : memref<1048576x16xf32, #tpu.memory_space<hbm>>) target(%dma_start3A_161 : memref<128x16xf32, #tpu.memory_space<vmem>>) offsets(%dma_start3A_164 : memref<128xi32, #tpu.memory_space<vmem>>) semaphore(%arg12 : memref<!tpu.dma_semaphore, #tpu.memory_space<semaphore_mem>>)
    %dma_start3A_168 = arith.constant 13 : i32
    %dma_start3A_169 = arith.constant 13 : i32
    %dma_start3A_170 = arith.constant 0 : i32
    %dma_start3A_171 = arith.constant 0 : i32
    %dma_start3A_172 = tpu.memref_slice %arg9[%dma_start3A_169, %dma_start3A_170, %dma_start3A_171] : memref<50x128x16xf32, #tpu.memory_space<vmem>> -> memref<1x128x16xf32, #tpu.memory_space<vmem>>
    %dma_start3A_173 = tpu.memref_squeeze %dma_start3A_172 : memref<1x128x16xf32, #tpu.memory_space<vmem>> -> memref<128x16xf32, #tpu.memory_space<vmem>>
    %dma_start3A_174 = arith.constant 0 : i32
    %dma_start3A_175 = tpu.memref_slice %arg8[%dma_start3A_168, %dma_start3A_174] : memref<50x128xi32, #tpu.memory_space<vmem>> -> memref<1x128xi32, #tpu.memory_space<vmem>>
    %dma_start3A_176 = tpu.memref_squeeze %dma_start3A_175 : memref<1x128xi32, #tpu.memory_space<vmem>> -> memref<128xi32, #tpu.memory_space<vmem>>
    %dma_start3A_177 = arith.constant 0 : i32
    %dma_start3A_178 = arith.constant 0 : i32
    %dma_start3A_179 = tpu.memref_slice %arg4[%dma_start3A_177, %dma_start3A_178] : memref<1048576x16xf32, #tpu.memory_space<hbm>> -> memref<1048576x16xf32, #tpu.memory_space<hbm>>
    tpu.enqueue_indirect_dma source(%dma_start3A_179 : memref<1048576x16xf32, #tpu.memory_space<hbm>>) target(%dma_start3A_173 : memref<128x16xf32, #tpu.memory_space<vmem>>) offsets(%dma_start3A_176 : memref<128xi32, #tpu.memory_space<vmem>>) semaphore(%arg12 : memref<!tpu.dma_semaphore, #tpu.memory_space<semaphore_mem>>)
    %dma_start3A_180 = arith.constant 14 : i32
    %dma_start3A_181 = arith.constant 14 : i32
    %dma_start3A_182 = arith.constant 0 : i32
    %dma_start3A_183 = arith.constant 0 : i32
    %dma_start3A_184 = tpu.memref_slice %arg9[%dma_start3A_181, %dma_start3A_182, %dma_start3A_183] : memref<50x128x16xf32, #tpu.memory_space<vmem>> -> memref<1x128x16xf32, #tpu.memory_space<vmem>>
    %dma_start3A_185 = tpu.memref_squeeze %dma_start3A_184 : memref<1x128x16xf32, #tpu.memory_space<vmem>> -> memref<128x16xf32, #tpu.memory_space<vmem>>
    %dma_start3A_186 = arith.constant 0 : i32
    %dma_start3A_187 = tpu.memref_slice %arg8[%dma_start3A_180, %dma_start3A_186] : memref<50x128xi32, #tpu.memory_space<vmem>> -> memref<1x128xi32, #tpu.memory_space<vmem>>
    %dma_start3A_188 = tpu.memref_squeeze %dma_start3A_187 : memref<1x128xi32, #tpu.memory_space<vmem>> -> memref<128xi32, #tpu.memory_space<vmem>>
    %dma_start3A_189 = arith.constant 0 : i32
    %dma_start3A_190 = arith.constant 0 : i32
    %dma_start3A_191 = tpu.memref_slice %arg4[%dma_start3A_189, %dma_start3A_190] : memref<1048576x16xf32, #tpu.memory_space<hbm>> -> memref<1048576x16xf32, #tpu.memory_space<hbm>>
    tpu.enqueue_indirect_dma source(%dma_start3A_191 : memref<1048576x16xf32, #tpu.memory_space<hbm>>) target(%dma_start3A_185 : memref<128x16xf32, #tpu.memory_space<vmem>>) offsets(%dma_start3A_188 : memref<128xi32, #tpu.memory_space<vmem>>) semaphore(%arg12 : memref<!tpu.dma_semaphore, #tpu.memory_space<semaphore_mem>>)
    %dma_start3A_192 = arith.constant 15 : i32
    %dma_start3A_193 = arith.constant 15 : i32
    %dma_start3A_194 = arith.constant 0 : i32
    %dma_start3A_195 = arith.constant 0 : i32
    %dma_start3A_196 = tpu.memref_slice %arg9[%dma_start3A_193, %dma_start3A_194, %dma_start3A_195] : memref<50x128x16xf32, #tpu.memory_space<vmem>> -> memref<1x128x16xf32, #tpu.memory_space<vmem>>
    %dma_start3A_197 = tpu.memref_squeeze %dma_start3A_196 : memref<1x128x16xf32, #tpu.memory_space<vmem>> -> memref<128x16xf32, #tpu.memory_space<vmem>>
    %dma_start3A_198 = arith.constant 0 : i32
    %dma_start3A_199 = tpu.memref_slice %arg8[%dma_start3A_192, %dma_start3A_198] : memref<50x128xi32, #tpu.memory_space<vmem>> -> memref<1x128xi32, #tpu.memory_space<vmem>>
    %dma_start3A_200 = tpu.memref_squeeze %dma_start3A_199 : memref<1x128xi32, #tpu.memory_space<vmem>> -> memref<128xi32, #tpu.memory_space<vmem>>
    %dma_start3A_201 = arith.constant 0 : i32
    %dma_start3A_202 = arith.constant 0 : i32
    %dma_start3A_203 = tpu.memref_slice %arg4[%dma_start3A_201, %dma_start3A_202] : memref<1048576x16xf32, #tpu.memory_space<hbm>> -> memref<1048576x16xf32, #tpu.memory_space<hbm>>
    tpu.enqueue_indirect_dma source(%dma_start3A_203 : memref<1048576x16xf32, #tpu.memory_space<hbm>>) target(%dma_start3A_197 : memref<128x16xf32, #tpu.memory_space<vmem>>) offsets(%dma_start3A_200 : memref<128xi32, #tpu.memory_space<vmem>>) semaphore(%arg12 : memref<!tpu.dma_semaphore, #tpu.memory_space<semaphore_mem>>)
    %dma_start3A_204 = arith.constant 16 : i32
    %dma_start3A_205 = arith.constant 16 : i32
    %dma_start3A_206 = arith.constant 0 : i32
    %dma_start3A_207 = arith.constant 0 : i32
    %dma_start3A_208 = tpu.memref_slice %arg9[%dma_start3A_205, %dma_start3A_206, %dma_start3A_207] : memref<50x128x16xf32, #tpu.memory_space<vmem>> -> memref<1x128x16xf32, #tpu.memory_space<vmem>>
    %dma_start3A_209 = tpu.memref_squeeze %dma_start3A_208 : memref<1x128x16xf32, #tpu.memory_space<vmem>> -> memref<128x16xf32, #tpu.memory_space<vmem>>
    %dma_start3A_210 = arith.constant 0 : i32
    %dma_start3A_211 = tpu.memref_slice %arg8[%dma_start3A_204, %dma_start3A_210] : memref<50x128xi32, #tpu.memory_space<vmem>> -> memref<1x128xi32, #tpu.memory_space<vmem>>
    %dma_start3A_212 = tpu.memref_squeeze %dma_start3A_211 : memref<1x128xi32, #tpu.memory_space<vmem>> -> memref<128xi32, #tpu.memory_space<vmem>>
    %dma_start3A_213 = arith.constant 0 : i32
    %dma_start3A_214 = arith.constant 0 : i32
    %dma_start3A_215 = tpu.memref_slice %arg4[%dma_start3A_213, %dma_start3A_214] : memref<1048576x16xf32, #tpu.memory_space<hbm>> -> memref<1048576x16xf32, #tpu.memory_space<hbm>>
    tpu.enqueue_indirect_dma source(%dma_start3A_215 : memref<1048576x16xf32, #tpu.memory_space<hbm>>) target(%dma_start3A_209 : memref<128x16xf32, #tpu.memory_space<vmem>>) offsets(%dma_start3A_212 : memref<128xi32, #tpu.memory_space<vmem>>) semaphore(%arg12 : memref<!tpu.dma_semaphore, #tpu.memory_space<semaphore_mem>>)
    %dma_start3A_216 = arith.constant 17 : i32
    %dma_start3A_217 = arith.constant 17 : i32
    %dma_start3A_218 = arith.constant 0 : i32
    %dma_start3A_219 = arith.constant 0 : i32
    %dma_start3A_220 = tpu.memref_slice %arg9[%dma_start3A_217, %dma_start3A_218, %dma_start3A_219] : memref<50x128x16xf32, #tpu.memory_space<vmem>> -> memref<1x128x16xf32, #tpu.memory_space<vmem>>
    %dma_start3A_221 = tpu.memref_squeeze %dma_start3A_220 : memref<1x128x16xf32, #tpu.memory_space<vmem>> -> memref<128x16xf32, #tpu.memory_space<vmem>>
    %dma_start3A_222 = arith.constant 0 : i32
    %dma_start3A_223 = tpu.memref_slice %arg8[%dma_start3A_216, %dma_start3A_222] : memref<50x128xi32, #tpu.memory_space<vmem>> -> memref<1x128xi32, #tpu.memory_space<vmem>>
    %dma_start3A_224 = tpu.memref_squeeze %dma_start3A_223 : memref<1x128xi32, #tpu.memory_space<vmem>> -> memref<128xi32, #tpu.memory_space<vmem>>
    %dma_start3A_225 = arith.constant 0 : i32
    %dma_start3A_226 = arith.constant 0 : i32
    %dma_start3A_227 = tpu.memref_slice %arg4[%dma_start3A_225, %dma_start3A_226] : memref<1048576x16xf32, #tpu.memory_space<hbm>> -> memref<1048576x16xf32, #tpu.memory_space<hbm>>
    tpu.enqueue_indirect_dma source(%dma_start3A_227 : memref<1048576x16xf32, #tpu.memory_space<hbm>>) target(%dma_start3A_221 : memref<128x16xf32, #tpu.memory_space<vmem>>) offsets(%dma_start3A_224 : memref<128xi32, #tpu.memory_space<vmem>>) semaphore(%arg12 : memref<!tpu.dma_semaphore, #tpu.memory_space<semaphore_mem>>)
    %dma_start3A_228 = arith.constant 18 : i32
    %dma_start3A_229 = arith.constant 18 : i32
    %dma_start3A_230 = arith.constant 0 : i32
    %dma_start3A_231 = arith.constant 0 : i32
    %dma_start3A_232 = tpu.memref_slice %arg9[%dma_start3A_229, %dma_start3A_230, %dma_start3A_231] : memref<50x128x16xf32, #tpu.memory_space<vmem>> -> memref<1x128x16xf32, #tpu.memory_space<vmem>>
    %dma_start3A_233 = tpu.memref_squeeze %dma_start3A_232 : memref<1x128x16xf32, #tpu.memory_space<vmem>> -> memref<128x16xf32, #tpu.memory_space<vmem>>
    %dma_start3A_234 = arith.constant 0 : i32
    %dma_start3A_235 = tpu.memref_slice %arg8[%dma_start3A_228, %dma_start3A_234] : memref<50x128xi32, #tpu.memory_space<vmem>> -> memref<1x128xi32, #tpu.memory_space<vmem>>
    %dma_start3A_236 = tpu.memref_squeeze %dma_start3A_235 : memref<1x128xi32, #tpu.memory_space<vmem>> -> memref<128xi32, #tpu.memory_space<vmem>>
    %dma_start3A_237 = arith.constant 0 : i32
    %dma_start3A_238 = arith.constant 0 : i32
    %dma_start3A_239 = tpu.memref_slice %arg4[%dma_start3A_237, %dma_start3A_238] : memref<1048576x16xf32, #tpu.memory_space<hbm>> -> memref<1048576x16xf32, #tpu.memory_space<hbm>>
    tpu.enqueue_indirect_dma source(%dma_start3A_239 : memref<1048576x16xf32, #tpu.memory_space<hbm>>) target(%dma_start3A_233 : memref<128x16xf32, #tpu.memory_space<vmem>>) offsets(%dma_start3A_236 : memref<128xi32, #tpu.memory_space<vmem>>) semaphore(%arg12 : memref<!tpu.dma_semaphore, #tpu.memory_space<semaphore_mem>>)
    %dma_start3A_240 = arith.constant 19 : i32
    %dma_start3A_241 = arith.constant 19 : i32
    %dma_start3A_242 = arith.constant 0 : i32
    %dma_start3A_243 = arith.constant 0 : i32
    %dma_start3A_244 = tpu.memref_slice %arg9[%dma_start3A_241, %dma_start3A_242, %dma_start3A_243] : memref<50x128x16xf32, #tpu.memory_space<vmem>> -> memref<1x128x16xf32, #tpu.memory_space<vmem>>
    %dma_start3A_245 = tpu.memref_squeeze %dma_start3A_244 : memref<1x128x16xf32, #tpu.memory_space<vmem>> -> memref<128x16xf32, #tpu.memory_space<vmem>>
    %dma_start3A_246 = arith.constant 0 : i32
    %dma_start3A_247 = tpu.memref_slice %arg8[%dma_start3A_240, %dma_start3A_246] : memref<50x128xi32, #tpu.memory_space<vmem>> -> memref<1x128xi32, #tpu.memory_space<vmem>>
    %dma_start3A_248 = tpu.memref_squeeze %dma_start3A_247 : memref<1x128xi32, #tpu.memory_space<vmem>> -> memref<128xi32, #tpu.memory_space<vmem>>
    %dma_start3A_249 = arith.constant 0 : i32
    %dma_start3A_250 = arith.constant 0 : i32
    %dma_start3A_251 = tpu.memref_slice %arg4[%dma_start3A_249, %dma_start3A_250] : memref<1048576x16xf32, #tpu.memory_space<hbm>> -> memref<1048576x16xf32, #tpu.memory_space<hbm>>
    tpu.enqueue_indirect_dma source(%dma_start3A_251 : memref<1048576x16xf32, #tpu.memory_space<hbm>>) target(%dma_start3A_245 : memref<128x16xf32, #tpu.memory_space<vmem>>) offsets(%dma_start3A_248 : memref<128xi32, #tpu.memory_space<vmem>>) semaphore(%arg12 : memref<!tpu.dma_semaphore, #tpu.memory_space<semaphore_mem>>)
    %dma_start3A_252 = arith.constant 20 : i32
    %dma_start3A_253 = arith.constant 20 : i32
    %dma_start3A_254 = arith.constant 0 : i32
    %dma_start3A_255 = arith.constant 0 : i32
    %dma_start3A_256 = tpu.memref_slice %arg9[%dma_start3A_253, %dma_start3A_254, %dma_start3A_255] : memref<50x128x16xf32, #tpu.memory_space<vmem>> -> memref<1x128x16xf32, #tpu.memory_space<vmem>>
    %dma_start3A_257 = tpu.memref_squeeze %dma_start3A_256 : memref<1x128x16xf32, #tpu.memory_space<vmem>> -> memref<128x16xf32, #tpu.memory_space<vmem>>
    %dma_start3A_258 = arith.constant 0 : i32
    %dma_start3A_259 = tpu.memref_slice %arg8[%dma_start3A_252, %dma_start3A_258] : memref<50x128xi32, #tpu.memory_space<vmem>> -> memref<1x128xi32, #tpu.memory_space<vmem>>
    %dma_start3A_260 = tpu.memref_squeeze %dma_start3A_259 : memref<1x128xi32, #tpu.memory_space<vmem>> -> memref<128xi32, #tpu.memory_space<vmem>>
    %dma_start3A_261 = arith.constant 0 : i32
    %dma_start3A_262 = arith.constant 0 : i32
    %dma_start3A_263 = tpu.memref_slice %arg4[%dma_start3A_261, %dma_start3A_262] : memref<1048576x16xf32, #tpu.memory_space<hbm>> -> memref<1048576x16xf32, #tpu.memory_space<hbm>>
    tpu.enqueue_indirect_dma source(%dma_start3A_263 : memref<1048576x16xf32, #tpu.memory_space<hbm>>) target(%dma_start3A_257 : memref<128x16xf32, #tpu.memory_space<vmem>>) offsets(%dma_start3A_260 : memref<128xi32, #tpu.memory_space<vmem>>) semaphore(%arg12 : memref<!tpu.dma_semaphore, #tpu.memory_space<semaphore_mem>>)
    %dma_start3A_264 = arith.constant 21 : i32
    %dma_start3A_265 = arith.constant 21 : i32
    %dma_start3A_266 = arith.constant 0 : i32
    %dma_start3A_267 = arith.constant 0 : i32
    %dma_start3A_268 = tpu.memref_slice %arg9[%dma_start3A_265, %dma_start3A_266, %dma_start3A_267] : memref<50x128x16xf32, #tpu.memory_space<vmem>> -> memref<1x128x16xf32, #tpu.memory_space<vmem>>
    %dma_start3A_269 = tpu.memref_squeeze %dma_start3A_268 : memref<1x128x16xf32, #tpu.memory_space<vmem>> -> memref<128x16xf32, #tpu.memory_space<vmem>>
    %dma_start3A_270 = arith.constant 0 : i32
    %dma_start3A_271 = tpu.memref_slice %arg8[%dma_start3A_264, %dma_start3A_270] : memref<50x128xi32, #tpu.memory_space<vmem>> -> memref<1x128xi32, #tpu.memory_space<vmem>>
    %dma_start3A_272 = tpu.memref_squeeze %dma_start3A_271 : memref<1x128xi32, #tpu.memory_space<vmem>> -> memref<128xi32, #tpu.memory_space<vmem>>
    %dma_start3A_273 = arith.constant 0 : i32
    %dma_start3A_274 = arith.constant 0 : i32
    %dma_start3A_275 = tpu.memref_slice %arg4[%dma_start3A_273, %dma_start3A_274] : memref<1048576x16xf32, #tpu.memory_space<hbm>> -> memref<1048576x16xf32, #tpu.memory_space<hbm>>
    tpu.enqueue_indirect_dma source(%dma_start3A_275 : memref<1048576x16xf32, #tpu.memory_space<hbm>>) target(%dma_start3A_269 : memref<128x16xf32, #tpu.memory_space<vmem>>) offsets(%dma_start3A_272 : memref<128xi32, #tpu.memory_space<vmem>>) semaphore(%arg12 : memref<!tpu.dma_semaphore, #tpu.memory_space<semaphore_mem>>)
    %dma_start3A_276 = arith.constant 22 : i32
    %dma_start3A_277 = arith.constant 22 : i32
    %dma_start3A_278 = arith.constant 0 : i32
    %dma_start3A_279 = arith.constant 0 : i32
    %dma_start3A_280 = tpu.memref_slice %arg9[%dma_start3A_277, %dma_start3A_278, %dma_start3A_279] : memref<50x128x16xf32, #tpu.memory_space<vmem>> -> memref<1x128x16xf32, #tpu.memory_space<vmem>>
    %dma_start3A_281 = tpu.memref_squeeze %dma_start3A_280 : memref<1x128x16xf32, #tpu.memory_space<vmem>> -> memref<128x16xf32, #tpu.memory_space<vmem>>
    %dma_start3A_282 = arith.constant 0 : i32
    %dma_start3A_283 = tpu.memref_slice %arg8[%dma_start3A_276, %dma_start3A_282] : memref<50x128xi32, #tpu.memory_space<vmem>> -> memref<1x128xi32, #tpu.memory_space<vmem>>
    %dma_start3A_284 = tpu.memref_squeeze %dma_start3A_283 : memref<1x128xi32, #tpu.memory_space<vmem>> -> memref<128xi32, #tpu.memory_space<vmem>>
    %dma_start3A_285 = arith.constant 0 : i32
    %dma_start3A_286 = arith.constant 0 : i32
    %dma_start3A_287 = tpu.memref_slice %arg4[%dma_start3A_285, %dma_start3A_286] : memref<1048576x16xf32, #tpu.memory_space<hbm>> -> memref<1048576x16xf32, #tpu.memory_space<hbm>>
    tpu.enqueue_indirect_dma source(%dma_start3A_287 : memref<1048576x16xf32, #tpu.memory_space<hbm>>) target(%dma_start3A_281 : memref<128x16xf32, #tpu.memory_space<vmem>>) offsets(%dma_start3A_284 : memref<128xi32, #tpu.memory_space<vmem>>) semaphore(%arg12 : memref<!tpu.dma_semaphore, #tpu.memory_space<semaphore_mem>>)
    %dma_start3A_288 = arith.constant 23 : i32
    %dma_start3A_289 = arith.constant 23 : i32
    %dma_start3A_290 = arith.constant 0 : i32
    %dma_start3A_291 = arith.constant 0 : i32
    %dma_start3A_292 = tpu.memref_slice %arg9[%dma_start3A_289, %dma_start3A_290, %dma_start3A_291] : memref<50x128x16xf32, #tpu.memory_space<vmem>> -> memref<1x128x16xf32, #tpu.memory_space<vmem>>
    %dma_start3A_293 = tpu.memref_squeeze %dma_start3A_292 : memref<1x128x16xf32, #tpu.memory_space<vmem>> -> memref<128x16xf32, #tpu.memory_space<vmem>>
    %dma_start3A_294 = arith.constant 0 : i32
    %dma_start3A_295 = tpu.memref_slice %arg8[%dma_start3A_288, %dma_start3A_294] : memref<50x128xi32, #tpu.memory_space<vmem>> -> memref<1x128xi32, #tpu.memory_space<vmem>>
    %dma_start3A_296 = tpu.memref_squeeze %dma_start3A_295 : memref<1x128xi32, #tpu.memory_space<vmem>> -> memref<128xi32, #tpu.memory_space<vmem>>
    %dma_start3A_297 = arith.constant 0 : i32
    %dma_start3A_298 = arith.constant 0 : i32
    %dma_start3A_299 = tpu.memref_slice %arg4[%dma_start3A_297, %dma_start3A_298] : memref<1048576x16xf32, #tpu.memory_space<hbm>> -> memref<1048576x16xf32, #tpu.memory_space<hbm>>
    tpu.enqueue_indirect_dma source(%dma_start3A_299 : memref<1048576x16xf32, #tpu.memory_space<hbm>>) target(%dma_start3A_293 : memref<128x16xf32, #tpu.memory_space<vmem>>) offsets(%dma_start3A_296 : memref<128xi32, #tpu.memory_space<vmem>>) semaphore(%arg12 : memref<!tpu.dma_semaphore, #tpu.memory_space<semaphore_mem>>)
    %dma_start3A_300 = arith.constant 24 : i32
    %dma_start3A_301 = arith.constant 24 : i32
    %dma_start3A_302 = arith.constant 0 : i32
    %dma_start3A_303 = arith.constant 0 : i32
    %dma_start3A_304 = tpu.memref_slice %arg9[%dma_start3A_301, %dma_start3A_302, %dma_start3A_303] : memref<50x128x16xf32, #tpu.memory_space<vmem>> -> memref<1x128x16xf32, #tpu.memory_space<vmem>>
    %dma_start3A_305 = tpu.memref_squeeze %dma_start3A_304 : memref<1x128x16xf32, #tpu.memory_space<vmem>> -> memref<128x16xf32, #tpu.memory_space<vmem>>
    %dma_start3A_306 = arith.constant 0 : i32
    %dma_start3A_307 = tpu.memref_slice %arg8[%dma_start3A_300, %dma_start3A_306] : memref<50x128xi32, #tpu.memory_space<vmem>> -> memref<1x128xi32, #tpu.memory_space<vmem>>
    %dma_start3A_308 = tpu.memref_squeeze %dma_start3A_307 : memref<1x128xi32, #tpu.memory_space<vmem>> -> memref<128xi32, #tpu.memory_space<vmem>>
    %dma_start3A_309 = arith.constant 0 : i32
    %dma_start3A_310 = arith.constant 0 : i32
    %dma_start3A_311 = tpu.memref_slice %arg4[%dma_start3A_309, %dma_start3A_310] : memref<1048576x16xf32, #tpu.memory_space<hbm>> -> memref<1048576x16xf32, #tpu.memory_space<hbm>>
    tpu.enqueue_indirect_dma source(%dma_start3A_311 : memref<1048576x16xf32, #tpu.memory_space<hbm>>) target(%dma_start3A_305 : memref<128x16xf32, #tpu.memory_space<vmem>>) offsets(%dma_start3A_308 : memref<128xi32, #tpu.memory_space<vmem>>) semaphore(%arg12 : memref<!tpu.dma_semaphore, #tpu.memory_space<semaphore_mem>>)
    %dma_start3A_312 = arith.constant 25 : i32
    %dma_start3A_313 = arith.constant 25 : i32
    %dma_start3A_314 = arith.constant 0 : i32
    %dma_start3A_315 = arith.constant 0 : i32
    %dma_start3A_316 = tpu.memref_slice %arg9[%dma_start3A_313, %dma_start3A_314, %dma_start3A_315] : memref<50x128x16xf32, #tpu.memory_space<vmem>> -> memref<1x128x16xf32, #tpu.memory_space<vmem>>
    %dma_start3A_317 = tpu.memref_squeeze %dma_start3A_316 : memref<1x128x16xf32, #tpu.memory_space<vmem>> -> memref<128x16xf32, #tpu.memory_space<vmem>>
    %dma_start3A_318 = arith.constant 0 : i32
    %dma_start3A_319 = tpu.memref_slice %arg8[%dma_start3A_312, %dma_start3A_318] : memref<50x128xi32, #tpu.memory_space<vmem>> -> memref<1x128xi32, #tpu.memory_space<vmem>>
    %dma_start3A_320 = tpu.memref_squeeze %dma_start3A_319 : memref<1x128xi32, #tpu.memory_space<vmem>> -> memref<128xi32, #tpu.memory_space<vmem>>
    %dma_start3A_321 = arith.constant 0 : i32
    %dma_start3A_322 = arith.constant 0 : i32
    %dma_start3A_323 = tpu.memref_slice %arg4[%dma_start3A_321, %dma_start3A_322] : memref<1048576x16xf32, #tpu.memory_space<hbm>> -> memref<1048576x16xf32, #tpu.memory_space<hbm>>
    tpu.enqueue_indirect_dma source(%dma_start3A_323 : memref<1048576x16xf32, #tpu.memory_space<hbm>>) target(%dma_start3A_317 : memref<128x16xf32, #tpu.memory_space<vmem>>) offsets(%dma_start3A_320 : memref<128xi32, #tpu.memory_space<vmem>>) semaphore(%arg12 : memref<!tpu.dma_semaphore, #tpu.memory_space<semaphore_mem>>)
    %dma_start3A_324 = arith.constant 26 : i32
    %dma_start3A_325 = arith.constant 26 : i32
    %dma_start3A_326 = arith.constant 0 : i32
    %dma_start3A_327 = arith.constant 0 : i32
    %dma_start3A_328 = tpu.memref_slice %arg9[%dma_start3A_325, %dma_start3A_326, %dma_start3A_327] : memref<50x128x16xf32, #tpu.memory_space<vmem>> -> memref<1x128x16xf32, #tpu.memory_space<vmem>>
    %dma_start3A_329 = tpu.memref_squeeze %dma_start3A_328 : memref<1x128x16xf32, #tpu.memory_space<vmem>> -> memref<128x16xf32, #tpu.memory_space<vmem>>
    %dma_start3A_330 = arith.constant 0 : i32
    %dma_start3A_331 = tpu.memref_slice %arg8[%dma_start3A_324, %dma_start3A_330] : memref<50x128xi32, #tpu.memory_space<vmem>> -> memref<1x128xi32, #tpu.memory_space<vmem>>
    %dma_start3A_332 = tpu.memref_squeeze %dma_start3A_331 : memref<1x128xi32, #tpu.memory_space<vmem>> -> memref<128xi32, #tpu.memory_space<vmem>>
    %dma_start3A_333 = arith.constant 0 : i32
    %dma_start3A_334 = arith.constant 0 : i32
    %dma_start3A_335 = tpu.memref_slice %arg4[%dma_start3A_333, %dma_start3A_334] : memref<1048576x16xf32, #tpu.memory_space<hbm>> -> memref<1048576x16xf32, #tpu.memory_space<hbm>>
    tpu.enqueue_indirect_dma source(%dma_start3A_335 : memref<1048576x16xf32, #tpu.memory_space<hbm>>) target(%dma_start3A_329 : memref<128x16xf32, #tpu.memory_space<vmem>>) offsets(%dma_start3A_332 : memref<128xi32, #tpu.memory_space<vmem>>) semaphore(%arg12 : memref<!tpu.dma_semaphore, #tpu.memory_space<semaphore_mem>>)
    %dma_start3A_336 = arith.constant 27 : i32
    %dma_start3A_337 = arith.constant 27 : i32
    %dma_start3A_338 = arith.constant 0 : i32
    %dma_start3A_339 = arith.constant 0 : i32
    %dma_start3A_340 = tpu.memref_slice %arg9[%dma_start3A_337, %dma_start3A_338, %dma_start3A_339] : memref<50x128x16xf32, #tpu.memory_space<vmem>> -> memref<1x128x16xf32, #tpu.memory_space<vmem>>
    %dma_start3A_341 = tpu.memref_squeeze %dma_start3A_340 : memref<1x128x16xf32, #tpu.memory_space<vmem>> -> memref<128x16xf32, #tpu.memory_space<vmem>>
    %dma_start3A_342 = arith.constant 0 : i32
    %dma_start3A_343 = tpu.memref_slice %arg8[%dma_start3A_336, %dma_start3A_342] : memref<50x128xi32, #tpu.memory_space<vmem>> -> memref<1x128xi32, #tpu.memory_space<vmem>>
    %dma_start3A_344 = tpu.memref_squeeze %dma_start3A_343 : memref<1x128xi32, #tpu.memory_space<vmem>> -> memref<128xi32, #tpu.memory_space<vmem>>
    %dma_start3A_345 = arith.constant 0 : i32
    %dma_start3A_346 = arith.constant 0 : i32
    %dma_start3A_347 = tpu.memref_slice %arg4[%dma_start3A_345, %dma_start3A_346] : memref<1048576x16xf32, #tpu.memory_space<hbm>> -> memref<1048576x16xf32, #tpu.memory_space<hbm>>
    tpu.enqueue_indirect_dma source(%dma_start3A_347 : memref<1048576x16xf32, #tpu.memory_space<hbm>>) target(%dma_start3A_341 : memref<128x16xf32, #tpu.memory_space<vmem>>) offsets(%dma_start3A_344 : memref<128xi32, #tpu.memory_space<vmem>>) semaphore(%arg12 : memref<!tpu.dma_semaphore, #tpu.memory_space<semaphore_mem>>)
    %dma_start3A_348 = arith.constant 28 : i32
    %dma_start3A_349 = arith.constant 28 : i32
    %dma_start3A_350 = arith.constant 0 : i32
    %dma_start3A_351 = arith.constant 0 : i32
    %dma_start3A_352 = tpu.memref_slice %arg9[%dma_start3A_349, %dma_start3A_350, %dma_start3A_351] : memref<50x128x16xf32, #tpu.memory_space<vmem>> -> memref<1x128x16xf32, #tpu.memory_space<vmem>>
    %dma_start3A_353 = tpu.memref_squeeze %dma_start3A_352 : memref<1x128x16xf32, #tpu.memory_space<vmem>> -> memref<128x16xf32, #tpu.memory_space<vmem>>
    %dma_start3A_354 = arith.constant 0 : i32
    %dma_start3A_355 = tpu.memref_slice %arg8[%dma_start3A_348, %dma_start3A_354] : memref<50x128xi32, #tpu.memory_space<vmem>> -> memref<1x128xi32, #tpu.memory_space<vmem>>
    %dma_start3A_356 = tpu.memref_squeeze %dma_start3A_355 : memref<1x128xi32, #tpu.memory_space<vmem>> -> memref<128xi32, #tpu.memory_space<vmem>>
    %dma_start3A_357 = arith.constant 0 : i32
    %dma_start3A_358 = arith.constant 0 : i32
    %dma_start3A_359 = tpu.memref_slice %arg4[%dma_start3A_357, %dma_start3A_358] : memref<1048576x16xf32, #tpu.memory_space<hbm>> -> memref<1048576x16xf32, #tpu.memory_space<hbm>>
    tpu.enqueue_indirect_dma source(%dma_start3A_359 : memref<1048576x16xf32, #tpu.memory_space<hbm>>) target(%dma_start3A_353 : memref<128x16xf32, #tpu.memory_space<vmem>>) offsets(%dma_start3A_356 : memref<128xi32, #tpu.memory_space<vmem>>) semaphore(%arg12 : memref<!tpu.dma_semaphore, #tpu.memory_space<semaphore_mem>>)
    %dma_start3A_360 = arith.constant 29 : i32
    %dma_start3A_361 = arith.constant 29 : i32
    %dma_start3A_362 = arith.constant 0 : i32
    %dma_start3A_363 = arith.constant 0 : i32
    %dma_start3A_364 = tpu.memref_slice %arg9[%dma_start3A_361, %dma_start3A_362, %dma_start3A_363] : memref<50x128x16xf32, #tpu.memory_space<vmem>> -> memref<1x128x16xf32, #tpu.memory_space<vmem>>
    %dma_start3A_365 = tpu.memref_squeeze %dma_start3A_364 : memref<1x128x16xf32, #tpu.memory_space<vmem>> -> memref<128x16xf32, #tpu.memory_space<vmem>>
    %dma_start3A_366 = arith.constant 0 : i32
    %dma_start3A_367 = tpu.memref_slice %arg8[%dma_start3A_360, %dma_start3A_366] : memref<50x128xi32, #tpu.memory_space<vmem>> -> memref<1x128xi32, #tpu.memory_space<vmem>>
    %dma_start3A_368 = tpu.memref_squeeze %dma_start3A_367 : memref<1x128xi32, #tpu.memory_space<vmem>> -> memref<128xi32, #tpu.memory_space<vmem>>
    %dma_start3A_369 = arith.constant 0 : i32
    %dma_start3A_370 = arith.constant 0 : i32
    %dma_start3A_371 = tpu.memref_slice %arg4[%dma_start3A_369, %dma_start3A_370] : memref<1048576x16xf32, #tpu.memory_space<hbm>> -> memref<1048576x16xf32, #tpu.memory_space<hbm>>
    tpu.enqueue_indirect_dma source(%dma_start3A_371 : memref<1048576x16xf32, #tpu.memory_space<hbm>>) target(%dma_start3A_365 : memref<128x16xf32, #tpu.memory_space<vmem>>) offsets(%dma_start3A_368 : memref<128xi32, #tpu.memory_space<vmem>>) semaphore(%arg12 : memref<!tpu.dma_semaphore, #tpu.memory_space<semaphore_mem>>)
    %dma_start3A_372 = arith.constant 30 : i32
    %dma_start3A_373 = arith.constant 30 : i32
    %dma_start3A_374 = arith.constant 0 : i32
    %dma_start3A_375 = arith.constant 0 : i32
    %dma_start3A_376 = tpu.memref_slice %arg9[%dma_start3A_373, %dma_start3A_374, %dma_start3A_375] : memref<50x128x16xf32, #tpu.memory_space<vmem>> -> memref<1x128x16xf32, #tpu.memory_space<vmem>>
    %dma_start3A_377 = tpu.memref_squeeze %dma_start3A_376 : memref<1x128x16xf32, #tpu.memory_space<vmem>> -> memref<128x16xf32, #tpu.memory_space<vmem>>
    %dma_start3A_378 = arith.constant 0 : i32
    %dma_start3A_379 = tpu.memref_slice %arg8[%dma_start3A_372, %dma_start3A_378] : memref<50x128xi32, #tpu.memory_space<vmem>> -> memref<1x128xi32, #tpu.memory_space<vmem>>
    %dma_start3A_380 = tpu.memref_squeeze %dma_start3A_379 : memref<1x128xi32, #tpu.memory_space<vmem>> -> memref<128xi32, #tpu.memory_space<vmem>>
    %dma_start3A_381 = arith.constant 0 : i32
    %dma_start3A_382 = arith.constant 0 : i32
    %dma_start3A_383 = tpu.memref_slice %arg4[%dma_start3A_381, %dma_start3A_382] : memref<1048576x16xf32, #tpu.memory_space<hbm>> -> memref<1048576x16xf32, #tpu.memory_space<hbm>>
    tpu.enqueue_indirect_dma source(%dma_start3A_383 : memref<1048576x16xf32, #tpu.memory_space<hbm>>) target(%dma_start3A_377 : memref<128x16xf32, #tpu.memory_space<vmem>>) offsets(%dma_start3A_380 : memref<128xi32, #tpu.memory_space<vmem>>) semaphore(%arg12 : memref<!tpu.dma_semaphore, #tpu.memory_space<semaphore_mem>>)
    %dma_start3A_384 = arith.constant 31 : i32
    %dma_start3A_385 = arith.constant 31 : i32
    %dma_start3A_386 = arith.constant 0 : i32
    %dma_start3A_387 = arith.constant 0 : i32
    %dma_start3A_388 = tpu.memref_slice %arg9[%dma_start3A_385, %dma_start3A_386, %dma_start3A_387] : memref<50x128x16xf32, #tpu.memory_space<vmem>> -> memref<1x128x16xf32, #tpu.memory_space<vmem>>
    %dma_start3A_389 = tpu.memref_squeeze %dma_start3A_388 : memref<1x128x16xf32, #tpu.memory_space<vmem>> -> memref<128x16xf32, #tpu.memory_space<vmem>>
    %dma_start3A_390 = arith.constant 0 : i32
    %dma_start3A_391 = tpu.memref_slice %arg8[%dma_start3A_384, %dma_start3A_390] : memref<50x128xi32, #tpu.memory_space<vmem>> -> memref<1x128xi32, #tpu.memory_space<vmem>>
    %dma_start3A_392 = tpu.memref_squeeze %dma_start3A_391 : memref<1x128xi32, #tpu.memory_space<vmem>> -> memref<128xi32, #tpu.memory_space<vmem>>
    %dma_start3A_393 = arith.constant 0 : i32
    %dma_start3A_394 = arith.constant 0 : i32
    %dma_start3A_395 = tpu.memref_slice %arg4[%dma_start3A_393, %dma_start3A_394] : memref<1048576x16xf32, #tpu.memory_space<hbm>> -> memref<1048576x16xf32, #tpu.memory_space<hbm>>
    tpu.enqueue_indirect_dma source(%dma_start3A_395 : memref<1048576x16xf32, #tpu.memory_space<hbm>>) target(%dma_start3A_389 : memref<128x16xf32, #tpu.memory_space<vmem>>) offsets(%dma_start3A_392 : memref<128xi32, #tpu.memory_space<vmem>>) semaphore(%arg12 : memref<!tpu.dma_semaphore, #tpu.memory_space<semaphore_mem>>)
    %dma_start3A_396 = arith.constant 32 : i32
    %dma_start3A_397 = arith.constant 32 : i32
    %dma_start3A_398 = arith.constant 0 : i32
    %dma_start3A_399 = arith.constant 0 : i32
    %dma_start3A_400 = tpu.memref_slice %arg9[%dma_start3A_397, %dma_start3A_398, %dma_start3A_399] : memref<50x128x16xf32, #tpu.memory_space<vmem>> -> memref<1x128x16xf32, #tpu.memory_space<vmem>>
    %dma_start3A_401 = tpu.memref_squeeze %dma_start3A_400 : memref<1x128x16xf32, #tpu.memory_space<vmem>> -> memref<128x16xf32, #tpu.memory_space<vmem>>
    %dma_start3A_402 = arith.constant 0 : i32
    %dma_start3A_403 = tpu.memref_slice %arg8[%dma_start3A_396, %dma_start3A_402] : memref<50x128xi32, #tpu.memory_space<vmem>> -> memref<1x128xi32, #tpu.memory_space<vmem>>
    %dma_start3A_404 = tpu.memref_squeeze %dma_start3A_403 : memref<1x128xi32, #tpu.memory_space<vmem>> -> memref<128xi32, #tpu.memory_space<vmem>>
    %dma_start3A_405 = arith.constant 0 : i32
    %dma_start3A_406 = arith.constant 0 : i32
    %dma_start3A_407 = tpu.memref_slice %arg4[%dma_start3A_405, %dma_start3A_406] : memref<1048576x16xf32, #tpu.memory_space<hbm>> -> memref<1048576x16xf32, #tpu.memory_space<hbm>>
    tpu.enqueue_indirect_dma source(%dma_start3A_407 : memref<1048576x16xf32, #tpu.memory_space<hbm>>) target(%dma_start3A_401 : memref<128x16xf32, #tpu.memory_space<vmem>>) offsets(%dma_start3A_404 : memref<128xi32, #tpu.memory_space<vmem>>) semaphore(%arg12 : memref<!tpu.dma_semaphore, #tpu.memory_space<semaphore_mem>>)
    %dma_start3A_408 = arith.constant 33 : i32
    %dma_start3A_409 = arith.constant 33 : i32
    %dma_start3A_410 = arith.constant 0 : i32
    %dma_start3A_411 = arith.constant 0 : i32
    %dma_start3A_412 = tpu.memref_slice %arg9[%dma_start3A_409, %dma_start3A_410, %dma_start3A_411] : memref<50x128x16xf32, #tpu.memory_space<vmem>> -> memref<1x128x16xf32, #tpu.memory_space<vmem>>
    %dma_start3A_413 = tpu.memref_squeeze %dma_start3A_412 : memref<1x128x16xf32, #tpu.memory_space<vmem>> -> memref<128x16xf32, #tpu.memory_space<vmem>>
    %dma_start3A_414 = arith.constant 0 : i32
    %dma_start3A_415 = tpu.memref_slice %arg8[%dma_start3A_408, %dma_start3A_414] : memref<50x128xi32, #tpu.memory_space<vmem>> -> memref<1x128xi32, #tpu.memory_space<vmem>>
    %dma_start3A_416 = tpu.memref_squeeze %dma_start3A_415 : memref<1x128xi32, #tpu.memory_space<vmem>> -> memref<128xi32, #tpu.memory_space<vmem>>
    %dma_start3A_417 = arith.constant 0 : i32
    %dma_start3A_418 = arith.constant 0 : i32
    %dma_start3A_419 = tpu.memref_slice %arg4[%dma_start3A_417, %dma_start3A_418] : memref<1048576x16xf32, #tpu.memory_space<hbm>> -> memref<1048576x16xf32, #tpu.memory_space<hbm>>
    tpu.enqueue_indirect_dma source(%dma_start3A_419 : memref<1048576x16xf32, #tpu.memory_space<hbm>>) target(%dma_start3A_413 : memref<128x16xf32, #tpu.memory_space<vmem>>) offsets(%dma_start3A_416 : memref<128xi32, #tpu.memory_space<vmem>>) semaphore(%arg12 : memref<!tpu.dma_semaphore, #tpu.memory_space<semaphore_mem>>)
    %dma_start3A_420 = arith.constant 34 : i32
    %dma_start3A_421 = arith.constant 34 : i32
    %dma_start3A_422 = arith.constant 0 : i32
    %dma_start3A_423 = arith.constant 0 : i32
    %dma_start3A_424 = tpu.memref_slice %arg9[%dma_start3A_421, %dma_start3A_422, %dma_start3A_423] : memref<50x128x16xf32, #tpu.memory_space<vmem>> -> memref<1x128x16xf32, #tpu.memory_space<vmem>>
    %dma_start3A_425 = tpu.memref_squeeze %dma_start3A_424 : memref<1x128x16xf32, #tpu.memory_space<vmem>> -> memref<128x16xf32, #tpu.memory_space<vmem>>
    %dma_start3A_426 = arith.constant 0 : i32
    %dma_start3A_427 = tpu.memref_slice %arg8[%dma_start3A_420, %dma_start3A_426] : memref<50x128xi32, #tpu.memory_space<vmem>> -> memref<1x128xi32, #tpu.memory_space<vmem>>
    %dma_start3A_428 = tpu.memref_squeeze %dma_start3A_427 : memref<1x128xi32, #tpu.memory_space<vmem>> -> memref<128xi32, #tpu.memory_space<vmem>>
    %dma_start3A_429 = arith.constant 0 : i32
    %dma_start3A_430 = arith.constant 0 : i32
    %dma_start3A_431 = tpu.memref_slice %arg4[%dma_start3A_429, %dma_start3A_430] : memref<1048576x16xf32, #tpu.memory_space<hbm>> -> memref<1048576x16xf32, #tpu.memory_space<hbm>>
    tpu.enqueue_indirect_dma source(%dma_start3A_431 : memref<1048576x16xf32, #tpu.memory_space<hbm>>) target(%dma_start3A_425 : memref<128x16xf32, #tpu.memory_space<vmem>>) offsets(%dma_start3A_428 : memref<128xi32, #tpu.memory_space<vmem>>) semaphore(%arg12 : memref<!tpu.dma_semaphore, #tpu.memory_space<semaphore_mem>>)
    %dma_start3A_432 = arith.constant 35 : i32
    %dma_start3A_433 = arith.constant 35 : i32
    %dma_start3A_434 = arith.constant 0 : i32
    %dma_start3A_435 = arith.constant 0 : i32
    %dma_start3A_436 = tpu.memref_slice %arg9[%dma_start3A_433, %dma_start3A_434, %dma_start3A_435] : memref<50x128x16xf32, #tpu.memory_space<vmem>> -> memref<1x128x16xf32, #tpu.memory_space<vmem>>
    %dma_start3A_437 = tpu.memref_squeeze %dma_start3A_436 : memref<1x128x16xf32, #tpu.memory_space<vmem>> -> memref<128x16xf32, #tpu.memory_space<vmem>>
    %dma_start3A_438 = arith.constant 0 : i32
    %dma_start3A_439 = tpu.memref_slice %arg8[%dma_start3A_432, %dma_start3A_438] : memref<50x128xi32, #tpu.memory_space<vmem>> -> memref<1x128xi32, #tpu.memory_space<vmem>>
    %dma_start3A_440 = tpu.memref_squeeze %dma_start3A_439 : memref<1x128xi32, #tpu.memory_space<vmem>> -> memref<128xi32, #tpu.memory_space<vmem>>
    %dma_start3A_441 = arith.constant 0 : i32
    %dma_start3A_442 = arith.constant 0 : i32
    %dma_start3A_443 = tpu.memref_slice %arg4[%dma_start3A_441, %dma_start3A_442] : memref<1048576x16xf32, #tpu.memory_space<hbm>> -> memref<1048576x16xf32, #tpu.memory_space<hbm>>
    tpu.enqueue_indirect_dma source(%dma_start3A_443 : memref<1048576x16xf32, #tpu.memory_space<hbm>>) target(%dma_start3A_437 : memref<128x16xf32, #tpu.memory_space<vmem>>) offsets(%dma_start3A_440 : memref<128xi32, #tpu.memory_space<vmem>>) semaphore(%arg12 : memref<!tpu.dma_semaphore, #tpu.memory_space<semaphore_mem>>)
    %dma_start3A_444 = arith.constant 36 : i32
    %dma_start3A_445 = arith.constant 36 : i32
    %dma_start3A_446 = arith.constant 0 : i32
    %dma_start3A_447 = arith.constant 0 : i32
    %dma_start3A_448 = tpu.memref_slice %arg9[%dma_start3A_445, %dma_start3A_446, %dma_start3A_447] : memref<50x128x16xf32, #tpu.memory_space<vmem>> -> memref<1x128x16xf32, #tpu.memory_space<vmem>>
    %dma_start3A_449 = tpu.memref_squeeze %dma_start3A_448 : memref<1x128x16xf32, #tpu.memory_space<vmem>> -> memref<128x16xf32, #tpu.memory_space<vmem>>
    %dma_start3A_450 = arith.constant 0 : i32
    %dma_start3A_451 = tpu.memref_slice %arg8[%dma_start3A_444, %dma_start3A_450] : memref<50x128xi32, #tpu.memory_space<vmem>> -> memref<1x128xi32, #tpu.memory_space<vmem>>
    %dma_start3A_452 = tpu.memref_squeeze %dma_start3A_451 : memref<1x128xi32, #tpu.memory_space<vmem>> -> memref<128xi32, #tpu.memory_space<vmem>>
    %dma_start3A_453 = arith.constant 0 : i32
    %dma_start3A_454 = arith.constant 0 : i32
    %dma_start3A_455 = tpu.memref_slice %arg4[%dma_start3A_453, %dma_start3A_454] : memref<1048576x16xf32, #tpu.memory_space<hbm>> -> memref<1048576x16xf32, #tpu.memory_space<hbm>>
    tpu.enqueue_indirect_dma source(%dma_start3A_455 : memref<1048576x16xf32, #tpu.memory_space<hbm>>) target(%dma_start3A_449 : memref<128x16xf32, #tpu.memory_space<vmem>>) offsets(%dma_start3A_452 : memref<128xi32, #tpu.memory_space<vmem>>) semaphore(%arg12 : memref<!tpu.dma_semaphore, #tpu.memory_space<semaphore_mem>>)
    %dma_start3A_456 = arith.constant 37 : i32
    %dma_start3A_457 = arith.constant 37 : i32
    %dma_start3A_458 = arith.constant 0 : i32
    %dma_start3A_459 = arith.constant 0 : i32
    %dma_start3A_460 = tpu.memref_slice %arg9[%dma_start3A_457, %dma_start3A_458, %dma_start3A_459] : memref<50x128x16xf32, #tpu.memory_space<vmem>> -> memref<1x128x16xf32, #tpu.memory_space<vmem>>
    %dma_start3A_461 = tpu.memref_squeeze %dma_start3A_460 : memref<1x128x16xf32, #tpu.memory_space<vmem>> -> memref<128x16xf32, #tpu.memory_space<vmem>>
    %dma_start3A_462 = arith.constant 0 : i32
    %dma_start3A_463 = tpu.memref_slice %arg8[%dma_start3A_456, %dma_start3A_462] : memref<50x128xi32, #tpu.memory_space<vmem>> -> memref<1x128xi32, #tpu.memory_space<vmem>>
    %dma_start3A_464 = tpu.memref_squeeze %dma_start3A_463 : memref<1x128xi32, #tpu.memory_space<vmem>> -> memref<128xi32, #tpu.memory_space<vmem>>
    %dma_start3A_465 = arith.constant 0 : i32
    %dma_start3A_466 = arith.constant 0 : i32
    %dma_start3A_467 = tpu.memref_slice %arg4[%dma_start3A_465, %dma_start3A_466] : memref<1048576x16xf32, #tpu.memory_space<hbm>> -> memref<1048576x16xf32, #tpu.memory_space<hbm>>
    tpu.enqueue_indirect_dma source(%dma_start3A_467 : memref<1048576x16xf32, #tpu.memory_space<hbm>>) target(%dma_start3A_461 : memref<128x16xf32, #tpu.memory_space<vmem>>) offsets(%dma_start3A_464 : memref<128xi32, #tpu.memory_space<vmem>>) semaphore(%arg12 : memref<!tpu.dma_semaphore, #tpu.memory_space<semaphore_mem>>)
    %dma_start3A_468 = arith.constant 38 : i32
    %dma_start3A_469 = arith.constant 38 : i32
    %dma_start3A_470 = arith.constant 0 : i32
    %dma_start3A_471 = arith.constant 0 : i32
    %dma_start3A_472 = tpu.memref_slice %arg9[%dma_start3A_469, %dma_start3A_470, %dma_start3A_471] : memref<50x128x16xf32, #tpu.memory_space<vmem>> -> memref<1x128x16xf32, #tpu.memory_space<vmem>>
    %dma_start3A_473 = tpu.memref_squeeze %dma_start3A_472 : memref<1x128x16xf32, #tpu.memory_space<vmem>> -> memref<128x16xf32, #tpu.memory_space<vmem>>
    %dma_start3A_474 = arith.constant 0 : i32
    %dma_start3A_475 = tpu.memref_slice %arg8[%dma_start3A_468, %dma_start3A_474] : memref<50x128xi32, #tpu.memory_space<vmem>> -> memref<1x128xi32, #tpu.memory_space<vmem>>
    %dma_start3A_476 = tpu.memref_squeeze %dma_start3A_475 : memref<1x128xi32, #tpu.memory_space<vmem>> -> memref<128xi32, #tpu.memory_space<vmem>>
    %dma_start3A_477 = arith.constant 0 : i32
    %dma_start3A_478 = arith.constant 0 : i32
    %dma_start3A_479 = tpu.memref_slice %arg4[%dma_start3A_477, %dma_start3A_478] : memref<1048576x16xf32, #tpu.memory_space<hbm>> -> memref<1048576x16xf32, #tpu.memory_space<hbm>>
    tpu.enqueue_indirect_dma source(%dma_start3A_479 : memref<1048576x16xf32, #tpu.memory_space<hbm>>) target(%dma_start3A_473 : memref<128x16xf32, #tpu.memory_space<vmem>>) offsets(%dma_start3A_476 : memref<128xi32, #tpu.memory_space<vmem>>) semaphore(%arg12 : memref<!tpu.dma_semaphore, #tpu.memory_space<semaphore_mem>>)
    %dma_start3A_480 = arith.constant 39 : i32
    %dma_start3A_481 = arith.constant 39 : i32
    %dma_start3A_482 = arith.constant 0 : i32
    %dma_start3A_483 = arith.constant 0 : i32
    %dma_start3A_484 = tpu.memref_slice %arg9[%dma_start3A_481, %dma_start3A_482, %dma_start3A_483] : memref<50x128x16xf32, #tpu.memory_space<vmem>> -> memref<1x128x16xf32, #tpu.memory_space<vmem>>
    %dma_start3A_485 = tpu.memref_squeeze %dma_start3A_484 : memref<1x128x16xf32, #tpu.memory_space<vmem>> -> memref<128x16xf32, #tpu.memory_space<vmem>>
    %dma_start3A_486 = arith.constant 0 : i32
    %dma_start3A_487 = tpu.memref_slice %arg8[%dma_start3A_480, %dma_start3A_486] : memref<50x128xi32, #tpu.memory_space<vmem>> -> memref<1x128xi32, #tpu.memory_space<vmem>>
    %dma_start3A_488 = tpu.memref_squeeze %dma_start3A_487 : memref<1x128xi32, #tpu.memory_space<vmem>> -> memref<128xi32, #tpu.memory_space<vmem>>
    %dma_start3A_489 = arith.constant 0 : i32
    %dma_start3A_490 = arith.constant 0 : i32
    %dma_start3A_491 = tpu.memref_slice %arg4[%dma_start3A_489, %dma_start3A_490] : memref<1048576x16xf32, #tpu.memory_space<hbm>> -> memref<1048576x16xf32, #tpu.memory_space<hbm>>
    tpu.enqueue_indirect_dma source(%dma_start3A_491 : memref<1048576x16xf32, #tpu.memory_space<hbm>>) target(%dma_start3A_485 : memref<128x16xf32, #tpu.memory_space<vmem>>) offsets(%dma_start3A_488 : memref<128xi32, #tpu.memory_space<vmem>>) semaphore(%arg12 : memref<!tpu.dma_semaphore, #tpu.memory_space<semaphore_mem>>)
    %dma_start3A_492 = arith.constant 40 : i32
    %dma_start3A_493 = arith.constant 40 : i32
    %dma_start3A_494 = arith.constant 0 : i32
    %dma_start3A_495 = arith.constant 0 : i32
    %dma_start3A_496 = tpu.memref_slice %arg9[%dma_start3A_493, %dma_start3A_494, %dma_start3A_495] : memref<50x128x16xf32, #tpu.memory_space<vmem>> -> memref<1x128x16xf32, #tpu.memory_space<vmem>>
    %dma_start3A_497 = tpu.memref_squeeze %dma_start3A_496 : memref<1x128x16xf32, #tpu.memory_space<vmem>> -> memref<128x16xf32, #tpu.memory_space<vmem>>
    %dma_start3A_498 = arith.constant 0 : i32
    %dma_start3A_499 = tpu.memref_slice %arg8[%dma_start3A_492, %dma_start3A_498] : memref<50x128xi32, #tpu.memory_space<vmem>> -> memref<1x128xi32, #tpu.memory_space<vmem>>
    %dma_start3A_500 = tpu.memref_squeeze %dma_start3A_499 : memref<1x128xi32, #tpu.memory_space<vmem>> -> memref<128xi32, #tpu.memory_space<vmem>>
    %dma_start3A_501 = arith.constant 0 : i32
    %dma_start3A_502 = arith.constant 0 : i32
    %dma_start3A_503 = tpu.memref_slice %arg4[%dma_start3A_501, %dma_start3A_502] : memref<1048576x16xf32, #tpu.memory_space<hbm>> -> memref<1048576x16xf32, #tpu.memory_space<hbm>>
    tpu.enqueue_indirect_dma source(%dma_start3A_503 : memref<1048576x16xf32, #tpu.memory_space<hbm>>) target(%dma_start3A_497 : memref<128x16xf32, #tpu.memory_space<vmem>>) offsets(%dma_start3A_500 : memref<128xi32, #tpu.memory_space<vmem>>) semaphore(%arg12 : memref<!tpu.dma_semaphore, #tpu.memory_space<semaphore_mem>>)
    %dma_start3A_504 = arith.constant 41 : i32
    %dma_start3A_505 = arith.constant 41 : i32
    %dma_start3A_506 = arith.constant 0 : i32
    %dma_start3A_507 = arith.constant 0 : i32
    %dma_start3A_508 = tpu.memref_slice %arg9[%dma_start3A_505, %dma_start3A_506, %dma_start3A_507] : memref<50x128x16xf32, #tpu.memory_space<vmem>> -> memref<1x128x16xf32, #tpu.memory_space<vmem>>
    %dma_start3A_509 = tpu.memref_squeeze %dma_start3A_508 : memref<1x128x16xf32, #tpu.memory_space<vmem>> -> memref<128x16xf32, #tpu.memory_space<vmem>>
    %dma_start3A_510 = arith.constant 0 : i32
    %dma_start3A_511 = tpu.memref_slice %arg8[%dma_start3A_504, %dma_start3A_510] : memref<50x128xi32, #tpu.memory_space<vmem>> -> memref<1x128xi32, #tpu.memory_space<vmem>>
    %dma_start3A_512 = tpu.memref_squeeze %dma_start3A_511 : memref<1x128xi32, #tpu.memory_space<vmem>> -> memref<128xi32, #tpu.memory_space<vmem>>
    %dma_start3A_513 = arith.constant 0 : i32
    %dma_start3A_514 = arith.constant 0 : i32
    %dma_start3A_515 = tpu.memref_slice %arg4[%dma_start3A_513, %dma_start3A_514] : memref<1048576x16xf32, #tpu.memory_space<hbm>> -> memref<1048576x16xf32, #tpu.memory_space<hbm>>
    tpu.enqueue_indirect_dma source(%dma_start3A_515 : memref<1048576x16xf32, #tpu.memory_space<hbm>>) target(%dma_start3A_509 : memref<128x16xf32, #tpu.memory_space<vmem>>) offsets(%dma_start3A_512 : memref<128xi32, #tpu.memory_space<vmem>>) semaphore(%arg12 : memref<!tpu.dma_semaphore, #tpu.memory_space<semaphore_mem>>)
    %dma_start3A_516 = arith.constant 42 : i32
    %dma_start3A_517 = arith.constant 42 : i32
    %dma_start3A_518 = arith.constant 0 : i32
    %dma_start3A_519 = arith.constant 0 : i32
    %dma_start3A_520 = tpu.memref_slice %arg9[%dma_start3A_517, %dma_start3A_518, %dma_start3A_519] : memref<50x128x16xf32, #tpu.memory_space<vmem>> -> memref<1x128x16xf32, #tpu.memory_space<vmem>>
    %dma_start3A_521 = tpu.memref_squeeze %dma_start3A_520 : memref<1x128x16xf32, #tpu.memory_space<vmem>> -> memref<128x16xf32, #tpu.memory_space<vmem>>
    %dma_start3A_522 = arith.constant 0 : i32
    %dma_start3A_523 = tpu.memref_slice %arg8[%dma_start3A_516, %dma_start3A_522] : memref<50x128xi32, #tpu.memory_space<vmem>> -> memref<1x128xi32, #tpu.memory_space<vmem>>
    %dma_start3A_524 = tpu.memref_squeeze %dma_start3A_523 : memref<1x128xi32, #tpu.memory_space<vmem>> -> memref<128xi32, #tpu.memory_space<vmem>>
    %dma_start3A_525 = arith.constant 0 : i32
    %dma_start3A_526 = arith.constant 0 : i32
    %dma_start3A_527 = tpu.memref_slice %arg4[%dma_start3A_525, %dma_start3A_526] : memref<1048576x16xf32, #tpu.memory_space<hbm>> -> memref<1048576x16xf32, #tpu.memory_space<hbm>>
    tpu.enqueue_indirect_dma source(%dma_start3A_527 : memref<1048576x16xf32, #tpu.memory_space<hbm>>) target(%dma_start3A_521 : memref<128x16xf32, #tpu.memory_space<vmem>>) offsets(%dma_start3A_524 : memref<128xi32, #tpu.memory_space<vmem>>) semaphore(%arg12 : memref<!tpu.dma_semaphore, #tpu.memory_space<semaphore_mem>>)
    %dma_start3A_528 = arith.constant 43 : i32
    %dma_start3A_529 = arith.constant 43 : i32
    %dma_start3A_530 = arith.constant 0 : i32
    %dma_start3A_531 = arith.constant 0 : i32
    %dma_start3A_532 = tpu.memref_slice %arg9[%dma_start3A_529, %dma_start3A_530, %dma_start3A_531] : memref<50x128x16xf32, #tpu.memory_space<vmem>> -> memref<1x128x16xf32, #tpu.memory_space<vmem>>
    %dma_start3A_533 = tpu.memref_squeeze %dma_start3A_532 : memref<1x128x16xf32, #tpu.memory_space<vmem>> -> memref<128x16xf32, #tpu.memory_space<vmem>>
    %dma_start3A_534 = arith.constant 0 : i32
    %dma_start3A_535 = tpu.memref_slice %arg8[%dma_start3A_528, %dma_start3A_534] : memref<50x128xi32, #tpu.memory_space<vmem>> -> memref<1x128xi32, #tpu.memory_space<vmem>>
    %dma_start3A_536 = tpu.memref_squeeze %dma_start3A_535 : memref<1x128xi32, #tpu.memory_space<vmem>> -> memref<128xi32, #tpu.memory_space<vmem>>
    %dma_start3A_537 = arith.constant 0 : i32
    %dma_start3A_538 = arith.constant 0 : i32
    %dma_start3A_539 = tpu.memref_slice %arg4[%dma_start3A_537, %dma_start3A_538] : memref<1048576x16xf32, #tpu.memory_space<hbm>> -> memref<1048576x16xf32, #tpu.memory_space<hbm>>
    tpu.enqueue_indirect_dma source(%dma_start3A_539 : memref<1048576x16xf32, #tpu.memory_space<hbm>>) target(%dma_start3A_533 : memref<128x16xf32, #tpu.memory_space<vmem>>) offsets(%dma_start3A_536 : memref<128xi32, #tpu.memory_space<vmem>>) semaphore(%arg12 : memref<!tpu.dma_semaphore, #tpu.memory_space<semaphore_mem>>)
    %dma_start3A_540 = arith.constant 44 : i32
    %dma_start3A_541 = arith.constant 44 : i32
    %dma_start3A_542 = arith.constant 0 : i32
    %dma_start3A_543 = arith.constant 0 : i32
    %dma_start3A_544 = tpu.memref_slice %arg9[%dma_start3A_541, %dma_start3A_542, %dma_start3A_543] : memref<50x128x16xf32, #tpu.memory_space<vmem>> -> memref<1x128x16xf32, #tpu.memory_space<vmem>>
    %dma_start3A_545 = tpu.memref_squeeze %dma_start3A_544 : memref<1x128x16xf32, #tpu.memory_space<vmem>> -> memref<128x16xf32, #tpu.memory_space<vmem>>
    %dma_start3A_546 = arith.constant 0 : i32
    %dma_start3A_547 = tpu.memref_slice %arg8[%dma_start3A_540, %dma_start3A_546] : memref<50x128xi32, #tpu.memory_space<vmem>> -> memref<1x128xi32, #tpu.memory_space<vmem>>
    %dma_start3A_548 = tpu.memref_squeeze %dma_start3A_547 : memref<1x128xi32, #tpu.memory_space<vmem>> -> memref<128xi32, #tpu.memory_space<vmem>>
    %dma_start3A_549 = arith.constant 0 : i32
    %dma_start3A_550 = arith.constant 0 : i32
    %dma_start3A_551 = tpu.memref_slice %arg4[%dma_start3A_549, %dma_start3A_550] : memref<1048576x16xf32, #tpu.memory_space<hbm>> -> memref<1048576x16xf32, #tpu.memory_space<hbm>>
    tpu.enqueue_indirect_dma source(%dma_start3A_551 : memref<1048576x16xf32, #tpu.memory_space<hbm>>) target(%dma_start3A_545 : memref<128x16xf32, #tpu.memory_space<vmem>>) offsets(%dma_start3A_548 : memref<128xi32, #tpu.memory_space<vmem>>) semaphore(%arg12 : memref<!tpu.dma_semaphore, #tpu.memory_space<semaphore_mem>>)
    %dma_start3A_552 = arith.constant 45 : i32
    %dma_start3A_553 = arith.constant 45 : i32
    %dma_start3A_554 = arith.constant 0 : i32
    %dma_start3A_555 = arith.constant 0 : i32
    %dma_start3A_556 = tpu.memref_slice %arg9[%dma_start3A_553, %dma_start3A_554, %dma_start3A_555] : memref<50x128x16xf32, #tpu.memory_space<vmem>> -> memref<1x128x16xf32, #tpu.memory_space<vmem>>
    %dma_start3A_557 = tpu.memref_squeeze %dma_start3A_556 : memref<1x128x16xf32, #tpu.memory_space<vmem>> -> memref<128x16xf32, #tpu.memory_space<vmem>>
    %dma_start3A_558 = arith.constant 0 : i32
    %dma_start3A_559 = tpu.memref_slice %arg8[%dma_start3A_552, %dma_start3A_558] : memref<50x128xi32, #tpu.memory_space<vmem>> -> memref<1x128xi32, #tpu.memory_space<vmem>>
    %dma_start3A_560 = tpu.memref_squeeze %dma_start3A_559 : memref<1x128xi32, #tpu.memory_space<vmem>> -> memref<128xi32, #tpu.memory_space<vmem>>
    %dma_start3A_561 = arith.constant 0 : i32
    %dma_start3A_562 = arith.constant 0 : i32
    %dma_start3A_563 = tpu.memref_slice %arg4[%dma_start3A_561, %dma_start3A_562] : memref<1048576x16xf32, #tpu.memory_space<hbm>> -> memref<1048576x16xf32, #tpu.memory_space<hbm>>
    tpu.enqueue_indirect_dma source(%dma_start3A_563 : memref<1048576x16xf32, #tpu.memory_space<hbm>>) target(%dma_start3A_557 : memref<128x16xf32, #tpu.memory_space<vmem>>) offsets(%dma_start3A_560 : memref<128xi32, #tpu.memory_space<vmem>>) semaphore(%arg12 : memref<!tpu.dma_semaphore, #tpu.memory_space<semaphore_mem>>)
    %dma_start3A_564 = arith.constant 46 : i32
    %dma_start3A_565 = arith.constant 46 : i32
    %dma_start3A_566 = arith.constant 0 : i32
    %dma_start3A_567 = arith.constant 0 : i32
    %dma_start3A_568 = tpu.memref_slice %arg9[%dma_start3A_565, %dma_start3A_566, %dma_start3A_567] : memref<50x128x16xf32, #tpu.memory_space<vmem>> -> memref<1x128x16xf32, #tpu.memory_space<vmem>>
    %dma_start3A_569 = tpu.memref_squeeze %dma_start3A_568 : memref<1x128x16xf32, #tpu.memory_space<vmem>> -> memref<128x16xf32, #tpu.memory_space<vmem>>
    %dma_start3A_570 = arith.constant 0 : i32
    %dma_start3A_571 = tpu.memref_slice %arg8[%dma_start3A_564, %dma_start3A_570] : memref<50x128xi32, #tpu.memory_space<vmem>> -> memref<1x128xi32, #tpu.memory_space<vmem>>
    %dma_start3A_572 = tpu.memref_squeeze %dma_start3A_571 : memref<1x128xi32, #tpu.memory_space<vmem>> -> memref<128xi32, #tpu.memory_space<vmem>>
    %dma_start3A_573 = arith.constant 0 : i32
    %dma_start3A_574 = arith.constant 0 : i32
    %dma_start3A_575 = tpu.memref_slice %arg4[%dma_start3A_573, %dma_start3A_574] : memref<1048576x16xf32, #tpu.memory_space<hbm>> -> memref<1048576x16xf32, #tpu.memory_space<hbm>>
    tpu.enqueue_indirect_dma source(%dma_start3A_575 : memref<1048576x16xf32, #tpu.memory_space<hbm>>) target(%dma_start3A_569 : memref<128x16xf32, #tpu.memory_space<vmem>>) offsets(%dma_start3A_572 : memref<128xi32, #tpu.memory_space<vmem>>) semaphore(%arg12 : memref<!tpu.dma_semaphore, #tpu.memory_space<semaphore_mem>>)
    %dma_start3A_576 = arith.constant 47 : i32
    %dma_start3A_577 = arith.constant 47 : i32
    %dma_start3A_578 = arith.constant 0 : i32
    %dma_start3A_579 = arith.constant 0 : i32
    %dma_start3A_580 = tpu.memref_slice %arg9[%dma_start3A_577, %dma_start3A_578, %dma_start3A_579] : memref<50x128x16xf32, #tpu.memory_space<vmem>> -> memref<1x128x16xf32, #tpu.memory_space<vmem>>
    %dma_start3A_581 = tpu.memref_squeeze %dma_start3A_580 : memref<1x128x16xf32, #tpu.memory_space<vmem>> -> memref<128x16xf32, #tpu.memory_space<vmem>>
    %dma_start3A_582 = arith.constant 0 : i32
    %dma_start3A_583 = tpu.memref_slice %arg8[%dma_start3A_576, %dma_start3A_582] : memref<50x128xi32, #tpu.memory_space<vmem>> -> memref<1x128xi32, #tpu.memory_space<vmem>>
    %dma_start3A_584 = tpu.memref_squeeze %dma_start3A_583 : memref<1x128xi32, #tpu.memory_space<vmem>> -> memref<128xi32, #tpu.memory_space<vmem>>
    %dma_start3A_585 = arith.constant 0 : i32
    %dma_start3A_586 = arith.constant 0 : i32
    %dma_start3A_587 = tpu.memref_slice %arg4[%dma_start3A_585, %dma_start3A_586] : memref<1048576x16xf32, #tpu.memory_space<hbm>> -> memref<1048576x16xf32, #tpu.memory_space<hbm>>
    tpu.enqueue_indirect_dma source(%dma_start3A_587 : memref<1048576x16xf32, #tpu.memory_space<hbm>>) target(%dma_start3A_581 : memref<128x16xf32, #tpu.memory_space<vmem>>) offsets(%dma_start3A_584 : memref<128xi32, #tpu.memory_space<vmem>>) semaphore(%arg12 : memref<!tpu.dma_semaphore, #tpu.memory_space<semaphore_mem>>)
    %dma_start3A_588 = arith.constant 48 : i32
    %dma_start3A_589 = arith.constant 48 : i32
    %dma_start3A_590 = arith.constant 0 : i32
    %dma_start3A_591 = arith.constant 0 : i32
    %dma_start3A_592 = tpu.memref_slice %arg9[%dma_start3A_589, %dma_start3A_590, %dma_start3A_591] : memref<50x128x16xf32, #tpu.memory_space<vmem>> -> memref<1x128x16xf32, #tpu.memory_space<vmem>>
    %dma_start3A_593 = tpu.memref_squeeze %dma_start3A_592 : memref<1x128x16xf32, #tpu.memory_space<vmem>> -> memref<128x16xf32, #tpu.memory_space<vmem>>
    %dma_start3A_594 = arith.constant 0 : i32
    %dma_start3A_595 = tpu.memref_slice %arg8[%dma_start3A_588, %dma_start3A_594] : memref<50x128xi32, #tpu.memory_space<vmem>> -> memref<1x128xi32, #tpu.memory_space<vmem>>
    %dma_start3A_596 = tpu.memref_squeeze %dma_start3A_595 : memref<1x128xi32, #tpu.memory_space<vmem>> -> memref<128xi32, #tpu.memory_space<vmem>>
    %dma_start3A_597 = arith.constant 0 : i32
    %dma_start3A_598 = arith.constant 0 : i32
    %dma_start3A_599 = tpu.memref_slice %arg4[%dma_start3A_597, %dma_start3A_598] : memref<1048576x16xf32, #tpu.memory_space<hbm>> -> memref<1048576x16xf32, #tpu.memory_space<hbm>>
    tpu.enqueue_indirect_dma source(%dma_start3A_599 : memref<1048576x16xf32, #tpu.memory_space<hbm>>) target(%dma_start3A_593 : memref<128x16xf32, #tpu.memory_space<vmem>>) offsets(%dma_start3A_596 : memref<128xi32, #tpu.memory_space<vmem>>) semaphore(%arg12 : memref<!tpu.dma_semaphore, #tpu.memory_space<semaphore_mem>>)
    %dma_start3A_600 = arith.constant 49 : i32
    %dma_start3A_601 = arith.constant 49 : i32
    %dma_start3A_602 = arith.constant 0 : i32
    %dma_start3A_603 = arith.constant 0 : i32
    %dma_start3A_604 = tpu.memref_slice %arg9[%dma_start3A_601, %dma_start3A_602, %dma_start3A_603] : memref<50x128x16xf32, #tpu.memory_space<vmem>> -> memref<1x128x16xf32, #tpu.memory_space<vmem>>
    %dma_start3A_605 = tpu.memref_squeeze %dma_start3A_604 : memref<1x128x16xf32, #tpu.memory_space<vmem>> -> memref<128x16xf32, #tpu.memory_space<vmem>>
    %dma_start3A_606 = arith.constant 0 : i32
    %dma_start3A_607 = tpu.memref_slice %arg8[%dma_start3A_600, %dma_start3A_606] : memref<50x128xi32, #tpu.memory_space<vmem>> -> memref<1x128xi32, #tpu.memory_space<vmem>>
    %dma_start3A_608 = tpu.memref_squeeze %dma_start3A_607 : memref<1x128xi32, #tpu.memory_space<vmem>> -> memref<128xi32, #tpu.memory_space<vmem>>
    %dma_start3A_609 = arith.constant 0 : i32
    %dma_start3A_610 = arith.constant 0 : i32
    %dma_start3A_611 = tpu.memref_slice %arg4[%dma_start3A_609, %dma_start3A_610] : memref<1048576x16xf32, #tpu.memory_space<hbm>> -> memref<1048576x16xf32, #tpu.memory_space<hbm>>
    tpu.enqueue_indirect_dma source(%dma_start3A_611 : memref<1048576x16xf32, #tpu.memory_space<hbm>>) target(%dma_start3A_605 : memref<128x16xf32, #tpu.memory_space<vmem>>) offsets(%dma_start3A_608 : memref<128xi32, #tpu.memory_space<vmem>>) semaphore(%arg12 : memref<!tpu.dma_semaphore, #tpu.memory_space<semaphore_mem>>)
    %dma_wait3A = arith.constant 0 : i32
    %dma_wait3A_612 = arith.constant 0 : i32
    %dma_wait3A_613 = arith.constant 0 : i32
    %dma_wait3A_614 = arith.constant 0 : i32
    %dma_wait3A_615 = tpu.memref_slice %arg11[%dma_wait3A_612, %dma_wait3A_613, %dma_wait3A_614] : memref<1x128x16xf32, #tpu.memory_space<vmem>> -> memref<1x128x16xf32, #tpu.memory_space<vmem>>
    %dma_wait3A_616 = tpu.memref_squeeze %dma_wait3A_615 : memref<1x128x16xf32, #tpu.memory_space<vmem>> -> memref<128x16xf32, #tpu.memory_space<vmem>>
    %dma_wait3A_617 = arith.constant 0 : i32
    %dma_wait3A_618 = tpu.memref_slice %arg10[%dma_wait3A, %dma_wait3A_617] : memref<1x128xi32, #tpu.memory_space<vmem>> -> memref<1x128xi32, #tpu.memory_space<vmem>>
    %dma_wait3A_619 = tpu.memref_squeeze %dma_wait3A_618 : memref<1x128xi32, #tpu.memory_space<vmem>> -> memref<128xi32, #tpu.memory_space<vmem>>
    %dma_wait3A_620 = arith.constant 0 : i32
    %dma_wait3A_621 = arith.constant 0 : i32
    %dma_wait3A_622 = tpu.memref_slice %arg5[%dma_wait3A_620, %dma_wait3A_621] : memref<1048576x16xf32, #tpu.memory_space<hbm>> -> memref<1048576x16xf32, #tpu.memory_space<hbm>>
    tpu.wait_indirect_dma semaphore(%arg13 : memref<!tpu.dma_semaphore, #tpu.memory_space<semaphore_mem>>) src(%dma_wait3A_622 : memref<1048576x16xf32, #tpu.memory_space<hbm>>) dst(%dma_wait3A_616 : memref<128x16xf32, #tpu.memory_space<vmem>>)
    "tpu.region"() ({
      %run_scoped3A = tpu.sem_alloc : memref<!tpu.dma_semaphore, #tpu.memory_space<semaphore_mem>>
      %dma_start3A_1225 = arith.constant 0 : i32
      %dma_start3A_1226 = arith.constant 0 : i32
      %dma_start3A_1227 = tpu.memref_slice %arg7[%add3A, %dma_start3A_1225, %dma_start3A_1226] : memref<32x128x16xf32, #tpu.memory_space<hbm>> -> memref<1x128x16xf32, #tpu.memory_space<hbm>>
      %dma_start3A_1228 = arith.constant 0 : i32
      %dma_start3A_1229 = arith.constant 0 : i32
      %dma_start3A_1230 = tpu.memref_slice %arg7[%add3A, %dma_start3A_1228, %dma_start3A_1229] : memref<32x128x16xf32, #tpu.memory_space<hbm>> -> memref<1x128x16xf32, #tpu.memory_space<hbm>>
      tpu.enqueue_dma source(%arg11 : memref<1x128x16xf32, #tpu.memory_space<vmem>>) target(%dma_start3A_1230 : memref<1x128x16xf32, #tpu.memory_space<hbm>>) target_semaphore(%run_scoped3A : memref<!tpu.dma_semaphore, #tpu.memory_space<semaphore_mem>>)
      %dma_wait3A_1231 = arith.constant 0 : i32
      %dma_wait3A_1232 = arith.constant 0 : i32
      %dma_wait3A_1233 = tpu.memref_slice %arg7[%add3A, %dma_wait3A_1231, %dma_wait3A_1232] : memref<32x128x16xf32, #tpu.memory_space<hbm>> -> memref<1x128x16xf32, #tpu.memory_space<hbm>>
      %dma_wait3A_1234 = arith.constant 0 : i32
      %dma_wait3A_1235 = arith.constant 0 : i32
      %dma_wait3A_1236 = tpu.memref_slice %arg7[%add3A, %dma_wait3A_1234, %dma_wait3A_1235] : memref<32x128x16xf32, #tpu.memory_space<hbm>> -> memref<1x128x16xf32, #tpu.memory_space<hbm>>
      tpu.wait_dma2 semaphore(%run_scoped3A : memref<!tpu.dma_semaphore, #tpu.memory_space<semaphore_mem>>) src(%arg11 : memref<1x128x16xf32, #tpu.memory_space<vmem>>) dst(%dma_wait3A_1236 : memref<1x128x16xf32, #tpu.memory_space<hbm>>)
      tpu.yield
    }) : () -> ()
    %dma_wait3A_623 = arith.constant 0 : i32
    %dma_wait3A_624 = arith.constant 0 : i32
    %dma_wait3A_625 = arith.constant 0 : i32
    %dma_wait3A_626 = arith.constant 0 : i32
    %dma_wait3A_627 = tpu.memref_slice %arg9[%dma_wait3A_624, %dma_wait3A_625, %dma_wait3A_626] : memref<50x128x16xf32, #tpu.memory_space<vmem>> -> memref<1x128x16xf32, #tpu.memory_space<vmem>>
    %dma_wait3A_628 = tpu.memref_squeeze %dma_wait3A_627 : memref<1x128x16xf32, #tpu.memory_space<vmem>> -> memref<128x16xf32, #tpu.memory_space<vmem>>
    %dma_wait3A_629 = arith.constant 0 : i32
    %dma_wait3A_630 = tpu.memref_slice %arg8[%dma_wait3A_623, %dma_wait3A_629] : memref<50x128xi32, #tpu.memory_space<vmem>> -> memref<1x128xi32, #tpu.memory_space<vmem>>
    %dma_wait3A_631 = tpu.memref_squeeze %dma_wait3A_630 : memref<1x128xi32, #tpu.memory_space<vmem>> -> memref<128xi32, #tpu.memory_space<vmem>>
    %dma_wait3A_632 = arith.constant 0 : i32
    %dma_wait3A_633 = arith.constant 0 : i32
    %dma_wait3A_634 = tpu.memref_slice %arg4[%dma_wait3A_632, %dma_wait3A_633] : memref<1048576x16xf32, #tpu.memory_space<hbm>> -> memref<1048576x16xf32, #tpu.memory_space<hbm>>
    tpu.wait_indirect_dma semaphore(%arg12 : memref<!tpu.dma_semaphore, #tpu.memory_space<semaphore_mem>>) src(%dma_wait3A_634 : memref<1048576x16xf32, #tpu.memory_space<hbm>>) dst(%dma_wait3A_628 : memref<128x16xf32, #tpu.memory_space<vmem>>)
    %dma_wait3A_635 = arith.constant 1 : i32
    %dma_wait3A_636 = arith.constant 1 : i32
    %dma_wait3A_637 = arith.constant 0 : i32
    %dma_wait3A_638 = arith.constant 0 : i32
    %dma_wait3A_639 = tpu.memref_slice %arg9[%dma_wait3A_636, %dma_wait3A_637, %dma_wait3A_638] : memref<50x128x16xf32, #tpu.memory_space<vmem>> -> memref<1x128x16xf32, #tpu.memory_space<vmem>>
    %dma_wait3A_640 = tpu.memref_squeeze %dma_wait3A_639 : memref<1x128x16xf32, #tpu.memory_space<vmem>> -> memref<128x16xf32, #tpu.memory_space<vmem>>
    %dma_wait3A_641 = arith.constant 0 : i32
    %dma_wait3A_642 = tpu.memref_slice %arg8[%dma_wait3A_635, %dma_wait3A_641] : memref<50x128xi32, #tpu.memory_space<vmem>> -> memref<1x128xi32, #tpu.memory_space<vmem>>
    %dma_wait3A_643 = tpu.memref_squeeze %dma_wait3A_642 : memref<1x128xi32, #tpu.memory_space<vmem>> -> memref<128xi32, #tpu.memory_space<vmem>>
    %dma_wait3A_644 = arith.constant 0 : i32
    %dma_wait3A_645 = arith.constant 0 : i32
    %dma_wait3A_646 = tpu.memref_slice %arg4[%dma_wait3A_644, %dma_wait3A_645] : memref<1048576x16xf32, #tpu.memory_space<hbm>> -> memref<1048576x16xf32, #tpu.memory_space<hbm>>
    tpu.wait_indirect_dma semaphore(%arg12 : memref<!tpu.dma_semaphore, #tpu.memory_space<semaphore_mem>>) src(%dma_wait3A_646 : memref<1048576x16xf32, #tpu.memory_space<hbm>>) dst(%dma_wait3A_640 : memref<128x16xf32, #tpu.memory_space<vmem>>)
    %dma_wait3A_647 = arith.constant 2 : i32
    %dma_wait3A_648 = arith.constant 2 : i32
    %dma_wait3A_649 = arith.constant 0 : i32
    %dma_wait3A_650 = arith.constant 0 : i32
    %dma_wait3A_651 = tpu.memref_slice %arg9[%dma_wait3A_648, %dma_wait3A_649, %dma_wait3A_650] : memref<50x128x16xf32, #tpu.memory_space<vmem>> -> memref<1x128x16xf32, #tpu.memory_space<vmem>>
    %dma_wait3A_652 = tpu.memref_squeeze %dma_wait3A_651 : memref<1x128x16xf32, #tpu.memory_space<vmem>> -> memref<128x16xf32, #tpu.memory_space<vmem>>
    %dma_wait3A_653 = arith.constant 0 : i32
    %dma_wait3A_654 = tpu.memref_slice %arg8[%dma_wait3A_647, %dma_wait3A_653] : memref<50x128xi32, #tpu.memory_space<vmem>> -> memref<1x128xi32, #tpu.memory_space<vmem>>
    %dma_wait3A_655 = tpu.memref_squeeze %dma_wait3A_654 : memref<1x128xi32, #tpu.memory_space<vmem>> -> memref<128xi32, #tpu.memory_space<vmem>>
    %dma_wait3A_656 = arith.constant 0 : i32
    %dma_wait3A_657 = arith.constant 0 : i32
    %dma_wait3A_658 = tpu.memref_slice %arg4[%dma_wait3A_656, %dma_wait3A_657] : memref<1048576x16xf32, #tpu.memory_space<hbm>> -> memref<1048576x16xf32, #tpu.memory_space<hbm>>
    tpu.wait_indirect_dma semaphore(%arg12 : memref<!tpu.dma_semaphore, #tpu.memory_space<semaphore_mem>>) src(%dma_wait3A_658 : memref<1048576x16xf32, #tpu.memory_space<hbm>>) dst(%dma_wait3A_652 : memref<128x16xf32, #tpu.memory_space<vmem>>)
    %dma_wait3A_659 = arith.constant 3 : i32
    %dma_wait3A_660 = arith.constant 3 : i32
    %dma_wait3A_661 = arith.constant 0 : i32
    %dma_wait3A_662 = arith.constant 0 : i32
    %dma_wait3A_663 = tpu.memref_slice %arg9[%dma_wait3A_660, %dma_wait3A_661, %dma_wait3A_662] : memref<50x128x16xf32, #tpu.memory_space<vmem>> -> memref<1x128x16xf32, #tpu.memory_space<vmem>>
    %dma_wait3A_664 = tpu.memref_squeeze %dma_wait3A_663 : memref<1x128x16xf32, #tpu.memory_space<vmem>> -> memref<128x16xf32, #tpu.memory_space<vmem>>
    %dma_wait3A_665 = arith.constant 0 : i32
    %dma_wait3A_666 = tpu.memref_slice %arg8[%dma_wait3A_659, %dma_wait3A_665] : memref<50x128xi32, #tpu.memory_space<vmem>> -> memref<1x128xi32, #tpu.memory_space<vmem>>
    %dma_wait3A_667 = tpu.memref_squeeze %dma_wait3A_666 : memref<1x128xi32, #tpu.memory_space<vmem>> -> memref<128xi32, #tpu.memory_space<vmem>>
    %dma_wait3A_668 = arith.constant 0 : i32
    %dma_wait3A_669 = arith.constant 0 : i32
    %dma_wait3A_670 = tpu.memref_slice %arg4[%dma_wait3A_668, %dma_wait3A_669] : memref<1048576x16xf32, #tpu.memory_space<hbm>> -> memref<1048576x16xf32, #tpu.memory_space<hbm>>
    tpu.wait_indirect_dma semaphore(%arg12 : memref<!tpu.dma_semaphore, #tpu.memory_space<semaphore_mem>>) src(%dma_wait3A_670 : memref<1048576x16xf32, #tpu.memory_space<hbm>>) dst(%dma_wait3A_664 : memref<128x16xf32, #tpu.memory_space<vmem>>)
    %dma_wait3A_671 = arith.constant 4 : i32
    %dma_wait3A_672 = arith.constant 4 : i32
    %dma_wait3A_673 = arith.constant 0 : i32
    %dma_wait3A_674 = arith.constant 0 : i32
    %dma_wait3A_675 = tpu.memref_slice %arg9[%dma_wait3A_672, %dma_wait3A_673, %dma_wait3A_674] : memref<50x128x16xf32, #tpu.memory_space<vmem>> -> memref<1x128x16xf32, #tpu.memory_space<vmem>>
    %dma_wait3A_676 = tpu.memref_squeeze %dma_wait3A_675 : memref<1x128x16xf32, #tpu.memory_space<vmem>> -> memref<128x16xf32, #tpu.memory_space<vmem>>
    %dma_wait3A_677 = arith.constant 0 : i32
    %dma_wait3A_678 = tpu.memref_slice %arg8[%dma_wait3A_671, %dma_wait3A_677] : memref<50x128xi32, #tpu.memory_space<vmem>> -> memref<1x128xi32, #tpu.memory_space<vmem>>
    %dma_wait3A_679 = tpu.memref_squeeze %dma_wait3A_678 : memref<1x128xi32, #tpu.memory_space<vmem>> -> memref<128xi32, #tpu.memory_space<vmem>>
    %dma_wait3A_680 = arith.constant 0 : i32
    %dma_wait3A_681 = arith.constant 0 : i32
    %dma_wait3A_682 = tpu.memref_slice %arg4[%dma_wait3A_680, %dma_wait3A_681] : memref<1048576x16xf32, #tpu.memory_space<hbm>> -> memref<1048576x16xf32, #tpu.memory_space<hbm>>
    tpu.wait_indirect_dma semaphore(%arg12 : memref<!tpu.dma_semaphore, #tpu.memory_space<semaphore_mem>>) src(%dma_wait3A_682 : memref<1048576x16xf32, #tpu.memory_space<hbm>>) dst(%dma_wait3A_676 : memref<128x16xf32, #tpu.memory_space<vmem>>)
    %dma_wait3A_683 = arith.constant 5 : i32
    %dma_wait3A_684 = arith.constant 5 : i32
    %dma_wait3A_685 = arith.constant 0 : i32
    %dma_wait3A_686 = arith.constant 0 : i32
    %dma_wait3A_687 = tpu.memref_slice %arg9[%dma_wait3A_684, %dma_wait3A_685, %dma_wait3A_686] : memref<50x128x16xf32, #tpu.memory_space<vmem>> -> memref<1x128x16xf32, #tpu.memory_space<vmem>>
    %dma_wait3A_688 = tpu.memref_squeeze %dma_wait3A_687 : memref<1x128x16xf32, #tpu.memory_space<vmem>> -> memref<128x16xf32, #tpu.memory_space<vmem>>
    %dma_wait3A_689 = arith.constant 0 : i32
    %dma_wait3A_690 = tpu.memref_slice %arg8[%dma_wait3A_683, %dma_wait3A_689] : memref<50x128xi32, #tpu.memory_space<vmem>> -> memref<1x128xi32, #tpu.memory_space<vmem>>
    %dma_wait3A_691 = tpu.memref_squeeze %dma_wait3A_690 : memref<1x128xi32, #tpu.memory_space<vmem>> -> memref<128xi32, #tpu.memory_space<vmem>>
    %dma_wait3A_692 = arith.constant 0 : i32
    %dma_wait3A_693 = arith.constant 0 : i32
    %dma_wait3A_694 = tpu.memref_slice %arg4[%dma_wait3A_692, %dma_wait3A_693] : memref<1048576x16xf32, #tpu.memory_space<hbm>> -> memref<1048576x16xf32, #tpu.memory_space<hbm>>
    tpu.wait_indirect_dma semaphore(%arg12 : memref<!tpu.dma_semaphore, #tpu.memory_space<semaphore_mem>>) src(%dma_wait3A_694 : memref<1048576x16xf32, #tpu.memory_space<hbm>>) dst(%dma_wait3A_688 : memref<128x16xf32, #tpu.memory_space<vmem>>)
    %dma_wait3A_695 = arith.constant 6 : i32
    %dma_wait3A_696 = arith.constant 6 : i32
    %dma_wait3A_697 = arith.constant 0 : i32
    %dma_wait3A_698 = arith.constant 0 : i32
    %dma_wait3A_699 = tpu.memref_slice %arg9[%dma_wait3A_696, %dma_wait3A_697, %dma_wait3A_698] : memref<50x128x16xf32, #tpu.memory_space<vmem>> -> memref<1x128x16xf32, #tpu.memory_space<vmem>>
    %dma_wait3A_700 = tpu.memref_squeeze %dma_wait3A_699 : memref<1x128x16xf32, #tpu.memory_space<vmem>> -> memref<128x16xf32, #tpu.memory_space<vmem>>
    %dma_wait3A_701 = arith.constant 0 : i32
    %dma_wait3A_702 = tpu.memref_slice %arg8[%dma_wait3A_695, %dma_wait3A_701] : memref<50x128xi32, #tpu.memory_space<vmem>> -> memref<1x128xi32, #tpu.memory_space<vmem>>
    %dma_wait3A_703 = tpu.memref_squeeze %dma_wait3A_702 : memref<1x128xi32, #tpu.memory_space<vmem>> -> memref<128xi32, #tpu.memory_space<vmem>>
    %dma_wait3A_704 = arith.constant 0 : i32
    %dma_wait3A_705 = arith.constant 0 : i32
    %dma_wait3A_706 = tpu.memref_slice %arg4[%dma_wait3A_704, %dma_wait3A_705] : memref<1048576x16xf32, #tpu.memory_space<hbm>> -> memref<1048576x16xf32, #tpu.memory_space<hbm>>
    tpu.wait_indirect_dma semaphore(%arg12 : memref<!tpu.dma_semaphore, #tpu.memory_space<semaphore_mem>>) src(%dma_wait3A_706 : memref<1048576x16xf32, #tpu.memory_space<hbm>>) dst(%dma_wait3A_700 : memref<128x16xf32, #tpu.memory_space<vmem>>)
    %dma_wait3A_707 = arith.constant 7 : i32
    %dma_wait3A_708 = arith.constant 7 : i32
    %dma_wait3A_709 = arith.constant 0 : i32
    %dma_wait3A_710 = arith.constant 0 : i32
    %dma_wait3A_711 = tpu.memref_slice %arg9[%dma_wait3A_708, %dma_wait3A_709, %dma_wait3A_710] : memref<50x128x16xf32, #tpu.memory_space<vmem>> -> memref<1x128x16xf32, #tpu.memory_space<vmem>>
    %dma_wait3A_712 = tpu.memref_squeeze %dma_wait3A_711 : memref<1x128x16xf32, #tpu.memory_space<vmem>> -> memref<128x16xf32, #tpu.memory_space<vmem>>
    %dma_wait3A_713 = arith.constant 0 : i32
    %dma_wait3A_714 = tpu.memref_slice %arg8[%dma_wait3A_707, %dma_wait3A_713] : memref<50x128xi32, #tpu.memory_space<vmem>> -> memref<1x128xi32, #tpu.memory_space<vmem>>
    %dma_wait3A_715 = tpu.memref_squeeze %dma_wait3A_714 : memref<1x128xi32, #tpu.memory_space<vmem>> -> memref<128xi32, #tpu.memory_space<vmem>>
    %dma_wait3A_716 = arith.constant 0 : i32
    %dma_wait3A_717 = arith.constant 0 : i32
    %dma_wait3A_718 = tpu.memref_slice %arg4[%dma_wait3A_716, %dma_wait3A_717] : memref<1048576x16xf32, #tpu.memory_space<hbm>> -> memref<1048576x16xf32, #tpu.memory_space<hbm>>
    tpu.wait_indirect_dma semaphore(%arg12 : memref<!tpu.dma_semaphore, #tpu.memory_space<semaphore_mem>>) src(%dma_wait3A_718 : memref<1048576x16xf32, #tpu.memory_space<hbm>>) dst(%dma_wait3A_712 : memref<128x16xf32, #tpu.memory_space<vmem>>)
    %dma_wait3A_719 = arith.constant 8 : i32
    %dma_wait3A_720 = arith.constant 8 : i32
    %dma_wait3A_721 = arith.constant 0 : i32
    %dma_wait3A_722 = arith.constant 0 : i32
    %dma_wait3A_723 = tpu.memref_slice %arg9[%dma_wait3A_720, %dma_wait3A_721, %dma_wait3A_722] : memref<50x128x16xf32, #tpu.memory_space<vmem>> -> memref<1x128x16xf32, #tpu.memory_space<vmem>>
    %dma_wait3A_724 = tpu.memref_squeeze %dma_wait3A_723 : memref<1x128x16xf32, #tpu.memory_space<vmem>> -> memref<128x16xf32, #tpu.memory_space<vmem>>
    %dma_wait3A_725 = arith.constant 0 : i32
    %dma_wait3A_726 = tpu.memref_slice %arg8[%dma_wait3A_719, %dma_wait3A_725] : memref<50x128xi32, #tpu.memory_space<vmem>> -> memref<1x128xi32, #tpu.memory_space<vmem>>
    %dma_wait3A_727 = tpu.memref_squeeze %dma_wait3A_726 : memref<1x128xi32, #tpu.memory_space<vmem>> -> memref<128xi32, #tpu.memory_space<vmem>>
    %dma_wait3A_728 = arith.constant 0 : i32
    %dma_wait3A_729 = arith.constant 0 : i32
    %dma_wait3A_730 = tpu.memref_slice %arg4[%dma_wait3A_728, %dma_wait3A_729] : memref<1048576x16xf32, #tpu.memory_space<hbm>> -> memref<1048576x16xf32, #tpu.memory_space<hbm>>
    tpu.wait_indirect_dma semaphore(%arg12 : memref<!tpu.dma_semaphore, #tpu.memory_space<semaphore_mem>>) src(%dma_wait3A_730 : memref<1048576x16xf32, #tpu.memory_space<hbm>>) dst(%dma_wait3A_724 : memref<128x16xf32, #tpu.memory_space<vmem>>)
    %dma_wait3A_731 = arith.constant 9 : i32
    %dma_wait3A_732 = arith.constant 9 : i32
    %dma_wait3A_733 = arith.constant 0 : i32
    %dma_wait3A_734 = arith.constant 0 : i32
    %dma_wait3A_735 = tpu.memref_slice %arg9[%dma_wait3A_732, %dma_wait3A_733, %dma_wait3A_734] : memref<50x128x16xf32, #tpu.memory_space<vmem>> -> memref<1x128x16xf32, #tpu.memory_space<vmem>>
    %dma_wait3A_736 = tpu.memref_squeeze %dma_wait3A_735 : memref<1x128x16xf32, #tpu.memory_space<vmem>> -> memref<128x16xf32, #tpu.memory_space<vmem>>
    %dma_wait3A_737 = arith.constant 0 : i32
    %dma_wait3A_738 = tpu.memref_slice %arg8[%dma_wait3A_731, %dma_wait3A_737] : memref<50x128xi32, #tpu.memory_space<vmem>> -> memref<1x128xi32, #tpu.memory_space<vmem>>
    %dma_wait3A_739 = tpu.memref_squeeze %dma_wait3A_738 : memref<1x128xi32, #tpu.memory_space<vmem>> -> memref<128xi32, #tpu.memory_space<vmem>>
    %dma_wait3A_740 = arith.constant 0 : i32
    %dma_wait3A_741 = arith.constant 0 : i32
    %dma_wait3A_742 = tpu.memref_slice %arg4[%dma_wait3A_740, %dma_wait3A_741] : memref<1048576x16xf32, #tpu.memory_space<hbm>> -> memref<1048576x16xf32, #tpu.memory_space<hbm>>
    tpu.wait_indirect_dma semaphore(%arg12 : memref<!tpu.dma_semaphore, #tpu.memory_space<semaphore_mem>>) src(%dma_wait3A_742 : memref<1048576x16xf32, #tpu.memory_space<hbm>>) dst(%dma_wait3A_736 : memref<128x16xf32, #tpu.memory_space<vmem>>)
    %dma_wait3A_743 = arith.constant 10 : i32
    %dma_wait3A_744 = arith.constant 10 : i32
    %dma_wait3A_745 = arith.constant 0 : i32
    %dma_wait3A_746 = arith.constant 0 : i32
    %dma_wait3A_747 = tpu.memref_slice %arg9[%dma_wait3A_744, %dma_wait3A_745, %dma_wait3A_746] : memref<50x128x16xf32, #tpu.memory_space<vmem>> -> memref<1x128x16xf32, #tpu.memory_space<vmem>>
    %dma_wait3A_748 = tpu.memref_squeeze %dma_wait3A_747 : memref<1x128x16xf32, #tpu.memory_space<vmem>> -> memref<128x16xf32, #tpu.memory_space<vmem>>
    %dma_wait3A_749 = arith.constant 0 : i32
    %dma_wait3A_750 = tpu.memref_slice %arg8[%dma_wait3A_743, %dma_wait3A_749] : memref<50x128xi32, #tpu.memory_space<vmem>> -> memref<1x128xi32, #tpu.memory_space<vmem>>
    %dma_wait3A_751 = tpu.memref_squeeze %dma_wait3A_750 : memref<1x128xi32, #tpu.memory_space<vmem>> -> memref<128xi32, #tpu.memory_space<vmem>>
    %dma_wait3A_752 = arith.constant 0 : i32
    %dma_wait3A_753 = arith.constant 0 : i32
    %dma_wait3A_754 = tpu.memref_slice %arg4[%dma_wait3A_752, %dma_wait3A_753] : memref<1048576x16xf32, #tpu.memory_space<hbm>> -> memref<1048576x16xf32, #tpu.memory_space<hbm>>
    tpu.wait_indirect_dma semaphore(%arg12 : memref<!tpu.dma_semaphore, #tpu.memory_space<semaphore_mem>>) src(%dma_wait3A_754 : memref<1048576x16xf32, #tpu.memory_space<hbm>>) dst(%dma_wait3A_748 : memref<128x16xf32, #tpu.memory_space<vmem>>)
    %dma_wait3A_755 = arith.constant 11 : i32
    %dma_wait3A_756 = arith.constant 11 : i32
    %dma_wait3A_757 = arith.constant 0 : i32
    %dma_wait3A_758 = arith.constant 0 : i32
    %dma_wait3A_759 = tpu.memref_slice %arg9[%dma_wait3A_756, %dma_wait3A_757, %dma_wait3A_758] : memref<50x128x16xf32, #tpu.memory_space<vmem>> -> memref<1x128x16xf32, #tpu.memory_space<vmem>>
    %dma_wait3A_760 = tpu.memref_squeeze %dma_wait3A_759 : memref<1x128x16xf32, #tpu.memory_space<vmem>> -> memref<128x16xf32, #tpu.memory_space<vmem>>
    %dma_wait3A_761 = arith.constant 0 : i32
    %dma_wait3A_762 = tpu.memref_slice %arg8[%dma_wait3A_755, %dma_wait3A_761] : memref<50x128xi32, #tpu.memory_space<vmem>> -> memref<1x128xi32, #tpu.memory_space<vmem>>
    %dma_wait3A_763 = tpu.memref_squeeze %dma_wait3A_762 : memref<1x128xi32, #tpu.memory_space<vmem>> -> memref<128xi32, #tpu.memory_space<vmem>>
    %dma_wait3A_764 = arith.constant 0 : i32
    %dma_wait3A_765 = arith.constant 0 : i32
    %dma_wait3A_766 = tpu.memref_slice %arg4[%dma_wait3A_764, %dma_wait3A_765] : memref<1048576x16xf32, #tpu.memory_space<hbm>> -> memref<1048576x16xf32, #tpu.memory_space<hbm>>
    tpu.wait_indirect_dma semaphore(%arg12 : memref<!tpu.dma_semaphore, #tpu.memory_space<semaphore_mem>>) src(%dma_wait3A_766 : memref<1048576x16xf32, #tpu.memory_space<hbm>>) dst(%dma_wait3A_760 : memref<128x16xf32, #tpu.memory_space<vmem>>)
    %dma_wait3A_767 = arith.constant 12 : i32
    %dma_wait3A_768 = arith.constant 12 : i32
    %dma_wait3A_769 = arith.constant 0 : i32
    %dma_wait3A_770 = arith.constant 0 : i32
    %dma_wait3A_771 = tpu.memref_slice %arg9[%dma_wait3A_768, %dma_wait3A_769, %dma_wait3A_770] : memref<50x128x16xf32, #tpu.memory_space<vmem>> -> memref<1x128x16xf32, #tpu.memory_space<vmem>>
    %dma_wait3A_772 = tpu.memref_squeeze %dma_wait3A_771 : memref<1x128x16xf32, #tpu.memory_space<vmem>> -> memref<128x16xf32, #tpu.memory_space<vmem>>
    %dma_wait3A_773 = arith.constant 0 : i32
    %dma_wait3A_774 = tpu.memref_slice %arg8[%dma_wait3A_767, %dma_wait3A_773] : memref<50x128xi32, #tpu.memory_space<vmem>> -> memref<1x128xi32, #tpu.memory_space<vmem>>
    %dma_wait3A_775 = tpu.memref_squeeze %dma_wait3A_774 : memref<1x128xi32, #tpu.memory_space<vmem>> -> memref<128xi32, #tpu.memory_space<vmem>>
    %dma_wait3A_776 = arith.constant 0 : i32
    %dma_wait3A_777 = arith.constant 0 : i32
    %dma_wait3A_778 = tpu.memref_slice %arg4[%dma_wait3A_776, %dma_wait3A_777] : memref<1048576x16xf32, #tpu.memory_space<hbm>> -> memref<1048576x16xf32, #tpu.memory_space<hbm>>
    tpu.wait_indirect_dma semaphore(%arg12 : memref<!tpu.dma_semaphore, #tpu.memory_space<semaphore_mem>>) src(%dma_wait3A_778 : memref<1048576x16xf32, #tpu.memory_space<hbm>>) dst(%dma_wait3A_772 : memref<128x16xf32, #tpu.memory_space<vmem>>)
    %dma_wait3A_779 = arith.constant 13 : i32
    %dma_wait3A_780 = arith.constant 13 : i32
    %dma_wait3A_781 = arith.constant 0 : i32
    %dma_wait3A_782 = arith.constant 0 : i32
    %dma_wait3A_783 = tpu.memref_slice %arg9[%dma_wait3A_780, %dma_wait3A_781, %dma_wait3A_782] : memref<50x128x16xf32, #tpu.memory_space<vmem>> -> memref<1x128x16xf32, #tpu.memory_space<vmem>>
    %dma_wait3A_784 = tpu.memref_squeeze %dma_wait3A_783 : memref<1x128x16xf32, #tpu.memory_space<vmem>> -> memref<128x16xf32, #tpu.memory_space<vmem>>
    %dma_wait3A_785 = arith.constant 0 : i32
    %dma_wait3A_786 = tpu.memref_slice %arg8[%dma_wait3A_779, %dma_wait3A_785] : memref<50x128xi32, #tpu.memory_space<vmem>> -> memref<1x128xi32, #tpu.memory_space<vmem>>
    %dma_wait3A_787 = tpu.memref_squeeze %dma_wait3A_786 : memref<1x128xi32, #tpu.memory_space<vmem>> -> memref<128xi32, #tpu.memory_space<vmem>>
    %dma_wait3A_788 = arith.constant 0 : i32
    %dma_wait3A_789 = arith.constant 0 : i32
    %dma_wait3A_790 = tpu.memref_slice %arg4[%dma_wait3A_788, %dma_wait3A_789] : memref<1048576x16xf32, #tpu.memory_space<hbm>> -> memref<1048576x16xf32, #tpu.memory_space<hbm>>
    tpu.wait_indirect_dma semaphore(%arg12 : memref<!tpu.dma_semaphore, #tpu.memory_space<semaphore_mem>>) src(%dma_wait3A_790 : memref<1048576x16xf32, #tpu.memory_space<hbm>>) dst(%dma_wait3A_784 : memref<128x16xf32, #tpu.memory_space<vmem>>)
    %dma_wait3A_791 = arith.constant 14 : i32
    %dma_wait3A_792 = arith.constant 14 : i32
    %dma_wait3A_793 = arith.constant 0 : i32
    %dma_wait3A_794 = arith.constant 0 : i32
    %dma_wait3A_795 = tpu.memref_slice %arg9[%dma_wait3A_792, %dma_wait3A_793, %dma_wait3A_794] : memref<50x128x16xf32, #tpu.memory_space<vmem>> -> memref<1x128x16xf32, #tpu.memory_space<vmem>>
    %dma_wait3A_796 = tpu.memref_squeeze %dma_wait3A_795 : memref<1x128x16xf32, #tpu.memory_space<vmem>> -> memref<128x16xf32, #tpu.memory_space<vmem>>
    %dma_wait3A_797 = arith.constant 0 : i32
    %dma_wait3A_798 = tpu.memref_slice %arg8[%dma_wait3A_791, %dma_wait3A_797] : memref<50x128xi32, #tpu.memory_space<vmem>> -> memref<1x128xi32, #tpu.memory_space<vmem>>
    %dma_wait3A_799 = tpu.memref_squeeze %dma_wait3A_798 : memref<1x128xi32, #tpu.memory_space<vmem>> -> memref<128xi32, #tpu.memory_space<vmem>>
    %dma_wait3A_800 = arith.constant 0 : i32
    %dma_wait3A_801 = arith.constant 0 : i32
    %dma_wait3A_802 = tpu.memref_slice %arg4[%dma_wait3A_800, %dma_wait3A_801] : memref<1048576x16xf32, #tpu.memory_space<hbm>> -> memref<1048576x16xf32, #tpu.memory_space<hbm>>
    tpu.wait_indirect_dma semaphore(%arg12 : memref<!tpu.dma_semaphore, #tpu.memory_space<semaphore_mem>>) src(%dma_wait3A_802 : memref<1048576x16xf32, #tpu.memory_space<hbm>>) dst(%dma_wait3A_796 : memref<128x16xf32, #tpu.memory_space<vmem>>)
    %dma_wait3A_803 = arith.constant 15 : i32
    %dma_wait3A_804 = arith.constant 15 : i32
    %dma_wait3A_805 = arith.constant 0 : i32
    %dma_wait3A_806 = arith.constant 0 : i32
    %dma_wait3A_807 = tpu.memref_slice %arg9[%dma_wait3A_804, %dma_wait3A_805, %dma_wait3A_806] : memref<50x128x16xf32, #tpu.memory_space<vmem>> -> memref<1x128x16xf32, #tpu.memory_space<vmem>>
    %dma_wait3A_808 = tpu.memref_squeeze %dma_wait3A_807 : memref<1x128x16xf32, #tpu.memory_space<vmem>> -> memref<128x16xf32, #tpu.memory_space<vmem>>
    %dma_wait3A_809 = arith.constant 0 : i32
    %dma_wait3A_810 = tpu.memref_slice %arg8[%dma_wait3A_803, %dma_wait3A_809] : memref<50x128xi32, #tpu.memory_space<vmem>> -> memref<1x128xi32, #tpu.memory_space<vmem>>
    %dma_wait3A_811 = tpu.memref_squeeze %dma_wait3A_810 : memref<1x128xi32, #tpu.memory_space<vmem>> -> memref<128xi32, #tpu.memory_space<vmem>>
    %dma_wait3A_812 = arith.constant 0 : i32
    %dma_wait3A_813 = arith.constant 0 : i32
    %dma_wait3A_814 = tpu.memref_slice %arg4[%dma_wait3A_812, %dma_wait3A_813] : memref<1048576x16xf32, #tpu.memory_space<hbm>> -> memref<1048576x16xf32, #tpu.memory_space<hbm>>
    tpu.wait_indirect_dma semaphore(%arg12 : memref<!tpu.dma_semaphore, #tpu.memory_space<semaphore_mem>>) src(%dma_wait3A_814 : memref<1048576x16xf32, #tpu.memory_space<hbm>>) dst(%dma_wait3A_808 : memref<128x16xf32, #tpu.memory_space<vmem>>)
    %dma_wait3A_815 = arith.constant 16 : i32
    %dma_wait3A_816 = arith.constant 16 : i32
    %dma_wait3A_817 = arith.constant 0 : i32
    %dma_wait3A_818 = arith.constant 0 : i32
    %dma_wait3A_819 = tpu.memref_slice %arg9[%dma_wait3A_816, %dma_wait3A_817, %dma_wait3A_818] : memref<50x128x16xf32, #tpu.memory_space<vmem>> -> memref<1x128x16xf32, #tpu.memory_space<vmem>>
    %dma_wait3A_820 = tpu.memref_squeeze %dma_wait3A_819 : memref<1x128x16xf32, #tpu.memory_space<vmem>> -> memref<128x16xf32, #tpu.memory_space<vmem>>
    %dma_wait3A_821 = arith.constant 0 : i32
    %dma_wait3A_822 = tpu.memref_slice %arg8[%dma_wait3A_815, %dma_wait3A_821] : memref<50x128xi32, #tpu.memory_space<vmem>> -> memref<1x128xi32, #tpu.memory_space<vmem>>
    %dma_wait3A_823 = tpu.memref_squeeze %dma_wait3A_822 : memref<1x128xi32, #tpu.memory_space<vmem>> -> memref<128xi32, #tpu.memory_space<vmem>>
    %dma_wait3A_824 = arith.constant 0 : i32
    %dma_wait3A_825 = arith.constant 0 : i32
    %dma_wait3A_826 = tpu.memref_slice %arg4[%dma_wait3A_824, %dma_wait3A_825] : memref<1048576x16xf32, #tpu.memory_space<hbm>> -> memref<1048576x16xf32, #tpu.memory_space<hbm>>
    tpu.wait_indirect_dma semaphore(%arg12 : memref<!tpu.dma_semaphore, #tpu.memory_space<semaphore_mem>>) src(%dma_wait3A_826 : memref<1048576x16xf32, #tpu.memory_space<hbm>>) dst(%dma_wait3A_820 : memref<128x16xf32, #tpu.memory_space<vmem>>)
    %dma_wait3A_827 = arith.constant 17 : i32
    %dma_wait3A_828 = arith.constant 17 : i32
    %dma_wait3A_829 = arith.constant 0 : i32
    %dma_wait3A_830 = arith.constant 0 : i32
    %dma_wait3A_831 = tpu.memref_slice %arg9[%dma_wait3A_828, %dma_wait3A_829, %dma_wait3A_830] : memref<50x128x16xf32, #tpu.memory_space<vmem>> -> memref<1x128x16xf32, #tpu.memory_space<vmem>>
    %dma_wait3A_832 = tpu.memref_squeeze %dma_wait3A_831 : memref<1x128x16xf32, #tpu.memory_space<vmem>> -> memref<128x16xf32, #tpu.memory_space<vmem>>
    %dma_wait3A_833 = arith.constant 0 : i32
    %dma_wait3A_834 = tpu.memref_slice %arg8[%dma_wait3A_827, %dma_wait3A_833] : memref<50x128xi32, #tpu.memory_space<vmem>> -> memref<1x128xi32, #tpu.memory_space<vmem>>
    %dma_wait3A_835 = tpu.memref_squeeze %dma_wait3A_834 : memref<1x128xi32, #tpu.memory_space<vmem>> -> memref<128xi32, #tpu.memory_space<vmem>>
    %dma_wait3A_836 = arith.constant 0 : i32
    %dma_wait3A_837 = arith.constant 0 : i32
    %dma_wait3A_838 = tpu.memref_slice %arg4[%dma_wait3A_836, %dma_wait3A_837] : memref<1048576x16xf32, #tpu.memory_space<hbm>> -> memref<1048576x16xf32, #tpu.memory_space<hbm>>
    tpu.wait_indirect_dma semaphore(%arg12 : memref<!tpu.dma_semaphore, #tpu.memory_space<semaphore_mem>>) src(%dma_wait3A_838 : memref<1048576x16xf32, #tpu.memory_space<hbm>>) dst(%dma_wait3A_832 : memref<128x16xf32, #tpu.memory_space<vmem>>)
    %dma_wait3A_839 = arith.constant 18 : i32
    %dma_wait3A_840 = arith.constant 18 : i32
    %dma_wait3A_841 = arith.constant 0 : i32
    %dma_wait3A_842 = arith.constant 0 : i32
    %dma_wait3A_843 = tpu.memref_slice %arg9[%dma_wait3A_840, %dma_wait3A_841, %dma_wait3A_842] : memref<50x128x16xf32, #tpu.memory_space<vmem>> -> memref<1x128x16xf32, #tpu.memory_space<vmem>>
    %dma_wait3A_844 = tpu.memref_squeeze %dma_wait3A_843 : memref<1x128x16xf32, #tpu.memory_space<vmem>> -> memref<128x16xf32, #tpu.memory_space<vmem>>
    %dma_wait3A_845 = arith.constant 0 : i32
    %dma_wait3A_846 = tpu.memref_slice %arg8[%dma_wait3A_839, %dma_wait3A_845] : memref<50x128xi32, #tpu.memory_space<vmem>> -> memref<1x128xi32, #tpu.memory_space<vmem>>
    %dma_wait3A_847 = tpu.memref_squeeze %dma_wait3A_846 : memref<1x128xi32, #tpu.memory_space<vmem>> -> memref<128xi32, #tpu.memory_space<vmem>>
    %dma_wait3A_848 = arith.constant 0 : i32
    %dma_wait3A_849 = arith.constant 0 : i32
    %dma_wait3A_850 = tpu.memref_slice %arg4[%dma_wait3A_848, %dma_wait3A_849] : memref<1048576x16xf32, #tpu.memory_space<hbm>> -> memref<1048576x16xf32, #tpu.memory_space<hbm>>
    tpu.wait_indirect_dma semaphore(%arg12 : memref<!tpu.dma_semaphore, #tpu.memory_space<semaphore_mem>>) src(%dma_wait3A_850 : memref<1048576x16xf32, #tpu.memory_space<hbm>>) dst(%dma_wait3A_844 : memref<128x16xf32, #tpu.memory_space<vmem>>)
    %dma_wait3A_851 = arith.constant 19 : i32
    %dma_wait3A_852 = arith.constant 19 : i32
    %dma_wait3A_853 = arith.constant 0 : i32
    %dma_wait3A_854 = arith.constant 0 : i32
    %dma_wait3A_855 = tpu.memref_slice %arg9[%dma_wait3A_852, %dma_wait3A_853, %dma_wait3A_854] : memref<50x128x16xf32, #tpu.memory_space<vmem>> -> memref<1x128x16xf32, #tpu.memory_space<vmem>>
    %dma_wait3A_856 = tpu.memref_squeeze %dma_wait3A_855 : memref<1x128x16xf32, #tpu.memory_space<vmem>> -> memref<128x16xf32, #tpu.memory_space<vmem>>
    %dma_wait3A_857 = arith.constant 0 : i32
    %dma_wait3A_858 = tpu.memref_slice %arg8[%dma_wait3A_851, %dma_wait3A_857] : memref<50x128xi32, #tpu.memory_space<vmem>> -> memref<1x128xi32, #tpu.memory_space<vmem>>
    %dma_wait3A_859 = tpu.memref_squeeze %dma_wait3A_858 : memref<1x128xi32, #tpu.memory_space<vmem>> -> memref<128xi32, #tpu.memory_space<vmem>>
    %dma_wait3A_860 = arith.constant 0 : i32
    %dma_wait3A_861 = arith.constant 0 : i32
    %dma_wait3A_862 = tpu.memref_slice %arg4[%dma_wait3A_860, %dma_wait3A_861] : memref<1048576x16xf32, #tpu.memory_space<hbm>> -> memref<1048576x16xf32, #tpu.memory_space<hbm>>
    tpu.wait_indirect_dma semaphore(%arg12 : memref<!tpu.dma_semaphore, #tpu.memory_space<semaphore_mem>>) src(%dma_wait3A_862 : memref<1048576x16xf32, #tpu.memory_space<hbm>>) dst(%dma_wait3A_856 : memref<128x16xf32, #tpu.memory_space<vmem>>)
    %dma_wait3A_863 = arith.constant 20 : i32
    %dma_wait3A_864 = arith.constant 20 : i32
    %dma_wait3A_865 = arith.constant 0 : i32
    %dma_wait3A_866 = arith.constant 0 : i32
    %dma_wait3A_867 = tpu.memref_slice %arg9[%dma_wait3A_864, %dma_wait3A_865, %dma_wait3A_866] : memref<50x128x16xf32, #tpu.memory_space<vmem>> -> memref<1x128x16xf32, #tpu.memory_space<vmem>>
    %dma_wait3A_868 = tpu.memref_squeeze %dma_wait3A_867 : memref<1x128x16xf32, #tpu.memory_space<vmem>> -> memref<128x16xf32, #tpu.memory_space<vmem>>
    %dma_wait3A_869 = arith.constant 0 : i32
    %dma_wait3A_870 = tpu.memref_slice %arg8[%dma_wait3A_863, %dma_wait3A_869] : memref<50x128xi32, #tpu.memory_space<vmem>> -> memref<1x128xi32, #tpu.memory_space<vmem>>
    %dma_wait3A_871 = tpu.memref_squeeze %dma_wait3A_870 : memref<1x128xi32, #tpu.memory_space<vmem>> -> memref<128xi32, #tpu.memory_space<vmem>>
    %dma_wait3A_872 = arith.constant 0 : i32
    %dma_wait3A_873 = arith.constant 0 : i32
    %dma_wait3A_874 = tpu.memref_slice %arg4[%dma_wait3A_872, %dma_wait3A_873] : memref<1048576x16xf32, #tpu.memory_space<hbm>> -> memref<1048576x16xf32, #tpu.memory_space<hbm>>
    tpu.wait_indirect_dma semaphore(%arg12 : memref<!tpu.dma_semaphore, #tpu.memory_space<semaphore_mem>>) src(%dma_wait3A_874 : memref<1048576x16xf32, #tpu.memory_space<hbm>>) dst(%dma_wait3A_868 : memref<128x16xf32, #tpu.memory_space<vmem>>)
    %dma_wait3A_875 = arith.constant 21 : i32
    %dma_wait3A_876 = arith.constant 21 : i32
    %dma_wait3A_877 = arith.constant 0 : i32
    %dma_wait3A_878 = arith.constant 0 : i32
    %dma_wait3A_879 = tpu.memref_slice %arg9[%dma_wait3A_876, %dma_wait3A_877, %dma_wait3A_878] : memref<50x128x16xf32, #tpu.memory_space<vmem>> -> memref<1x128x16xf32, #tpu.memory_space<vmem>>
    %dma_wait3A_880 = tpu.memref_squeeze %dma_wait3A_879 : memref<1x128x16xf32, #tpu.memory_space<vmem>> -> memref<128x16xf32, #tpu.memory_space<vmem>>
    %dma_wait3A_881 = arith.constant 0 : i32
    %dma_wait3A_882 = tpu.memref_slice %arg8[%dma_wait3A_875, %dma_wait3A_881] : memref<50x128xi32, #tpu.memory_space<vmem>> -> memref<1x128xi32, #tpu.memory_space<vmem>>
    %dma_wait3A_883 = tpu.memref_squeeze %dma_wait3A_882 : memref<1x128xi32, #tpu.memory_space<vmem>> -> memref<128xi32, #tpu.memory_space<vmem>>
    %dma_wait3A_884 = arith.constant 0 : i32
    %dma_wait3A_885 = arith.constant 0 : i32
    %dma_wait3A_886 = tpu.memref_slice %arg4[%dma_wait3A_884, %dma_wait3A_885] : memref<1048576x16xf32, #tpu.memory_space<hbm>> -> memref<1048576x16xf32, #tpu.memory_space<hbm>>
    tpu.wait_indirect_dma semaphore(%arg12 : memref<!tpu.dma_semaphore, #tpu.memory_space<semaphore_mem>>) src(%dma_wait3A_886 : memref<1048576x16xf32, #tpu.memory_space<hbm>>) dst(%dma_wait3A_880 : memref<128x16xf32, #tpu.memory_space<vmem>>)
    %dma_wait3A_887 = arith.constant 22 : i32
    %dma_wait3A_888 = arith.constant 22 : i32
    %dma_wait3A_889 = arith.constant 0 : i32
    %dma_wait3A_890 = arith.constant 0 : i32
    %dma_wait3A_891 = tpu.memref_slice %arg9[%dma_wait3A_888, %dma_wait3A_889, %dma_wait3A_890] : memref<50x128x16xf32, #tpu.memory_space<vmem>> -> memref<1x128x16xf32, #tpu.memory_space<vmem>>
    %dma_wait3A_892 = tpu.memref_squeeze %dma_wait3A_891 : memref<1x128x16xf32, #tpu.memory_space<vmem>> -> memref<128x16xf32, #tpu.memory_space<vmem>>
    %dma_wait3A_893 = arith.constant 0 : i32
    %dma_wait3A_894 = tpu.memref_slice %arg8[%dma_wait3A_887, %dma_wait3A_893] : memref<50x128xi32, #tpu.memory_space<vmem>> -> memref<1x128xi32, #tpu.memory_space<vmem>>
    %dma_wait3A_895 = tpu.memref_squeeze %dma_wait3A_894 : memref<1x128xi32, #tpu.memory_space<vmem>> -> memref<128xi32, #tpu.memory_space<vmem>>
    %dma_wait3A_896 = arith.constant 0 : i32
    %dma_wait3A_897 = arith.constant 0 : i32
    %dma_wait3A_898 = tpu.memref_slice %arg4[%dma_wait3A_896, %dma_wait3A_897] : memref<1048576x16xf32, #tpu.memory_space<hbm>> -> memref<1048576x16xf32, #tpu.memory_space<hbm>>
    tpu.wait_indirect_dma semaphore(%arg12 : memref<!tpu.dma_semaphore, #tpu.memory_space<semaphore_mem>>) src(%dma_wait3A_898 : memref<1048576x16xf32, #tpu.memory_space<hbm>>) dst(%dma_wait3A_892 : memref<128x16xf32, #tpu.memory_space<vmem>>)
    %dma_wait3A_899 = arith.constant 23 : i32
    %dma_wait3A_900 = arith.constant 23 : i32
    %dma_wait3A_901 = arith.constant 0 : i32
    %dma_wait3A_902 = arith.constant 0 : i32
    %dma_wait3A_903 = tpu.memref_slice %arg9[%dma_wait3A_900, %dma_wait3A_901, %dma_wait3A_902] : memref<50x128x16xf32, #tpu.memory_space<vmem>> -> memref<1x128x16xf32, #tpu.memory_space<vmem>>
    %dma_wait3A_904 = tpu.memref_squeeze %dma_wait3A_903 : memref<1x128x16xf32, #tpu.memory_space<vmem>> -> memref<128x16xf32, #tpu.memory_space<vmem>>
    %dma_wait3A_905 = arith.constant 0 : i32
    %dma_wait3A_906 = tpu.memref_slice %arg8[%dma_wait3A_899, %dma_wait3A_905] : memref<50x128xi32, #tpu.memory_space<vmem>> -> memref<1x128xi32, #tpu.memory_space<vmem>>
    %dma_wait3A_907 = tpu.memref_squeeze %dma_wait3A_906 : memref<1x128xi32, #tpu.memory_space<vmem>> -> memref<128xi32, #tpu.memory_space<vmem>>
    %dma_wait3A_908 = arith.constant 0 : i32
    %dma_wait3A_909 = arith.constant 0 : i32
    %dma_wait3A_910 = tpu.memref_slice %arg4[%dma_wait3A_908, %dma_wait3A_909] : memref<1048576x16xf32, #tpu.memory_space<hbm>> -> memref<1048576x16xf32, #tpu.memory_space<hbm>>
    tpu.wait_indirect_dma semaphore(%arg12 : memref<!tpu.dma_semaphore, #tpu.memory_space<semaphore_mem>>) src(%dma_wait3A_910 : memref<1048576x16xf32, #tpu.memory_space<hbm>>) dst(%dma_wait3A_904 : memref<128x16xf32, #tpu.memory_space<vmem>>)
    %dma_wait3A_911 = arith.constant 24 : i32
    %dma_wait3A_912 = arith.constant 24 : i32
    %dma_wait3A_913 = arith.constant 0 : i32
    %dma_wait3A_914 = arith.constant 0 : i32
    %dma_wait3A_915 = tpu.memref_slice %arg9[%dma_wait3A_912, %dma_wait3A_913, %dma_wait3A_914] : memref<50x128x16xf32, #tpu.memory_space<vmem>> -> memref<1x128x16xf32, #tpu.memory_space<vmem>>
    %dma_wait3A_916 = tpu.memref_squeeze %dma_wait3A_915 : memref<1x128x16xf32, #tpu.memory_space<vmem>> -> memref<128x16xf32, #tpu.memory_space<vmem>>
    %dma_wait3A_917 = arith.constant 0 : i32
    %dma_wait3A_918 = tpu.memref_slice %arg8[%dma_wait3A_911, %dma_wait3A_917] : memref<50x128xi32, #tpu.memory_space<vmem>> -> memref<1x128xi32, #tpu.memory_space<vmem>>
    %dma_wait3A_919 = tpu.memref_squeeze %dma_wait3A_918 : memref<1x128xi32, #tpu.memory_space<vmem>> -> memref<128xi32, #tpu.memory_space<vmem>>
    %dma_wait3A_920 = arith.constant 0 : i32
    %dma_wait3A_921 = arith.constant 0 : i32
    %dma_wait3A_922 = tpu.memref_slice %arg4[%dma_wait3A_920, %dma_wait3A_921] : memref<1048576x16xf32, #tpu.memory_space<hbm>> -> memref<1048576x16xf32, #tpu.memory_space<hbm>>
    tpu.wait_indirect_dma semaphore(%arg12 : memref<!tpu.dma_semaphore, #tpu.memory_space<semaphore_mem>>) src(%dma_wait3A_922 : memref<1048576x16xf32, #tpu.memory_space<hbm>>) dst(%dma_wait3A_916 : memref<128x16xf32, #tpu.memory_space<vmem>>)
    %dma_wait3A_923 = arith.constant 25 : i32
    %dma_wait3A_924 = arith.constant 25 : i32
    %dma_wait3A_925 = arith.constant 0 : i32
    %dma_wait3A_926 = arith.constant 0 : i32
    %dma_wait3A_927 = tpu.memref_slice %arg9[%dma_wait3A_924, %dma_wait3A_925, %dma_wait3A_926] : memref<50x128x16xf32, #tpu.memory_space<vmem>> -> memref<1x128x16xf32, #tpu.memory_space<vmem>>
    %dma_wait3A_928 = tpu.memref_squeeze %dma_wait3A_927 : memref<1x128x16xf32, #tpu.memory_space<vmem>> -> memref<128x16xf32, #tpu.memory_space<vmem>>
    %dma_wait3A_929 = arith.constant 0 : i32
    %dma_wait3A_930 = tpu.memref_slice %arg8[%dma_wait3A_923, %dma_wait3A_929] : memref<50x128xi32, #tpu.memory_space<vmem>> -> memref<1x128xi32, #tpu.memory_space<vmem>>
    %dma_wait3A_931 = tpu.memref_squeeze %dma_wait3A_930 : memref<1x128xi32, #tpu.memory_space<vmem>> -> memref<128xi32, #tpu.memory_space<vmem>>
    %dma_wait3A_932 = arith.constant 0 : i32
    %dma_wait3A_933 = arith.constant 0 : i32
    %dma_wait3A_934 = tpu.memref_slice %arg4[%dma_wait3A_932, %dma_wait3A_933] : memref<1048576x16xf32, #tpu.memory_space<hbm>> -> memref<1048576x16xf32, #tpu.memory_space<hbm>>
    tpu.wait_indirect_dma semaphore(%arg12 : memref<!tpu.dma_semaphore, #tpu.memory_space<semaphore_mem>>) src(%dma_wait3A_934 : memref<1048576x16xf32, #tpu.memory_space<hbm>>) dst(%dma_wait3A_928 : memref<128x16xf32, #tpu.memory_space<vmem>>)
    %dma_wait3A_935 = arith.constant 26 : i32
    %dma_wait3A_936 = arith.constant 26 : i32
    %dma_wait3A_937 = arith.constant 0 : i32
    %dma_wait3A_938 = arith.constant 0 : i32
    %dma_wait3A_939 = tpu.memref_slice %arg9[%dma_wait3A_936, %dma_wait3A_937, %dma_wait3A_938] : memref<50x128x16xf32, #tpu.memory_space<vmem>> -> memref<1x128x16xf32, #tpu.memory_space<vmem>>
    %dma_wait3A_940 = tpu.memref_squeeze %dma_wait3A_939 : memref<1x128x16xf32, #tpu.memory_space<vmem>> -> memref<128x16xf32, #tpu.memory_space<vmem>>
    %dma_wait3A_941 = arith.constant 0 : i32
    %dma_wait3A_942 = tpu.memref_slice %arg8[%dma_wait3A_935, %dma_wait3A_941] : memref<50x128xi32, #tpu.memory_space<vmem>> -> memref<1x128xi32, #tpu.memory_space<vmem>>
    %dma_wait3A_943 = tpu.memref_squeeze %dma_wait3A_942 : memref<1x128xi32, #tpu.memory_space<vmem>> -> memref<128xi32, #tpu.memory_space<vmem>>
    %dma_wait3A_944 = arith.constant 0 : i32
    %dma_wait3A_945 = arith.constant 0 : i32
    %dma_wait3A_946 = tpu.memref_slice %arg4[%dma_wait3A_944, %dma_wait3A_945] : memref<1048576x16xf32, #tpu.memory_space<hbm>> -> memref<1048576x16xf32, #tpu.memory_space<hbm>>
    tpu.wait_indirect_dma semaphore(%arg12 : memref<!tpu.dma_semaphore, #tpu.memory_space<semaphore_mem>>) src(%dma_wait3A_946 : memref<1048576x16xf32, #tpu.memory_space<hbm>>) dst(%dma_wait3A_940 : memref<128x16xf32, #tpu.memory_space<vmem>>)
    %dma_wait3A_947 = arith.constant 27 : i32
    %dma_wait3A_948 = arith.constant 27 : i32
    %dma_wait3A_949 = arith.constant 0 : i32
    %dma_wait3A_950 = arith.constant 0 : i32
    %dma_wait3A_951 = tpu.memref_slice %arg9[%dma_wait3A_948, %dma_wait3A_949, %dma_wait3A_950] : memref<50x128x16xf32, #tpu.memory_space<vmem>> -> memref<1x128x16xf32, #tpu.memory_space<vmem>>
    %dma_wait3A_952 = tpu.memref_squeeze %dma_wait3A_951 : memref<1x128x16xf32, #tpu.memory_space<vmem>> -> memref<128x16xf32, #tpu.memory_space<vmem>>
    %dma_wait3A_953 = arith.constant 0 : i32
    %dma_wait3A_954 = tpu.memref_slice %arg8[%dma_wait3A_947, %dma_wait3A_953] : memref<50x128xi32, #tpu.memory_space<vmem>> -> memref<1x128xi32, #tpu.memory_space<vmem>>
    %dma_wait3A_955 = tpu.memref_squeeze %dma_wait3A_954 : memref<1x128xi32, #tpu.memory_space<vmem>> -> memref<128xi32, #tpu.memory_space<vmem>>
    %dma_wait3A_956 = arith.constant 0 : i32
    %dma_wait3A_957 = arith.constant 0 : i32
    %dma_wait3A_958 = tpu.memref_slice %arg4[%dma_wait3A_956, %dma_wait3A_957] : memref<1048576x16xf32, #tpu.memory_space<hbm>> -> memref<1048576x16xf32, #tpu.memory_space<hbm>>
    tpu.wait_indirect_dma semaphore(%arg12 : memref<!tpu.dma_semaphore, #tpu.memory_space<semaphore_mem>>) src(%dma_wait3A_958 : memref<1048576x16xf32, #tpu.memory_space<hbm>>) dst(%dma_wait3A_952 : memref<128x16xf32, #tpu.memory_space<vmem>>)
    %dma_wait3A_959 = arith.constant 28 : i32
    %dma_wait3A_960 = arith.constant 28 : i32
    %dma_wait3A_961 = arith.constant 0 : i32
    %dma_wait3A_962 = arith.constant 0 : i32
    %dma_wait3A_963 = tpu.memref_slice %arg9[%dma_wait3A_960, %dma_wait3A_961, %dma_wait3A_962] : memref<50x128x16xf32, #tpu.memory_space<vmem>> -> memref<1x128x16xf32, #tpu.memory_space<vmem>>
    %dma_wait3A_964 = tpu.memref_squeeze %dma_wait3A_963 : memref<1x128x16xf32, #tpu.memory_space<vmem>> -> memref<128x16xf32, #tpu.memory_space<vmem>>
    %dma_wait3A_965 = arith.constant 0 : i32
    %dma_wait3A_966 = tpu.memref_slice %arg8[%dma_wait3A_959, %dma_wait3A_965] : memref<50x128xi32, #tpu.memory_space<vmem>> -> memref<1x128xi32, #tpu.memory_space<vmem>>
    %dma_wait3A_967 = tpu.memref_squeeze %dma_wait3A_966 : memref<1x128xi32, #tpu.memory_space<vmem>> -> memref<128xi32, #tpu.memory_space<vmem>>
    %dma_wait3A_968 = arith.constant 0 : i32
    %dma_wait3A_969 = arith.constant 0 : i32
    %dma_wait3A_970 = tpu.memref_slice %arg4[%dma_wait3A_968, %dma_wait3A_969] : memref<1048576x16xf32, #tpu.memory_space<hbm>> -> memref<1048576x16xf32, #tpu.memory_space<hbm>>
    tpu.wait_indirect_dma semaphore(%arg12 : memref<!tpu.dma_semaphore, #tpu.memory_space<semaphore_mem>>) src(%dma_wait3A_970 : memref<1048576x16xf32, #tpu.memory_space<hbm>>) dst(%dma_wait3A_964 : memref<128x16xf32, #tpu.memory_space<vmem>>)
    %dma_wait3A_971 = arith.constant 29 : i32
    %dma_wait3A_972 = arith.constant 29 : i32
    %dma_wait3A_973 = arith.constant 0 : i32
    %dma_wait3A_974 = arith.constant 0 : i32
    %dma_wait3A_975 = tpu.memref_slice %arg9[%dma_wait3A_972, %dma_wait3A_973, %dma_wait3A_974] : memref<50x128x16xf32, #tpu.memory_space<vmem>> -> memref<1x128x16xf32, #tpu.memory_space<vmem>>
    %dma_wait3A_976 = tpu.memref_squeeze %dma_wait3A_975 : memref<1x128x16xf32, #tpu.memory_space<vmem>> -> memref<128x16xf32, #tpu.memory_space<vmem>>
    %dma_wait3A_977 = arith.constant 0 : i32
    %dma_wait3A_978 = tpu.memref_slice %arg8[%dma_wait3A_971, %dma_wait3A_977] : memref<50x128xi32, #tpu.memory_space<vmem>> -> memref<1x128xi32, #tpu.memory_space<vmem>>
    %dma_wait3A_979 = tpu.memref_squeeze %dma_wait3A_978 : memref<1x128xi32, #tpu.memory_space<vmem>> -> memref<128xi32, #tpu.memory_space<vmem>>
    %dma_wait3A_980 = arith.constant 0 : i32
    %dma_wait3A_981 = arith.constant 0 : i32
    %dma_wait3A_982 = tpu.memref_slice %arg4[%dma_wait3A_980, %dma_wait3A_981] : memref<1048576x16xf32, #tpu.memory_space<hbm>> -> memref<1048576x16xf32, #tpu.memory_space<hbm>>
    tpu.wait_indirect_dma semaphore(%arg12 : memref<!tpu.dma_semaphore, #tpu.memory_space<semaphore_mem>>) src(%dma_wait3A_982 : memref<1048576x16xf32, #tpu.memory_space<hbm>>) dst(%dma_wait3A_976 : memref<128x16xf32, #tpu.memory_space<vmem>>)
    %dma_wait3A_983 = arith.constant 30 : i32
    %dma_wait3A_984 = arith.constant 30 : i32
    %dma_wait3A_985 = arith.constant 0 : i32
    %dma_wait3A_986 = arith.constant 0 : i32
    %dma_wait3A_987 = tpu.memref_slice %arg9[%dma_wait3A_984, %dma_wait3A_985, %dma_wait3A_986] : memref<50x128x16xf32, #tpu.memory_space<vmem>> -> memref<1x128x16xf32, #tpu.memory_space<vmem>>
    %dma_wait3A_988 = tpu.memref_squeeze %dma_wait3A_987 : memref<1x128x16xf32, #tpu.memory_space<vmem>> -> memref<128x16xf32, #tpu.memory_space<vmem>>
    %dma_wait3A_989 = arith.constant 0 : i32
    %dma_wait3A_990 = tpu.memref_slice %arg8[%dma_wait3A_983, %dma_wait3A_989] : memref<50x128xi32, #tpu.memory_space<vmem>> -> memref<1x128xi32, #tpu.memory_space<vmem>>
    %dma_wait3A_991 = tpu.memref_squeeze %dma_wait3A_990 : memref<1x128xi32, #tpu.memory_space<vmem>> -> memref<128xi32, #tpu.memory_space<vmem>>
    %dma_wait3A_992 = arith.constant 0 : i32
    %dma_wait3A_993 = arith.constant 0 : i32
    %dma_wait3A_994 = tpu.memref_slice %arg4[%dma_wait3A_992, %dma_wait3A_993] : memref<1048576x16xf32, #tpu.memory_space<hbm>> -> memref<1048576x16xf32, #tpu.memory_space<hbm>>
    tpu.wait_indirect_dma semaphore(%arg12 : memref<!tpu.dma_semaphore, #tpu.memory_space<semaphore_mem>>) src(%dma_wait3A_994 : memref<1048576x16xf32, #tpu.memory_space<hbm>>) dst(%dma_wait3A_988 : memref<128x16xf32, #tpu.memory_space<vmem>>)
    %dma_wait3A_995 = arith.constant 31 : i32
    %dma_wait3A_996 = arith.constant 31 : i32
    %dma_wait3A_997 = arith.constant 0 : i32
    %dma_wait3A_998 = arith.constant 0 : i32
    %dma_wait3A_999 = tpu.memref_slice %arg9[%dma_wait3A_996, %dma_wait3A_997, %dma_wait3A_998] : memref<50x128x16xf32, #tpu.memory_space<vmem>> -> memref<1x128x16xf32, #tpu.memory_space<vmem>>
    %dma_wait3A_1000 = tpu.memref_squeeze %dma_wait3A_999 : memref<1x128x16xf32, #tpu.memory_space<vmem>> -> memref<128x16xf32, #tpu.memory_space<vmem>>
    %dma_wait3A_1001 = arith.constant 0 : i32
    %dma_wait3A_1002 = tpu.memref_slice %arg8[%dma_wait3A_995, %dma_wait3A_1001] : memref<50x128xi32, #tpu.memory_space<vmem>> -> memref<1x128xi32, #tpu.memory_space<vmem>>
    %dma_wait3A_1003 = tpu.memref_squeeze %dma_wait3A_1002 : memref<1x128xi32, #tpu.memory_space<vmem>> -> memref<128xi32, #tpu.memory_space<vmem>>
    %dma_wait3A_1004 = arith.constant 0 : i32
    %dma_wait3A_1005 = arith.constant 0 : i32
    %dma_wait3A_1006 = tpu.memref_slice %arg4[%dma_wait3A_1004, %dma_wait3A_1005] : memref<1048576x16xf32, #tpu.memory_space<hbm>> -> memref<1048576x16xf32, #tpu.memory_space<hbm>>
    tpu.wait_indirect_dma semaphore(%arg12 : memref<!tpu.dma_semaphore, #tpu.memory_space<semaphore_mem>>) src(%dma_wait3A_1006 : memref<1048576x16xf32, #tpu.memory_space<hbm>>) dst(%dma_wait3A_1000 : memref<128x16xf32, #tpu.memory_space<vmem>>)
    %dma_wait3A_1007 = arith.constant 32 : i32
    %dma_wait3A_1008 = arith.constant 32 : i32
    %dma_wait3A_1009 = arith.constant 0 : i32
    %dma_wait3A_1010 = arith.constant 0 : i32
    %dma_wait3A_1011 = tpu.memref_slice %arg9[%dma_wait3A_1008, %dma_wait3A_1009, %dma_wait3A_1010] : memref<50x128x16xf32, #tpu.memory_space<vmem>> -> memref<1x128x16xf32, #tpu.memory_space<vmem>>
    %dma_wait3A_1012 = tpu.memref_squeeze %dma_wait3A_1011 : memref<1x128x16xf32, #tpu.memory_space<vmem>> -> memref<128x16xf32, #tpu.memory_space<vmem>>
    %dma_wait3A_1013 = arith.constant 0 : i32
    %dma_wait3A_1014 = tpu.memref_slice %arg8[%dma_wait3A_1007, %dma_wait3A_1013] : memref<50x128xi32, #tpu.memory_space<vmem>> -> memref<1x128xi32, #tpu.memory_space<vmem>>
    %dma_wait3A_1015 = tpu.memref_squeeze %dma_wait3A_1014 : memref<1x128xi32, #tpu.memory_space<vmem>> -> memref<128xi32, #tpu.memory_space<vmem>>
    %dma_wait3A_1016 = arith.constant 0 : i32
    %dma_wait3A_1017 = arith.constant 0 : i32
    %dma_wait3A_1018 = tpu.memref_slice %arg4[%dma_wait3A_1016, %dma_wait3A_1017] : memref<1048576x16xf32, #tpu.memory_space<hbm>> -> memref<1048576x16xf32, #tpu.memory_space<hbm>>
    tpu.wait_indirect_dma semaphore(%arg12 : memref<!tpu.dma_semaphore, #tpu.memory_space<semaphore_mem>>) src(%dma_wait3A_1018 : memref<1048576x16xf32, #tpu.memory_space<hbm>>) dst(%dma_wait3A_1012 : memref<128x16xf32, #tpu.memory_space<vmem>>)
    %dma_wait3A_1019 = arith.constant 33 : i32
    %dma_wait3A_1020 = arith.constant 33 : i32
    %dma_wait3A_1021 = arith.constant 0 : i32
    %dma_wait3A_1022 = arith.constant 0 : i32
    %dma_wait3A_1023 = tpu.memref_slice %arg9[%dma_wait3A_1020, %dma_wait3A_1021, %dma_wait3A_1022] : memref<50x128x16xf32, #tpu.memory_space<vmem>> -> memref<1x128x16xf32, #tpu.memory_space<vmem>>
    %dma_wait3A_1024 = tpu.memref_squeeze %dma_wait3A_1023 : memref<1x128x16xf32, #tpu.memory_space<vmem>> -> memref<128x16xf32, #tpu.memory_space<vmem>>
    %dma_wait3A_1025 = arith.constant 0 : i32
    %dma_wait3A_1026 = tpu.memref_slice %arg8[%dma_wait3A_1019, %dma_wait3A_1025] : memref<50x128xi32, #tpu.memory_space<vmem>> -> memref<1x128xi32, #tpu.memory_space<vmem>>
    %dma_wait3A_1027 = tpu.memref_squeeze %dma_wait3A_1026 : memref<1x128xi32, #tpu.memory_space<vmem>> -> memref<128xi32, #tpu.memory_space<vmem>>
    %dma_wait3A_1028 = arith.constant 0 : i32
    %dma_wait3A_1029 = arith.constant 0 : i32
    %dma_wait3A_1030 = tpu.memref_slice %arg4[%dma_wait3A_1028, %dma_wait3A_1029] : memref<1048576x16xf32, #tpu.memory_space<hbm>> -> memref<1048576x16xf32, #tpu.memory_space<hbm>>
    tpu.wait_indirect_dma semaphore(%arg12 : memref<!tpu.dma_semaphore, #tpu.memory_space<semaphore_mem>>) src(%dma_wait3A_1030 : memref<1048576x16xf32, #tpu.memory_space<hbm>>) dst(%dma_wait3A_1024 : memref<128x16xf32, #tpu.memory_space<vmem>>)
    %dma_wait3A_1031 = arith.constant 34 : i32
    %dma_wait3A_1032 = arith.constant 34 : i32
    %dma_wait3A_1033 = arith.constant 0 : i32
    %dma_wait3A_1034 = arith.constant 0 : i32
    %dma_wait3A_1035 = tpu.memref_slice %arg9[%dma_wait3A_1032, %dma_wait3A_1033, %dma_wait3A_1034] : memref<50x128x16xf32, #tpu.memory_space<vmem>> -> memref<1x128x16xf32, #tpu.memory_space<vmem>>
    %dma_wait3A_1036 = tpu.memref_squeeze %dma_wait3A_1035 : memref<1x128x16xf32, #tpu.memory_space<vmem>> -> memref<128x16xf32, #tpu.memory_space<vmem>>
    %dma_wait3A_1037 = arith.constant 0 : i32
    %dma_wait3A_1038 = tpu.memref_slice %arg8[%dma_wait3A_1031, %dma_wait3A_1037] : memref<50x128xi32, #tpu.memory_space<vmem>> -> memref<1x128xi32, #tpu.memory_space<vmem>>
    %dma_wait3A_1039 = tpu.memref_squeeze %dma_wait3A_1038 : memref<1x128xi32, #tpu.memory_space<vmem>> -> memref<128xi32, #tpu.memory_space<vmem>>
    %dma_wait3A_1040 = arith.constant 0 : i32
    %dma_wait3A_1041 = arith.constant 0 : i32
    %dma_wait3A_1042 = tpu.memref_slice %arg4[%dma_wait3A_1040, %dma_wait3A_1041] : memref<1048576x16xf32, #tpu.memory_space<hbm>> -> memref<1048576x16xf32, #tpu.memory_space<hbm>>
    tpu.wait_indirect_dma semaphore(%arg12 : memref<!tpu.dma_semaphore, #tpu.memory_space<semaphore_mem>>) src(%dma_wait3A_1042 : memref<1048576x16xf32, #tpu.memory_space<hbm>>) dst(%dma_wait3A_1036 : memref<128x16xf32, #tpu.memory_space<vmem>>)
    %dma_wait3A_1043 = arith.constant 35 : i32
    %dma_wait3A_1044 = arith.constant 35 : i32
    %dma_wait3A_1045 = arith.constant 0 : i32
    %dma_wait3A_1046 = arith.constant 0 : i32
    %dma_wait3A_1047 = tpu.memref_slice %arg9[%dma_wait3A_1044, %dma_wait3A_1045, %dma_wait3A_1046] : memref<50x128x16xf32, #tpu.memory_space<vmem>> -> memref<1x128x16xf32, #tpu.memory_space<vmem>>
    %dma_wait3A_1048 = tpu.memref_squeeze %dma_wait3A_1047 : memref<1x128x16xf32, #tpu.memory_space<vmem>> -> memref<128x16xf32, #tpu.memory_space<vmem>>
    %dma_wait3A_1049 = arith.constant 0 : i32
    %dma_wait3A_1050 = tpu.memref_slice %arg8[%dma_wait3A_1043, %dma_wait3A_1049] : memref<50x128xi32, #tpu.memory_space<vmem>> -> memref<1x128xi32, #tpu.memory_space<vmem>>
    %dma_wait3A_1051 = tpu.memref_squeeze %dma_wait3A_1050 : memref<1x128xi32, #tpu.memory_space<vmem>> -> memref<128xi32, #tpu.memory_space<vmem>>
    %dma_wait3A_1052 = arith.constant 0 : i32
    %dma_wait3A_1053 = arith.constant 0 : i32
    %dma_wait3A_1054 = tpu.memref_slice %arg4[%dma_wait3A_1052, %dma_wait3A_1053] : memref<1048576x16xf32, #tpu.memory_space<hbm>> -> memref<1048576x16xf32, #tpu.memory_space<hbm>>
    tpu.wait_indirect_dma semaphore(%arg12 : memref<!tpu.dma_semaphore, #tpu.memory_space<semaphore_mem>>) src(%dma_wait3A_1054 : memref<1048576x16xf32, #tpu.memory_space<hbm>>) dst(%dma_wait3A_1048 : memref<128x16xf32, #tpu.memory_space<vmem>>)
    %dma_wait3A_1055 = arith.constant 36 : i32
    %dma_wait3A_1056 = arith.constant 36 : i32
    %dma_wait3A_1057 = arith.constant 0 : i32
    %dma_wait3A_1058 = arith.constant 0 : i32
    %dma_wait3A_1059 = tpu.memref_slice %arg9[%dma_wait3A_1056, %dma_wait3A_1057, %dma_wait3A_1058] : memref<50x128x16xf32, #tpu.memory_space<vmem>> -> memref<1x128x16xf32, #tpu.memory_space<vmem>>
    %dma_wait3A_1060 = tpu.memref_squeeze %dma_wait3A_1059 : memref<1x128x16xf32, #tpu.memory_space<vmem>> -> memref<128x16xf32, #tpu.memory_space<vmem>>
    %dma_wait3A_1061 = arith.constant 0 : i32
    %dma_wait3A_1062 = tpu.memref_slice %arg8[%dma_wait3A_1055, %dma_wait3A_1061] : memref<50x128xi32, #tpu.memory_space<vmem>> -> memref<1x128xi32, #tpu.memory_space<vmem>>
    %dma_wait3A_1063 = tpu.memref_squeeze %dma_wait3A_1062 : memref<1x128xi32, #tpu.memory_space<vmem>> -> memref<128xi32, #tpu.memory_space<vmem>>
    %dma_wait3A_1064 = arith.constant 0 : i32
    %dma_wait3A_1065 = arith.constant 0 : i32
    %dma_wait3A_1066 = tpu.memref_slice %arg4[%dma_wait3A_1064, %dma_wait3A_1065] : memref<1048576x16xf32, #tpu.memory_space<hbm>> -> memref<1048576x16xf32, #tpu.memory_space<hbm>>
    tpu.wait_indirect_dma semaphore(%arg12 : memref<!tpu.dma_semaphore, #tpu.memory_space<semaphore_mem>>) src(%dma_wait3A_1066 : memref<1048576x16xf32, #tpu.memory_space<hbm>>) dst(%dma_wait3A_1060 : memref<128x16xf32, #tpu.memory_space<vmem>>)
    %dma_wait3A_1067 = arith.constant 37 : i32
    %dma_wait3A_1068 = arith.constant 37 : i32
    %dma_wait3A_1069 = arith.constant 0 : i32
    %dma_wait3A_1070 = arith.constant 0 : i32
    %dma_wait3A_1071 = tpu.memref_slice %arg9[%dma_wait3A_1068, %dma_wait3A_1069, %dma_wait3A_1070] : memref<50x128x16xf32, #tpu.memory_space<vmem>> -> memref<1x128x16xf32, #tpu.memory_space<vmem>>
    %dma_wait3A_1072 = tpu.memref_squeeze %dma_wait3A_1071 : memref<1x128x16xf32, #tpu.memory_space<vmem>> -> memref<128x16xf32, #tpu.memory_space<vmem>>
    %dma_wait3A_1073 = arith.constant 0 : i32
    %dma_wait3A_1074 = tpu.memref_slice %arg8[%dma_wait3A_1067, %dma_wait3A_1073] : memref<50x128xi32, #tpu.memory_space<vmem>> -> memref<1x128xi32, #tpu.memory_space<vmem>>
    %dma_wait3A_1075 = tpu.memref_squeeze %dma_wait3A_1074 : memref<1x128xi32, #tpu.memory_space<vmem>> -> memref<128xi32, #tpu.memory_space<vmem>>
    %dma_wait3A_1076 = arith.constant 0 : i32
    %dma_wait3A_1077 = arith.constant 0 : i32
    %dma_wait3A_1078 = tpu.memref_slice %arg4[%dma_wait3A_1076, %dma_wait3A_1077] : memref<1048576x16xf32, #tpu.memory_space<hbm>> -> memref<1048576x16xf32, #tpu.memory_space<hbm>>
    tpu.wait_indirect_dma semaphore(%arg12 : memref<!tpu.dma_semaphore, #tpu.memory_space<semaphore_mem>>) src(%dma_wait3A_1078 : memref<1048576x16xf32, #tpu.memory_space<hbm>>) dst(%dma_wait3A_1072 : memref<128x16xf32, #tpu.memory_space<vmem>>)
    %dma_wait3A_1079 = arith.constant 38 : i32
    %dma_wait3A_1080 = arith.constant 38 : i32
    %dma_wait3A_1081 = arith.constant 0 : i32
    %dma_wait3A_1082 = arith.constant 0 : i32
    %dma_wait3A_1083 = tpu.memref_slice %arg9[%dma_wait3A_1080, %dma_wait3A_1081, %dma_wait3A_1082] : memref<50x128x16xf32, #tpu.memory_space<vmem>> -> memref<1x128x16xf32, #tpu.memory_space<vmem>>
    %dma_wait3A_1084 = tpu.memref_squeeze %dma_wait3A_1083 : memref<1x128x16xf32, #tpu.memory_space<vmem>> -> memref<128x16xf32, #tpu.memory_space<vmem>>
    %dma_wait3A_1085 = arith.constant 0 : i32
    %dma_wait3A_1086 = tpu.memref_slice %arg8[%dma_wait3A_1079, %dma_wait3A_1085] : memref<50x128xi32, #tpu.memory_space<vmem>> -> memref<1x128xi32, #tpu.memory_space<vmem>>
    %dma_wait3A_1087 = tpu.memref_squeeze %dma_wait3A_1086 : memref<1x128xi32, #tpu.memory_space<vmem>> -> memref<128xi32, #tpu.memory_space<vmem>>
    %dma_wait3A_1088 = arith.constant 0 : i32
    %dma_wait3A_1089 = arith.constant 0 : i32
    %dma_wait3A_1090 = tpu.memref_slice %arg4[%dma_wait3A_1088, %dma_wait3A_1089] : memref<1048576x16xf32, #tpu.memory_space<hbm>> -> memref<1048576x16xf32, #tpu.memory_space<hbm>>
    tpu.wait_indirect_dma semaphore(%arg12 : memref<!tpu.dma_semaphore, #tpu.memory_space<semaphore_mem>>) src(%dma_wait3A_1090 : memref<1048576x16xf32, #tpu.memory_space<hbm>>) dst(%dma_wait3A_1084 : memref<128x16xf32, #tpu.memory_space<vmem>>)
    %dma_wait3A_1091 = arith.constant 39 : i32
    %dma_wait3A_1092 = arith.constant 39 : i32
    %dma_wait3A_1093 = arith.constant 0 : i32
    %dma_wait3A_1094 = arith.constant 0 : i32
    %dma_wait3A_1095 = tpu.memref_slice %arg9[%dma_wait3A_1092, %dma_wait3A_1093, %dma_wait3A_1094] : memref<50x128x16xf32, #tpu.memory_space<vmem>> -> memref<1x128x16xf32, #tpu.memory_space<vmem>>
    %dma_wait3A_1096 = tpu.memref_squeeze %dma_wait3A_1095 : memref<1x128x16xf32, #tpu.memory_space<vmem>> -> memref<128x16xf32, #tpu.memory_space<vmem>>
    %dma_wait3A_1097 = arith.constant 0 : i32
    %dma_wait3A_1098 = tpu.memref_slice %arg8[%dma_wait3A_1091, %dma_wait3A_1097] : memref<50x128xi32, #tpu.memory_space<vmem>> -> memref<1x128xi32, #tpu.memory_space<vmem>>
    %dma_wait3A_1099 = tpu.memref_squeeze %dma_wait3A_1098 : memref<1x128xi32, #tpu.memory_space<vmem>> -> memref<128xi32, #tpu.memory_space<vmem>>
    %dma_wait3A_1100 = arith.constant 0 : i32
    %dma_wait3A_1101 = arith.constant 0 : i32
    %dma_wait3A_1102 = tpu.memref_slice %arg4[%dma_wait3A_1100, %dma_wait3A_1101] : memref<1048576x16xf32, #tpu.memory_space<hbm>> -> memref<1048576x16xf32, #tpu.memory_space<hbm>>
    tpu.wait_indirect_dma semaphore(%arg12 : memref<!tpu.dma_semaphore, #tpu.memory_space<semaphore_mem>>) src(%dma_wait3A_1102 : memref<1048576x16xf32, #tpu.memory_space<hbm>>) dst(%dma_wait3A_1096 : memref<128x16xf32, #tpu.memory_space<vmem>>)
    %dma_wait3A_1103 = arith.constant 40 : i32
    %dma_wait3A_1104 = arith.constant 40 : i32
    %dma_wait3A_1105 = arith.constant 0 : i32
    %dma_wait3A_1106 = arith.constant 0 : i32
    %dma_wait3A_1107 = tpu.memref_slice %arg9[%dma_wait3A_1104, %dma_wait3A_1105, %dma_wait3A_1106] : memref<50x128x16xf32, #tpu.memory_space<vmem>> -> memref<1x128x16xf32, #tpu.memory_space<vmem>>
    %dma_wait3A_1108 = tpu.memref_squeeze %dma_wait3A_1107 : memref<1x128x16xf32, #tpu.memory_space<vmem>> -> memref<128x16xf32, #tpu.memory_space<vmem>>
    %dma_wait3A_1109 = arith.constant 0 : i32
    %dma_wait3A_1110 = tpu.memref_slice %arg8[%dma_wait3A_1103, %dma_wait3A_1109] : memref<50x128xi32, #tpu.memory_space<vmem>> -> memref<1x128xi32, #tpu.memory_space<vmem>>
    %dma_wait3A_1111 = tpu.memref_squeeze %dma_wait3A_1110 : memref<1x128xi32, #tpu.memory_space<vmem>> -> memref<128xi32, #tpu.memory_space<vmem>>
    %dma_wait3A_1112 = arith.constant 0 : i32
    %dma_wait3A_1113 = arith.constant 0 : i32
    %dma_wait3A_1114 = tpu.memref_slice %arg4[%dma_wait3A_1112, %dma_wait3A_1113] : memref<1048576x16xf32, #tpu.memory_space<hbm>> -> memref<1048576x16xf32, #tpu.memory_space<hbm>>
    tpu.wait_indirect_dma semaphore(%arg12 : memref<!tpu.dma_semaphore, #tpu.memory_space<semaphore_mem>>) src(%dma_wait3A_1114 : memref<1048576x16xf32, #tpu.memory_space<hbm>>) dst(%dma_wait3A_1108 : memref<128x16xf32, #tpu.memory_space<vmem>>)
    %dma_wait3A_1115 = arith.constant 41 : i32
    %dma_wait3A_1116 = arith.constant 41 : i32
    %dma_wait3A_1117 = arith.constant 0 : i32
    %dma_wait3A_1118 = arith.constant 0 : i32
    %dma_wait3A_1119 = tpu.memref_slice %arg9[%dma_wait3A_1116, %dma_wait3A_1117, %dma_wait3A_1118] : memref<50x128x16xf32, #tpu.memory_space<vmem>> -> memref<1x128x16xf32, #tpu.memory_space<vmem>>
    %dma_wait3A_1120 = tpu.memref_squeeze %dma_wait3A_1119 : memref<1x128x16xf32, #tpu.memory_space<vmem>> -> memref<128x16xf32, #tpu.memory_space<vmem>>
    %dma_wait3A_1121 = arith.constant 0 : i32
    %dma_wait3A_1122 = tpu.memref_slice %arg8[%dma_wait3A_1115, %dma_wait3A_1121] : memref<50x128xi32, #tpu.memory_space<vmem>> -> memref<1x128xi32, #tpu.memory_space<vmem>>
    %dma_wait3A_1123 = tpu.memref_squeeze %dma_wait3A_1122 : memref<1x128xi32, #tpu.memory_space<vmem>> -> memref<128xi32, #tpu.memory_space<vmem>>
    %dma_wait3A_1124 = arith.constant 0 : i32
    %dma_wait3A_1125 = arith.constant 0 : i32
    %dma_wait3A_1126 = tpu.memref_slice %arg4[%dma_wait3A_1124, %dma_wait3A_1125] : memref<1048576x16xf32, #tpu.memory_space<hbm>> -> memref<1048576x16xf32, #tpu.memory_space<hbm>>
    tpu.wait_indirect_dma semaphore(%arg12 : memref<!tpu.dma_semaphore, #tpu.memory_space<semaphore_mem>>) src(%dma_wait3A_1126 : memref<1048576x16xf32, #tpu.memory_space<hbm>>) dst(%dma_wait3A_1120 : memref<128x16xf32, #tpu.memory_space<vmem>>)
    %dma_wait3A_1127 = arith.constant 42 : i32
    %dma_wait3A_1128 = arith.constant 42 : i32
    %dma_wait3A_1129 = arith.constant 0 : i32
    %dma_wait3A_1130 = arith.constant 0 : i32
    %dma_wait3A_1131 = tpu.memref_slice %arg9[%dma_wait3A_1128, %dma_wait3A_1129, %dma_wait3A_1130] : memref<50x128x16xf32, #tpu.memory_space<vmem>> -> memref<1x128x16xf32, #tpu.memory_space<vmem>>
    %dma_wait3A_1132 = tpu.memref_squeeze %dma_wait3A_1131 : memref<1x128x16xf32, #tpu.memory_space<vmem>> -> memref<128x16xf32, #tpu.memory_space<vmem>>
    %dma_wait3A_1133 = arith.constant 0 : i32
    %dma_wait3A_1134 = tpu.memref_slice %arg8[%dma_wait3A_1127, %dma_wait3A_1133] : memref<50x128xi32, #tpu.memory_space<vmem>> -> memref<1x128xi32, #tpu.memory_space<vmem>>
    %dma_wait3A_1135 = tpu.memref_squeeze %dma_wait3A_1134 : memref<1x128xi32, #tpu.memory_space<vmem>> -> memref<128xi32, #tpu.memory_space<vmem>>
    %dma_wait3A_1136 = arith.constant 0 : i32
    %dma_wait3A_1137 = arith.constant 0 : i32
    %dma_wait3A_1138 = tpu.memref_slice %arg4[%dma_wait3A_1136, %dma_wait3A_1137] : memref<1048576x16xf32, #tpu.memory_space<hbm>> -> memref<1048576x16xf32, #tpu.memory_space<hbm>>
    tpu.wait_indirect_dma semaphore(%arg12 : memref<!tpu.dma_semaphore, #tpu.memory_space<semaphore_mem>>) src(%dma_wait3A_1138 : memref<1048576x16xf32, #tpu.memory_space<hbm>>) dst(%dma_wait3A_1132 : memref<128x16xf32, #tpu.memory_space<vmem>>)
    %dma_wait3A_1139 = arith.constant 43 : i32
    %dma_wait3A_1140 = arith.constant 43 : i32
    %dma_wait3A_1141 = arith.constant 0 : i32
    %dma_wait3A_1142 = arith.constant 0 : i32
    %dma_wait3A_1143 = tpu.memref_slice %arg9[%dma_wait3A_1140, %dma_wait3A_1141, %dma_wait3A_1142] : memref<50x128x16xf32, #tpu.memory_space<vmem>> -> memref<1x128x16xf32, #tpu.memory_space<vmem>>
    %dma_wait3A_1144 = tpu.memref_squeeze %dma_wait3A_1143 : memref<1x128x16xf32, #tpu.memory_space<vmem>> -> memref<128x16xf32, #tpu.memory_space<vmem>>
    %dma_wait3A_1145 = arith.constant 0 : i32
    %dma_wait3A_1146 = tpu.memref_slice %arg8[%dma_wait3A_1139, %dma_wait3A_1145] : memref<50x128xi32, #tpu.memory_space<vmem>> -> memref<1x128xi32, #tpu.memory_space<vmem>>
    %dma_wait3A_1147 = tpu.memref_squeeze %dma_wait3A_1146 : memref<1x128xi32, #tpu.memory_space<vmem>> -> memref<128xi32, #tpu.memory_space<vmem>>
    %dma_wait3A_1148 = arith.constant 0 : i32
    %dma_wait3A_1149 = arith.constant 0 : i32
    %dma_wait3A_1150 = tpu.memref_slice %arg4[%dma_wait3A_1148, %dma_wait3A_1149] : memref<1048576x16xf32, #tpu.memory_space<hbm>> -> memref<1048576x16xf32, #tpu.memory_space<hbm>>
    tpu.wait_indirect_dma semaphore(%arg12 : memref<!tpu.dma_semaphore, #tpu.memory_space<semaphore_mem>>) src(%dma_wait3A_1150 : memref<1048576x16xf32, #tpu.memory_space<hbm>>) dst(%dma_wait3A_1144 : memref<128x16xf32, #tpu.memory_space<vmem>>)
    %dma_wait3A_1151 = arith.constant 44 : i32
    %dma_wait3A_1152 = arith.constant 44 : i32
    %dma_wait3A_1153 = arith.constant 0 : i32
    %dma_wait3A_1154 = arith.constant 0 : i32
    %dma_wait3A_1155 = tpu.memref_slice %arg9[%dma_wait3A_1152, %dma_wait3A_1153, %dma_wait3A_1154] : memref<50x128x16xf32, #tpu.memory_space<vmem>> -> memref<1x128x16xf32, #tpu.memory_space<vmem>>
    %dma_wait3A_1156 = tpu.memref_squeeze %dma_wait3A_1155 : memref<1x128x16xf32, #tpu.memory_space<vmem>> -> memref<128x16xf32, #tpu.memory_space<vmem>>
    %dma_wait3A_1157 = arith.constant 0 : i32
    %dma_wait3A_1158 = tpu.memref_slice %arg8[%dma_wait3A_1151, %dma_wait3A_1157] : memref<50x128xi32, #tpu.memory_space<vmem>> -> memref<1x128xi32, #tpu.memory_space<vmem>>
    %dma_wait3A_1159 = tpu.memref_squeeze %dma_wait3A_1158 : memref<1x128xi32, #tpu.memory_space<vmem>> -> memref<128xi32, #tpu.memory_space<vmem>>
    %dma_wait3A_1160 = arith.constant 0 : i32
    %dma_wait3A_1161 = arith.constant 0 : i32
    %dma_wait3A_1162 = tpu.memref_slice %arg4[%dma_wait3A_1160, %dma_wait3A_1161] : memref<1048576x16xf32, #tpu.memory_space<hbm>> -> memref<1048576x16xf32, #tpu.memory_space<hbm>>
    tpu.wait_indirect_dma semaphore(%arg12 : memref<!tpu.dma_semaphore, #tpu.memory_space<semaphore_mem>>) src(%dma_wait3A_1162 : memref<1048576x16xf32, #tpu.memory_space<hbm>>) dst(%dma_wait3A_1156 : memref<128x16xf32, #tpu.memory_space<vmem>>)
    %dma_wait3A_1163 = arith.constant 45 : i32
    %dma_wait3A_1164 = arith.constant 45 : i32
    %dma_wait3A_1165 = arith.constant 0 : i32
    %dma_wait3A_1166 = arith.constant 0 : i32
    %dma_wait3A_1167 = tpu.memref_slice %arg9[%dma_wait3A_1164, %dma_wait3A_1165, %dma_wait3A_1166] : memref<50x128x16xf32, #tpu.memory_space<vmem>> -> memref<1x128x16xf32, #tpu.memory_space<vmem>>
    %dma_wait3A_1168 = tpu.memref_squeeze %dma_wait3A_1167 : memref<1x128x16xf32, #tpu.memory_space<vmem>> -> memref<128x16xf32, #tpu.memory_space<vmem>>
    %dma_wait3A_1169 = arith.constant 0 : i32
    %dma_wait3A_1170 = tpu.memref_slice %arg8[%dma_wait3A_1163, %dma_wait3A_1169] : memref<50x128xi32, #tpu.memory_space<vmem>> -> memref<1x128xi32, #tpu.memory_space<vmem>>
    %dma_wait3A_1171 = tpu.memref_squeeze %dma_wait3A_1170 : memref<1x128xi32, #tpu.memory_space<vmem>> -> memref<128xi32, #tpu.memory_space<vmem>>
    %dma_wait3A_1172 = arith.constant 0 : i32
    %dma_wait3A_1173 = arith.constant 0 : i32
    %dma_wait3A_1174 = tpu.memref_slice %arg4[%dma_wait3A_1172, %dma_wait3A_1173] : memref<1048576x16xf32, #tpu.memory_space<hbm>> -> memref<1048576x16xf32, #tpu.memory_space<hbm>>
    tpu.wait_indirect_dma semaphore(%arg12 : memref<!tpu.dma_semaphore, #tpu.memory_space<semaphore_mem>>) src(%dma_wait3A_1174 : memref<1048576x16xf32, #tpu.memory_space<hbm>>) dst(%dma_wait3A_1168 : memref<128x16xf32, #tpu.memory_space<vmem>>)
    %dma_wait3A_1175 = arith.constant 46 : i32
    %dma_wait3A_1176 = arith.constant 46 : i32
    %dma_wait3A_1177 = arith.constant 0 : i32
    %dma_wait3A_1178 = arith.constant 0 : i32
    %dma_wait3A_1179 = tpu.memref_slice %arg9[%dma_wait3A_1176, %dma_wait3A_1177, %dma_wait3A_1178] : memref<50x128x16xf32, #tpu.memory_space<vmem>> -> memref<1x128x16xf32, #tpu.memory_space<vmem>>
    %dma_wait3A_1180 = tpu.memref_squeeze %dma_wait3A_1179 : memref<1x128x16xf32, #tpu.memory_space<vmem>> -> memref<128x16xf32, #tpu.memory_space<vmem>>
    %dma_wait3A_1181 = arith.constant 0 : i32
    %dma_wait3A_1182 = tpu.memref_slice %arg8[%dma_wait3A_1175, %dma_wait3A_1181] : memref<50x128xi32, #tpu.memory_space<vmem>> -> memref<1x128xi32, #tpu.memory_space<vmem>>
    %dma_wait3A_1183 = tpu.memref_squeeze %dma_wait3A_1182 : memref<1x128xi32, #tpu.memory_space<vmem>> -> memref<128xi32, #tpu.memory_space<vmem>>
    %dma_wait3A_1184 = arith.constant 0 : i32
    %dma_wait3A_1185 = arith.constant 0 : i32
    %dma_wait3A_1186 = tpu.memref_slice %arg4[%dma_wait3A_1184, %dma_wait3A_1185] : memref<1048576x16xf32, #tpu.memory_space<hbm>> -> memref<1048576x16xf32, #tpu.memory_space<hbm>>
    tpu.wait_indirect_dma semaphore(%arg12 : memref<!tpu.dma_semaphore, #tpu.memory_space<semaphore_mem>>) src(%dma_wait3A_1186 : memref<1048576x16xf32, #tpu.memory_space<hbm>>) dst(%dma_wait3A_1180 : memref<128x16xf32, #tpu.memory_space<vmem>>)
    %dma_wait3A_1187 = arith.constant 47 : i32
    %dma_wait3A_1188 = arith.constant 47 : i32
    %dma_wait3A_1189 = arith.constant 0 : i32
    %dma_wait3A_1190 = arith.constant 0 : i32
    %dma_wait3A_1191 = tpu.memref_slice %arg9[%dma_wait3A_1188, %dma_wait3A_1189, %dma_wait3A_1190] : memref<50x128x16xf32, #tpu.memory_space<vmem>> -> memref<1x128x16xf32, #tpu.memory_space<vmem>>
    %dma_wait3A_1192 = tpu.memref_squeeze %dma_wait3A_1191 : memref<1x128x16xf32, #tpu.memory_space<vmem>> -> memref<128x16xf32, #tpu.memory_space<vmem>>
    %dma_wait3A_1193 = arith.constant 0 : i32
    %dma_wait3A_1194 = tpu.memref_slice %arg8[%dma_wait3A_1187, %dma_wait3A_1193] : memref<50x128xi32, #tpu.memory_space<vmem>> -> memref<1x128xi32, #tpu.memory_space<vmem>>
    %dma_wait3A_1195 = tpu.memref_squeeze %dma_wait3A_1194 : memref<1x128xi32, #tpu.memory_space<vmem>> -> memref<128xi32, #tpu.memory_space<vmem>>
    %dma_wait3A_1196 = arith.constant 0 : i32
    %dma_wait3A_1197 = arith.constant 0 : i32
    %dma_wait3A_1198 = tpu.memref_slice %arg4[%dma_wait3A_1196, %dma_wait3A_1197] : memref<1048576x16xf32, #tpu.memory_space<hbm>> -> memref<1048576x16xf32, #tpu.memory_space<hbm>>
    tpu.wait_indirect_dma semaphore(%arg12 : memref<!tpu.dma_semaphore, #tpu.memory_space<semaphore_mem>>) src(%dma_wait3A_1198 : memref<1048576x16xf32, #tpu.memory_space<hbm>>) dst(%dma_wait3A_1192 : memref<128x16xf32, #tpu.memory_space<vmem>>)
    %dma_wait3A_1199 = arith.constant 48 : i32
    %dma_wait3A_1200 = arith.constant 48 : i32
    %dma_wait3A_1201 = arith.constant 0 : i32
    %dma_wait3A_1202 = arith.constant 0 : i32
    %dma_wait3A_1203 = tpu.memref_slice %arg9[%dma_wait3A_1200, %dma_wait3A_1201, %dma_wait3A_1202] : memref<50x128x16xf32, #tpu.memory_space<vmem>> -> memref<1x128x16xf32, #tpu.memory_space<vmem>>
    %dma_wait3A_1204 = tpu.memref_squeeze %dma_wait3A_1203 : memref<1x128x16xf32, #tpu.memory_space<vmem>> -> memref<128x16xf32, #tpu.memory_space<vmem>>
    %dma_wait3A_1205 = arith.constant 0 : i32
    %dma_wait3A_1206 = tpu.memref_slice %arg8[%dma_wait3A_1199, %dma_wait3A_1205] : memref<50x128xi32, #tpu.memory_space<vmem>> -> memref<1x128xi32, #tpu.memory_space<vmem>>
    %dma_wait3A_1207 = tpu.memref_squeeze %dma_wait3A_1206 : memref<1x128xi32, #tpu.memory_space<vmem>> -> memref<128xi32, #tpu.memory_space<vmem>>
    %dma_wait3A_1208 = arith.constant 0 : i32
    %dma_wait3A_1209 = arith.constant 0 : i32
    %dma_wait3A_1210 = tpu.memref_slice %arg4[%dma_wait3A_1208, %dma_wait3A_1209] : memref<1048576x16xf32, #tpu.memory_space<hbm>> -> memref<1048576x16xf32, #tpu.memory_space<hbm>>
    tpu.wait_indirect_dma semaphore(%arg12 : memref<!tpu.dma_semaphore, #tpu.memory_space<semaphore_mem>>) src(%dma_wait3A_1210 : memref<1048576x16xf32, #tpu.memory_space<hbm>>) dst(%dma_wait3A_1204 : memref<128x16xf32, #tpu.memory_space<vmem>>)
    %dma_wait3A_1211 = arith.constant 49 : i32
    %dma_wait3A_1212 = arith.constant 49 : i32
    %dma_wait3A_1213 = arith.constant 0 : i32
    %dma_wait3A_1214 = arith.constant 0 : i32
    %dma_wait3A_1215 = tpu.memref_slice %arg9[%dma_wait3A_1212, %dma_wait3A_1213, %dma_wait3A_1214] : memref<50x128x16xf32, #tpu.memory_space<vmem>> -> memref<1x128x16xf32, #tpu.memory_space<vmem>>
    %dma_wait3A_1216 = tpu.memref_squeeze %dma_wait3A_1215 : memref<1x128x16xf32, #tpu.memory_space<vmem>> -> memref<128x16xf32, #tpu.memory_space<vmem>>
    %dma_wait3A_1217 = arith.constant 0 : i32
    %dma_wait3A_1218 = tpu.memref_slice %arg8[%dma_wait3A_1211, %dma_wait3A_1217] : memref<50x128xi32, #tpu.memory_space<vmem>> -> memref<1x128xi32, #tpu.memory_space<vmem>>
    %dma_wait3A_1219 = tpu.memref_squeeze %dma_wait3A_1218 : memref<1x128xi32, #tpu.memory_space<vmem>> -> memref<128xi32, #tpu.memory_space<vmem>>
    %dma_wait3A_1220 = arith.constant 0 : i32
    %dma_wait3A_1221 = arith.constant 0 : i32
    %dma_wait3A_1222 = tpu.memref_slice %arg4[%dma_wait3A_1220, %dma_wait3A_1221] : memref<1048576x16xf32, #tpu.memory_space<hbm>> -> memref<1048576x16xf32, #tpu.memory_space<hbm>>
    tpu.wait_indirect_dma semaphore(%arg12 : memref<!tpu.dma_semaphore, #tpu.memory_space<semaphore_mem>>) src(%dma_wait3A_1222 : memref<1048576x16xf32, #tpu.memory_space<hbm>>) dst(%dma_wait3A_1216 : memref<128x16xf32, #tpu.memory_space<vmem>>)
    %mul3A_1223 = arith.constant 50 : i32
    %mul3A_1224 = arith.muli %add3A, %mul3A_1223 : i32
    "tpu.region"() ({
      %run_scoped3A = tpu.sem_alloc : memref<!tpu.dma_semaphore, #tpu.memory_space<semaphore_mem>>
      %dma_start3A_1225 = arith.constant 0 : i32
      %dma_start3A_1226 = arith.constant 0 : i32
      %dma_start3A_1227 = tpu.memref_slice %arg6[%mul3A_1224, %dma_start3A_1225, %dma_start3A_1226] : memref<1600x128x16xf32, #tpu.memory_space<hbm>> -> memref<50x128x16xf32, #tpu.memory_space<hbm>>
      %dma_start3A_1228 = arith.constant 0 : i32
      %dma_start3A_1229 = arith.constant 0 : i32
      %dma_start3A_1230 = tpu.memref_slice %arg6[%mul3A_1224, %dma_start3A_1228, %dma_start3A_1229] : memref<1600x128x16xf32, #tpu.memory_space<hbm>> -> memref<50x128x16xf32, #tpu.memory_space<hbm>>
      tpu.enqueue_dma source(%arg9 : memref<50x128x16xf32, #tpu.memory_space<vmem>>) target(%dma_start3A_1230 : memref<50x128x16xf32, #tpu.memory_space<hbm>>) target_semaphore(%run_scoped3A : memref<!tpu.dma_semaphore, #tpu.memory_space<semaphore_mem>>)
      %dma_wait3A_1231 = arith.constant 0 : i32
      %dma_wait3A_1232 = arith.constant 0 : i32
      %dma_wait3A_1233 = tpu.memref_slice %arg6[%mul3A_1224, %dma_wait3A_1231, %dma_wait3A_1232] : memref<1600x128x16xf32, #tpu.memory_space<hbm>> -> memref<50x128x16xf32, #tpu.memory_space<hbm>>
      %dma_wait3A_1234 = arith.constant 0 : i32
      %dma_wait3A_1235 = arith.constant 0 : i32
      %dma_wait3A_1236 = tpu.memref_slice %arg6[%mul3A_1224, %dma_wait3A_1234, %dma_wait3A_1235] : memref<1600x128x16xf32, #tpu.memory_space<hbm>> -> memref<50x128x16xf32, #tpu.memory_space<hbm>>
      tpu.wait_dma2 semaphore(%run_scoped3A : memref<!tpu.dma_semaphore, #tpu.memory_space<semaphore_mem>>) src(%arg9 : memref<50x128x16xf32, #tpu.memory_space<vmem>>) dst(%dma_wait3A_1236 : memref<50x128x16xf32, #tpu.memory_space<hbm>>)
      tpu.yield
    }) : () -> ()
    return
  }
}

module attributes {stable_mosaic.version = 14 : i64} {
  func.func @body(%arg0: i32, %arg1: memref<16x65536xf32, #tpu.memory_space<vmem>>, %arg2: memref<16x65536xf32, #tpu.memory_space<vmem>>, %arg3: memref<8192x128xf32, #tpu.memory_space<vmem>>, %arg4: memref<8192x128xf32, #tpu.memory_space<vmem>>) attributes {dimension_semantics = [#tpu.dimension_semantics<arbitrary>], iteration_bounds = array<i64: 16>, scalar_prefetch = 0 : i64, scratch_operands = 0 : i64, tpu.core_type = #tpu.core_type<tc>, window_params = [{transform_indices = @transform_0, window_bounds = array<i64: 16, 65536>}, {transform_indices = @transform_1, window_bounds = array<i64: 16, 65536>}, {transform_indices = @transform_2, window_bounds = array<i64: 8192, 128>}, {transform_indices = @transform_3, window_bounds = array<i64: 8192, 128>}]} {
    %get3A = arith.constant 0 : index
    %get3A_0 = arith.constant 0 : index
    %get3A_1 = vector.load %arg1[%get3A, %get3A_0] : memref<16x65536xf32, #tpu.memory_space<vmem>>, vector<16x65536xf32>
    %slice3A = vector.extract_strided_slice %get3A_1 {offsets = [0, 0], sizes = [16, 8192], strides = [1, 1]} : vector<16x65536xf32> to vector<16x8192xf32>
    %slice3A_2 = vector.extract_strided_slice %get3A_1 {offsets = [0, 8192], sizes = [16, 8192], strides = [1, 1]} : vector<16x65536xf32> to vector<16x8192xf32>
    %slice3A_3 = vector.extract_strided_slice %get3A_1 {offsets = [0, 16384], sizes = [16, 8192], strides = [1, 1]} : vector<16x65536xf32> to vector<16x8192xf32>
    %slice3A_4 = vector.extract_strided_slice %get3A_1 {offsets = [0, 24576], sizes = [16, 8192], strides = [1, 1]} : vector<16x65536xf32> to vector<16x8192xf32>
    %slice3A_5 = vector.extract_strided_slice %get3A_1 {offsets = [0, 32768], sizes = [16, 8192], strides = [1, 1]} : vector<16x65536xf32> to vector<16x8192xf32>
    %slice3A_6 = vector.extract_strided_slice %get3A_1 {offsets = [0, 40960], sizes = [16, 8192], strides = [1, 1]} : vector<16x65536xf32> to vector<16x8192xf32>
    %slice3A_7 = vector.extract_strided_slice %get3A_1 {offsets = [0, 49152], sizes = [16, 8192], strides = [1, 1]} : vector<16x65536xf32> to vector<16x8192xf32>
    %slice3A_8 = vector.extract_strided_slice %get3A_1 {offsets = [0, 57344], sizes = [16, 8192], strides = [1, 1]} : vector<16x65536xf32> to vector<16x8192xf32>
    %concatenate3A = tpu.concatenate %slice3A, %slice3A_2, %slice3A_3, %slice3A_4, %slice3A_5, %slice3A_6, %slice3A_7, %slice3A_8 in 0 : vector<16x8192xf32>, vector<16x8192xf32>, vector<16x8192xf32>, vector<16x8192xf32>, vector<16x8192xf32>, vector<16x8192xf32>, vector<16x8192xf32>, vector<16x8192xf32> -> vector<128x8192xf32>
    %transpose3A = tpu.transpose %concatenate3A, [1, 0] : vector<128x8192xf32> -> vector<8192x128xf32>
    %swap3A = arith.constant 0 : index
    %swap3A_9 = arith.constant 0 : index
    %swap3A_10 = vector.load %arg3[%swap3A, %swap3A_9] : memref<8192x128xf32, #tpu.memory_space<vmem>>, vector<8192x128xf32>
    tpu.vector_store %arg3[%swap3A, %swap3A_9], %transpose3A {strides = array<i32>} : memref<8192x128xf32, #tpu.memory_space<vmem>>, vector<8192x128xf32>,
    %get3A_11 = arith.constant 0 : index
    %get3A_12 = arith.constant 0 : index
    %get3A_13 = vector.load %arg2[%get3A_11, %get3A_12] : memref<16x65536xf32, #tpu.memory_space<vmem>>, vector<16x65536xf32>
    %slice3A_14 = vector.extract_strided_slice %get3A_13 {offsets = [0, 0], sizes = [16, 8192], strides = [1, 1]} : vector<16x65536xf32> to vector<16x8192xf32>
    %slice3A_15 = vector.extract_strided_slice %get3A_13 {offsets = [0, 8192], sizes = [16, 8192], strides = [1, 1]} : vector<16x65536xf32> to vector<16x8192xf32>
    %slice3A_16 = vector.extract_strided_slice %get3A_13 {offsets = [0, 16384], sizes = [16, 8192], strides = [1, 1]} : vector<16x65536xf32> to vector<16x8192xf32>
    %slice3A_17 = vector.extract_strided_slice %get3A_13 {offsets = [0, 24576], sizes = [16, 8192], strides = [1, 1]} : vector<16x65536xf32> to vector<16x8192xf32>
    %slice3A_18 = vector.extract_strided_slice %get3A_13 {offsets = [0, 32768], sizes = [16, 8192], strides = [1, 1]} : vector<16x65536xf32> to vector<16x8192xf32>
    %slice3A_19 = vector.extract_strided_slice %get3A_13 {offsets = [0, 40960], sizes = [16, 8192], strides = [1, 1]} : vector<16x65536xf32> to vector<16x8192xf32>
    %slice3A_20 = vector.extract_strided_slice %get3A_13 {offsets = [0, 49152], sizes = [16, 8192], strides = [1, 1]} : vector<16x65536xf32> to vector<16x8192xf32>
    %slice3A_21 = vector.extract_strided_slice %get3A_13 {offsets = [0, 57344], sizes = [16, 8192], strides = [1, 1]} : vector<16x65536xf32> to vector<16x8192xf32>
    %concatenate3A_22 = tpu.concatenate %slice3A_14, %slice3A_15, %slice3A_16, %slice3A_17, %slice3A_18, %slice3A_19, %slice3A_20, %slice3A_21 in 0 : vector<16x8192xf32>, vector<16x8192xf32>, vector<16x8192xf32>, vector<16x8192xf32>, vector<16x8192xf32>, vector<16x8192xf32>, vector<16x8192xf32>, vector<16x8192xf32> -> vector<128x8192xf32>
    %transpose3A_23 = tpu.transpose %concatenate3A_22, [1, 0] : vector<128x8192xf32> -> vector<8192x128xf32>
    %swap3A_24 = arith.constant 0 : index
    %swap3A_25 = arith.constant 0 : index
    %swap3A_26 = vector.load %arg4[%swap3A_24, %swap3A_25] : memref<8192x128xf32, #tpu.memory_space<vmem>>, vector<8192x128xf32>
    tpu.vector_store %arg4[%swap3A_24, %swap3A_25], %transpose3A_23 {strides = array<i32>} : memref<8192x128xf32, #tpu.memory_space<vmem>>, vector<8192x128xf32>,
    return
  }
  func.func @transform_0(%arg0: i32) -> (i32, i32) {
    %c0_i32 = arith.constant 0 : i32
    %c0_i32_0 = arith.constant 0 : i32
    return %c0_i32, %arg0 : i32, i32
  }
  func.func @transform_1(%arg0: i32) -> (i32, i32) {
    %c0_i32 = arith.constant 0 : i32
    %c0_i32_0 = arith.constant 0 : i32
    return %c0_i32, %arg0 : i32, i32
  }
  func.func @transform_2(%arg0: i32) -> (i32, i32) {
    %c0_i32 = arith.constant 0 : i32
    %c0_i32_0 = arith.constant 0 : i32
    return %arg0, %c0_i32 : i32, i32
  }
  func.func @transform_3(%arg0: i32) -> (i32, i32) {
    %c0_i32 = arith.constant 0 : i32
    %c0_i32_0 = arith.constant 0 : i32
    return %arg0, %c0_i32 : i32, i32
  }
}

module attributes {stable_mosaic.version = 14 : i64} {
  func.func @_tc_body(%arg0: i32, %arg1: memref<256x800xf32, #tpu.memory_space<vmem>>, %arg2: memref<256x50xi32, #tpu.memory_space<vmem>>, %arg3: memref<256x16xf32, #tpu.memory_space<vmem>>, %arg4: memref<800x800xf32, #tpu.memory_space<vmem>>, %arg5: memref<250x800xf32, #tpu.memory_space<vmem>>, %arg6: memref<50x250xf32, #tpu.memory_space<vmem>>, %arg7: memref<800x800xf32, #tpu.memory_space<vmem>>, %arg8: memref<1x800xf32, #tpu.memory_space<vmem>>, %arg9: memref<800x800xf32, #tpu.memory_space<vmem>>, %arg10: memref<16x16xf32, #tpu.memory_space<vmem>>, %arg11: memref<1x16xf32, #tpu.memory_space<vmem>>, %arg12: memref<16x800xf32, #tpu.memory_space<vmem>>, %arg13: memref<800x800xf32, #tpu.memory_space<vmem>>, %arg14: memref<1x800xf32, #tpu.memory_space<vmem>>, %arg15: memref<800x50xf32, #tpu.memory_space<vmem>>, %arg16: memref<50x800xf32, #tpu.memory_space<vmem>>, %arg17: memref<800x16xf32, #tpu.memory_space<vmem>>, %arg18: memref<256x16xf32, #tpu.memory_space<vmem>>) attributes {dimension_semantics = [#tpu.dimension_semantics<arbitrary>], iteration_bounds = array<i64: 16>, scalar_prefetch = 0 : i64, scratch_operands = 0 : i64, tpu.core_type = #tpu.core_type<tc>, window_params = [{transform_indices = @transform_0, window_bounds = array<i64: 256, 800>}, {transform_indices = @transform_1, window_bounds = array<i64: 256, 50>}, {transform_indices = @transform_2, window_bounds = array<i64: 256, 16>}, {pipeline_mode = #tpu.pipeline_mode<synchronous>, transform_indices = @transform_3, window_bounds = array<i64: 800, 800>}, {pipeline_mode = #tpu.pipeline_mode<synchronous>, transform_indices = @transform_4, window_bounds = array<i64: 250, 800>}, {pipeline_mode = #tpu.pipeline_mode<synchronous>, transform_indices = @transform_5, window_bounds = array<i64: 50, 250>}, {pipeline_mode = #tpu.pipeline_mode<synchronous>, transform_indices = @transform_6, window_bounds = array<i64: 800, 800>}, {pipeline_mode = #tpu.pipeline_mode<synchronous>, transform_indices = @transform_7, window_bounds = array<i64: 1, 800>}, {pipeline_mode = #tpu.pipeline_mode<synchronous>, transform_indices = @transform_8, window_bounds = array<i64: 800, 800>}, {pipeline_mode = #tpu.pipeline_mode<synchronous>, transform_indices = @transform_9, window_bounds = array<i64: 16, 16>}, {pipeline_mode = #tpu.pipeline_mode<synchronous>, transform_indices = @transform_10, window_bounds = array<i64: 1, 16>}, {pipeline_mode = #tpu.pipeline_mode<synchronous>, transform_indices = @transform_11, window_bounds = array<i64: 16, 800>}, {pipeline_mode = #tpu.pipeline_mode<synchronous>, transform_indices = @transform_12, window_bounds = array<i64: 800, 800>}, {pipeline_mode = #tpu.pipeline_mode<synchronous>, transform_indices = @transform_13, window_bounds = array<i64: 1, 800>}, {pipeline_mode = #tpu.pipeline_mode<synchronous>, transform_indices = @transform_14, window_bounds = array<i64: 800, 50>}, {pipeline_mode = #tpu.pipeline_mode<synchronous>, transform_indices = @transform_15, window_bounds = array<i64: 50, 800>}, {pipeline_mode = #tpu.pipeline_mode<synchronous>, transform_indices = @transform_16, window_bounds = array<i64: 800, 16>}, {transform_indices = @transform_17, window_bounds = array<i64: 256, 16>}]} {
    %get3A = arith.constant 0 : index
    %get3A_0 = arith.constant 0 : index
    %get3A_1 = vector.load %arg1[%get3A, %get3A_0] : memref<256x800xf32, #tpu.memory_space<vmem>>, vector<256x800xf32>
    %get3A_2 = arith.constant 0 : index
    %get3A_3 = arith.constant 0 : index
    %get3A_4 = vector.load %arg2[%get3A_2, %get3A_3] : memref<256x50xi32, #tpu.memory_space<vmem>>, vector<256x50xi32>
    %convert_element_type3A = arith.sitofp %get3A_4 : vector<256x50xi32> to vector<256x50xf32>
    %get3A_5 = arith.constant 0 : index
    %get3A_6 = arith.constant 0 : index
    %get3A_7 = vector.load %arg6[%get3A_5, %get3A_6] : memref<50x250xf32, #tpu.memory_space<vmem>>, vector<50x250xf32>
    %dot_general3A = arith.constant dense<0.000000e+00> : vector<256x250xf32>
    %dot_general3A_8 = tpu.matmul %convert_element_type3A, %get3A_7, %dot_general3A {dimension_numbers = #tpu.dot_dimension_numbers<[1], [0], [0], [1], [0, 0, 1, 1], [], []>, transpose_lhs_hint = false} : vector<256x50xf32>, vector<50x250xf32>, vector<256x250xf32> -> vector<256x250xf32>
    %iota3A = tpu.iota {dimensions = array<i32: 1>} : vector<256x250xi32>
    %jit3A = arith.constant 5 : i32
    %eq3A = arith.constant 0 : i32
    %eq3A_9 = arith.cmpi eq, %jit3A, %eq3A : i32
    %jit3A_10 = arith.constant 1 : i32
    %select_n3A = arith.select %eq3A_9, %jit3A_10, %jit3A : i32
    %rem3A = vector.broadcast %select_n3A : i32 to vector<256x250xi32>
    %rem3A_11 = arith.remsi %iota3A, %rem3A : vector<256x250xi32>
    %ne3A = arith.constant 0 : i32
    %ne3A_12 = vector.broadcast %ne3A : i32 to vector<256x250xi32>
    %ne3A_13 = arith.cmpi ne, %rem3A_11, %ne3A_12 : vector<256x250xi32>
    %lt3A = arith.constant 0 : i32
    %lt3A_14 = vector.broadcast %lt3A : i32 to vector<256x250xi32>
    %lt3A_15 = arith.cmpi slt, %rem3A_11, %lt3A_14 : vector<256x250xi32>
    %lt3A_16 = arith.constant 0 : i32
    %lt3A_17 = arith.cmpi slt, %select_n3A, %lt3A_16 : i32
    %ne3A_18 = vector.broadcast %lt3A_17 : i1 to vector<256x250xi1>
    %ne3A_19 = vector.broadcast %ne3A_18 : vector<256x250xi1> to vector<256x250xi1>
    %ne3A_20 = arith.xori %lt3A_15, %ne3A_19 : vector<256x250xi1>
    %and3A = arith.andi %ne3A_20, %ne3A_13 : vector<256x250xi1>
    %add3A = vector.broadcast %select_n3A : i32 to vector<256x250xi32>
    %add3A_21 = arith.addi %rem3A_11, %add3A : vector<256x250xi32>
    %select_n3A_22 = arith.select %and3A, %add3A_21, %rem3A_11 : vector<256x250xi1>, vector<256x250xi32>
    %convert_element_type3A_23 = arith.sitofp %select_n3A_22 : vector<256x250xi32> to vector<256x250xf32>
    %sub3A = arith.subf %dot_general3A_8, %convert_element_type3A_23 : vector<256x250xf32>
    %abs3A = math.absf %sub3A : vector<256x250xf32>
    %lt3A_24 = arith.constant 5.000000e-01 : f32
    %lt3A_25 = vector.broadcast %lt3A_24 : f32 to vector<256x250xf32>
    %lt3A_26 = arith.cmpf olt, %abs3A, %lt3A_25 : vector<256x250xf32>
    %convert_element_type3A_27 = arith.extui %lt3A_26 : vector<256x250xi1> to vector<256x250xi32>
    %convert_element_type3A_28 = arith.sitofp %convert_element_type3A_27 : vector<256x250xi32> to vector<256x250xf32>
    %get3A_29 = arith.constant 0 : index
    %get3A_30 = arith.constant 0 : index
    %get3A_31 = vector.load %arg5[%get3A_29, %get3A_30] : memref<250x800xf32, #tpu.memory_space<vmem>>, vector<250x800xf32>
    %dot_general3A_32 = arith.constant dense<0.000000e+00> : vector<256x800xf32>
    %dot_general3A_33 = tpu.matmul %convert_element_type3A_28, %get3A_31, %dot_general3A_32 {dimension_numbers = #tpu.dot_dimension_numbers<[1], [0], [0], [1], [0, 0, 1, 1], [], []>, transpose_lhs_hint = false} : vector<256x250xf32>, vector<250x800xf32>, vector<256x800xf32> -> vector<256x800xf32>
    %get3A_34 = arith.constant 0 : index
    %get3A_35 = arith.constant 0 : index
    %get3A_36 = vector.load %arg4[%get3A_34, %get3A_35] : memref<800x800xf32, #tpu.memory_space<vmem>>, vector<800x800xf32>
    %dot_general3A_37 = arith.constant dense<0.000000e+00> : vector<256x800xf32>
    %dot_general3A_38 = tpu.matmul %get3A_1, %get3A_36, %dot_general3A_37 {dimension_numbers = #tpu.dot_dimension_numbers<[1], [0], [0], [1], [0, 0, 1, 1], [], []>, transpose_lhs_hint = false} : vector<256x800xf32>, vector<800x800xf32>, vector<256x800xf32> -> vector<256x800xf32>
    %add3A_39 = arith.addf %dot_general3A_38, %dot_general3A_33 : vector<256x800xf32>
    %max3A = arith.constant 0.000000e+00 : f32
    %max3A_40 = vector.broadcast %max3A : f32 to vector<256x800xf32>
    %max3A_41 = arith.maximumf %add3A_39, %max3A_40 : vector<256x800xf32>
    %get3A_42 = arith.constant 0 : index
    %get3A_43 = arith.constant 0 : index
    %get3A_44 = vector.load %arg7[%get3A_42, %get3A_43] : memref<800x800xf32, #tpu.memory_space<vmem>>, vector<800x800xf32>
    %dot_general3A_45 = arith.constant dense<0.000000e+00> : vector<256x800xf32>
    %dot_general3A_46 = tpu.matmul %max3A_41, %get3A_44, %dot_general3A_45 {dimension_numbers = #tpu.dot_dimension_numbers<[1], [0], [0], [1], [0, 0, 1, 1], [], []>, transpose_lhs_hint = false} : vector<256x800xf32>, vector<800x800xf32>, vector<256x800xf32> -> vector<256x800xf32>
    %get3A_47 = arith.constant 0 : index
    %get3A_48 = arith.constant 0 : index
    %get3A_49 = vector.load %arg8[%get3A_47, %get3A_48] : memref<1x800xf32, #tpu.memory_space<vmem>>, vector<1x800xf32>
    %add3A_50 = vector.broadcast %get3A_49 : vector<1x800xf32> to vector<256x800xf32>
    %add3A_51 = arith.addf %dot_general3A_46, %add3A_50 : vector<256x800xf32>
    %max3A_52 = arith.constant 0.000000e+00 : f32
    %max3A_53 = vector.broadcast %max3A_52 : f32 to vector<256x800xf32>
    %max3A_54 = arith.maximumf %add3A_51, %max3A_53 : vector<256x800xf32>
    %get3A_55 = arith.constant 0 : index
    %get3A_56 = arith.constant 0 : index
    %get3A_57 = vector.load %arg3[%get3A_55, %get3A_56] : memref<256x16xf32, #tpu.memory_space<vmem>>, vector<256x16xf32>
    %get3A_58 = arith.constant 0 : index
    %get3A_59 = arith.constant 0 : index
    %get3A_60 = vector.load %arg10[%get3A_58, %get3A_59] : memref<16x16xf32, #tpu.memory_space<vmem>>, vector<16x16xf32>
    %dot_general3A_61 = arith.constant dense<0.000000e+00> : vector<256x16xf32>
    %dot_general3A_62 = tpu.matmul %get3A_57, %get3A_60, %dot_general3A_61 {dimension_numbers = #tpu.dot_dimension_numbers<[1], [0], [0], [1], [0, 0, 1, 1], [], []>, transpose_lhs_hint = false} : vector<256x16xf32>, vector<16x16xf32>, vector<256x16xf32> -> vector<256x16xf32>
    %get3A_63 = arith.constant 0 : index
    %get3A_64 = arith.constant 0 : index
    %get3A_65 = vector.load %arg11[%get3A_63, %get3A_64] : memref<1x16xf32, #tpu.memory_space<vmem>>, vector<1x16xf32>
    %add3A_66 = vector.broadcast %get3A_65 : vector<1x16xf32> to vector<256x16xf32>
    %add3A_67 = arith.addf %dot_general3A_62, %add3A_66 : vector<256x16xf32>
    %get3A_68 = arith.constant 0 : index
    %get3A_69 = arith.constant 0 : index
    %get3A_70 = vector.load %arg12[%get3A_68, %get3A_69] : memref<16x800xf32, #tpu.memory_space<vmem>>, vector<16x800xf32>
    %dot_general3A_71 = arith.constant dense<0.000000e+00> : vector<256x800xf32>
    %dot_general3A_72 = tpu.matmul %add3A_67, %get3A_70, %dot_general3A_71 {dimension_numbers = #tpu.dot_dimension_numbers<[1], [0], [0], [1], [0, 0, 1, 1], [], []>, transpose_lhs_hint = false} : vector<256x16xf32>, vector<16x800xf32>, vector<256x800xf32> -> vector<256x800xf32>
    %get3A_73 = arith.constant 0 : index
    %get3A_74 = arith.constant 0 : index
    %get3A_75 = vector.load %arg9[%get3A_73, %get3A_74] : memref<800x800xf32, #tpu.memory_space<vmem>>, vector<800x800xf32>
    %dot_general3A_76 = arith.constant dense<0.000000e+00> : vector<256x800xf32>
    %dot_general3A_77 = tpu.matmul %max3A_54, %get3A_75, %dot_general3A_76 {dimension_numbers = #tpu.dot_dimension_numbers<[1], [0], [0], [1], [0, 0, 1, 1], [], []>, transpose_lhs_hint = false} : vector<256x800xf32>, vector<800x800xf32>, vector<256x800xf32> -> vector<256x800xf32>
    %add3A_78 = arith.addf %dot_general3A_77, %dot_general3A_72 : vector<256x800xf32>
    %max3A_79 = arith.constant 0.000000e+00 : f32
    %max3A_80 = vector.broadcast %max3A_79 : f32 to vector<256x800xf32>
    %max3A_81 = arith.maximumf %add3A_78, %max3A_80 : vector<256x800xf32>
    %get3A_82 = arith.constant 0 : index
    %get3A_83 = arith.constant 0 : index
    %get3A_84 = vector.load %arg13[%get3A_82, %get3A_83] : memref<800x800xf32, #tpu.memory_space<vmem>>, vector<800x800xf32>
    %dot_general3A_85 = arith.constant dense<0.000000e+00> : vector<256x800xf32>
    %dot_general3A_86 = tpu.matmul %max3A_81, %get3A_84, %dot_general3A_85 {dimension_numbers = #tpu.dot_dimension_numbers<[1], [0], [0], [1], [0, 0, 1, 1], [], []>, transpose_lhs_hint = false} : vector<256x800xf32>, vector<800x800xf32>, vector<256x800xf32> -> vector<256x800xf32>
    %get3A_87 = arith.constant 0 : index
    %get3A_88 = arith.constant 0 : index
    %get3A_89 = vector.load %arg14[%get3A_87, %get3A_88] : memref<1x800xf32, #tpu.memory_space<vmem>>, vector<1x800xf32>
    %add3A_90 = vector.broadcast %get3A_89 : vector<1x800xf32> to vector<256x800xf32>
    %add3A_91 = arith.addf %dot_general3A_86, %add3A_90 : vector<256x800xf32>
    %max3A_92 = arith.constant 0.000000e+00 : f32
    %max3A_93 = vector.broadcast %max3A_92 : f32 to vector<256x800xf32>
    %max3A_94 = arith.maximumf %add3A_91, %max3A_93 : vector<256x800xf32>
    %get3A_95 = arith.constant 0 : index
    %get3A_96 = arith.constant 0 : index
    %get3A_97 = vector.load %arg15[%get3A_95, %get3A_96] : memref<800x50xf32, #tpu.memory_space<vmem>>, vector<800x50xf32>
    %dot_general3A_98 = arith.constant dense<0.000000e+00> : vector<256x50xf32>
    %dot_general3A_99 = tpu.matmul %max3A_94, %get3A_97, %dot_general3A_98 {dimension_numbers = #tpu.dot_dimension_numbers<[1], [0], [0], [1], [0, 0, 1, 1], [], []>, transpose_lhs_hint = false} : vector<256x800xf32>, vector<800x50xf32>, vector<256x50xf32> -> vector<256x50xf32>
    %reduce_max3A = arith.constant dense<0xFF800000> : vector<256xf32>
    %reduce_max3A_100 = vector.multi_reduction <maximumf>, %dot_general3A_99, %reduce_max3A [1] : vector<256x50xf32> to vector<256xf32>
    %broadcast_in_dim3A = vector.shape_cast %reduce_max3A_100 : vector<256xf32> to vector<256x1xf32>
    %sub3A_101 = vector.broadcast %broadcast_in_dim3A : vector<256x1xf32> to vector<256x50xf32>
    %sub3A_102 = arith.subf %dot_general3A_99, %sub3A_101 : vector<256x50xf32>
    %exp3A = math.exp %sub3A_102 : vector<256x50xf32>
    %reduce_sum3A = arith.constant dense<0.000000e+00> : vector<256xf32>
    %reduce_sum3A_103 = vector.multi_reduction <add>, %exp3A, %reduce_sum3A [1] : vector<256x50xf32> to vector<256xf32>
    %broadcast_in_dim3A_104 = vector.shape_cast %reduce_sum3A_103 : vector<256xf32> to vector<256x1xf32>
    %div3A = vector.broadcast %broadcast_in_dim3A_104 : vector<256x1xf32> to vector<256x50xf32>
    %div3A_105 = arith.divf %exp3A, %div3A : vector<256x50xf32>
    %get3A_106 = arith.constant 0 : index
    %get3A_107 = arith.constant 0 : index
    %get3A_108 = vector.load %arg16[%get3A_106, %get3A_107] : memref<50x800xf32, #tpu.memory_space<vmem>>, vector<50x800xf32>
    %dot_general3A_109 = arith.constant dense<0.000000e+00> : vector<256x800xf32>
    %dot_general3A_110 = tpu.matmul %div3A_105, %get3A_108, %dot_general3A_109 {dimension_numbers = #tpu.dot_dimension_numbers<[1], [0], [0], [1], [0, 0, 1, 1], [], []>, transpose_lhs_hint = false} : vector<256x50xf32>, vector<50x800xf32>, vector<256x800xf32> -> vector<256x800xf32>
    %mul3A = arith.mulf %max3A_54, %dot_general3A_110 : vector<256x800xf32>
    %get3A_111 = arith.constant 0 : index
    %get3A_112 = arith.constant 0 : index
    %get3A_113 = vector.load %arg17[%get3A_111, %get3A_112] : memref<800x16xf32, #tpu.memory_space<vmem>>, vector<800x16xf32>
    %dot_general3A_114 = arith.constant dense<0.000000e+00> : vector<256x16xf32>
    %dot_general3A_115 = tpu.matmul %mul3A, %get3A_113, %dot_general3A_114 {dimension_numbers = #tpu.dot_dimension_numbers<[1], [0], [0], [1], [0, 0, 1, 1], [], []>, transpose_lhs_hint = false} : vector<256x800xf32>, vector<800x16xf32>, vector<256x16xf32> -> vector<256x16xf32>
    %add3A_116 = arith.addf %dot_general3A_115, %get3A_57 : vector<256x16xf32>
    %mul3A_117 = arith.constant 5.000000e-01 : f32
    %mul3A_118 = vector.broadcast %mul3A_117 : f32 to vector<256x16xf32>
    %mul3A_119 = arith.mulf %add3A_116, %mul3A_118 : vector<256x16xf32>
    %swap3A = arith.constant 0 : index
    %swap3A_120 = arith.constant 0 : index
    %swap3A_121 = vector.load %arg18[%swap3A, %swap3A_120] : memref<256x16xf32, #tpu.memory_space<vmem>>, vector<256x16xf32>
    tpu.vector_store %arg18[%swap3A, %swap3A_120], %mul3A_119 {strides = array<i32>} : memref<256x16xf32, #tpu.memory_space<vmem>>, vector<256x16xf32>,
    return
  }
  func.func @transform_0(%arg0: i32) -> (i32, i32) {
    %c0_i32 = arith.constant 0 : i32
    %c0_i32_0 = arith.constant 0 : i32
    return %arg0, %c0_i32 : i32, i32
  }
  func.func @transform_1(%arg0: i32) -> (i32, i32) {
    %c0_i32 = arith.constant 0 : i32
    %c0_i32_0 = arith.constant 0 : i32
    return %arg0, %c0_i32 : i32, i32
  }
  func.func @transform_2(%arg0: i32) -> (i32, i32) {
    %c0_i32 = arith.constant 0 : i32
    %c0_i32_0 = arith.constant 0 : i32
    return %arg0, %c0_i32 : i32, i32
  }
  func.func @transform_3(%arg0: i32) -> (i32, i32) {
    %c0_i32 = arith.constant 0 : i32
    %c0_i32_0 = arith.constant 0 : i32
    %c0_i32_1 = arith.constant 0 : i32
    return %c0_i32, %c0_i32_0 : i32, i32
  }
  func.func @transform_4(%arg0: i32) -> (i32, i32) {
    %c0_i32 = arith.constant 0 : i32
    %c0_i32_0 = arith.constant 0 : i32
    %c0_i32_1 = arith.constant 0 : i32
    return %c0_i32, %c0_i32_0 : i32, i32
  }
  func.func @transform_5(%arg0: i32) -> (i32, i32) {
    %c0_i32 = arith.constant 0 : i32
    %c0_i32_0 = arith.constant 0 : i32
    %c0_i32_1 = arith.constant 0 : i32
    return %c0_i32, %c0_i32_0 : i32, i32
  }
  func.func @transform_6(%arg0: i32) -> (i32, i32) {
    %c0_i32 = arith.constant 0 : i32
    %c0_i32_0 = arith.constant 0 : i32
    %c0_i32_1 = arith.constant 0 : i32
    return %c0_i32, %c0_i32_0 : i32, i32
  }
  func.func @transform_7(%arg0: i32) -> (i32, i32) {
    %c0_i32 = arith.constant 0 : i32
    %c0_i32_0 = arith.constant 0 : i32
    %c0_i32_1 = arith.constant 0 : i32
    return %c0_i32, %c0_i32_0 : i32, i32
  }
  func.func @transform_8(%arg0: i32) -> (i32, i32) {
    %c0_i32 = arith.constant 0 : i32
    %c0_i32_0 = arith.constant 0 : i32
    %c0_i32_1 = arith.constant 0 : i32
    return %c0_i32, %c0_i32_0 : i32, i32
  }
  func.func @transform_9(%arg0: i32) -> (i32, i32) {
    %c0_i32 = arith.constant 0 : i32
    %c0_i32_0 = arith.constant 0 : i32
    %c0_i32_1 = arith.constant 0 : i32
    return %c0_i32, %c0_i32_0 : i32, i32
  }
  func.func @transform_10(%arg0: i32) -> (i32, i32) {
    %c0_i32 = arith.constant 0 : i32
    %c0_i32_0 = arith.constant 0 : i32
    %c0_i32_1 = arith.constant 0 : i32
    return %c0_i32, %c0_i32_0 : i32, i32
  }
  func.func @transform_11(%arg0: i32) -> (i32, i32) {
    %c0_i32 = arith.constant 0 : i32
    %c0_i32_0 = arith.constant 0 : i32
    %c0_i32_1 = arith.constant 0 : i32
    return %c0_i32, %c0_i32_0 : i32, i32
  }
  func.func @transform_12(%arg0: i32) -> (i32, i32) {
    %c0_i32 = arith.constant 0 : i32
    %c0_i32_0 = arith.constant 0 : i32
    %c0_i32_1 = arith.constant 0 : i32
    return %c0_i32, %c0_i32_0 : i32, i32
  }
  func.func @transform_13(%arg0: i32) -> (i32, i32) {
    %c0_i32 = arith.constant 0 : i32
    %c0_i32_0 = arith.constant 0 : i32
    %c0_i32_1 = arith.constant 0 : i32
    return %c0_i32, %c0_i32_0 : i32, i32
  }
  func.func @transform_14(%arg0: i32) -> (i32, i32) {
    %c0_i32 = arith.constant 0 : i32
    %c0_i32_0 = arith.constant 0 : i32
    %c0_i32_1 = arith.constant 0 : i32
    return %c0_i32, %c0_i32_0 : i32, i32
  }
  func.func @transform_15(%arg0: i32) -> (i32, i32) {
    %c0_i32 = arith.constant 0 : i32
    %c0_i32_0 = arith.constant 0 : i32
    %c0_i32_1 = arith.constant 0 : i32
    return %c0_i32, %c0_i32_0 : i32, i32
  }
  func.func @transform_16(%arg0: i32) -> (i32, i32) {
    %c0_i32 = arith.constant 0 : i32
    %c0_i32_0 = arith.constant 0 : i32
    %c0_i32_1 = arith.constant 0 : i32
    return %c0_i32, %c0_i32_0 : i32, i32
  }
  func.func @transform_17(%arg0: i32) -> (i32, i32) {
    %c0_i32 = arith.constant 0 : i32
    %c0_i32_0 = arith.constant 0 : i32
    return %arg0, %c0_i32 : i32, i32
  }
}

</mosaic_0001>

<sc_bundles>
// kernel: kernel.5.cloned.1.call-start
scs
__scs_entry_jumppad:
0x0: {  	(pc) =	sbr.rel $0x88, $3  }
0x1: {  	(tag) =	ssettag $0x0;
	lr =	simm.s32 $0x1  }
0x2: {  	[smem:$0x3F92] =	sst lr;
	_ =	strace $0xD0000000  }
0x3: {  	_ = 	snop  }
0x4: {  	_ = 	snop  }
0x5: {  	_ = 	snop  }
0x6: {  	_ = 	snop  }
0x7: {  	_ = 	snop  }
__scs_overlays_trampoline_lowered:
0x8: {  	[smem:$0x3FA1] =	sst s0  }
0x9: {  	[smem:$0x3FA2] =	sst s1  }
0xa: {  	[smem:$0x3FA3] =	sst s2  }
0xb: {  	[smem:$0x3FA4] =	sst s3  }
0xc: {  	[smem:$0x3FA5] =	sst s4  }
0xd: {  	[smem:$0x3FA6] =	sst s5  }
0xe: {  	[smem:$0x3FA7] =	sst s6  }
0xf: {  	[smem:$0x3FA8] =	sst s7  }
0x10: {  	[smem:$0x3FA9] =	sst s8  }
0x11: {  	[smem:$0x3FAA] =	sst s9;
	s0 =	simm.s32 @!p0 $0x0  }
0x12: {  	s1 =	sld [smem:$0x3F90];
	s0 =	simm.s32 @p0 $0x1  }
0x13: {  	[smem:$0x3FAB] =	sst s0;
	s0 =	simm.s32 @!p1 $0x0  }
0x14: {  	s2 =	sld [smem:$0x3F8F];
	s0 =	simm.s32 @p1 $0x1  }
0x15: {  	[smem:$0x3FAC] =	sst s0;
	s0 =	simm.s32 @!p2 $0x0  }
0x16: {  	s3 =	sld [smem:$0x3FDB];
	s0 =	simm.s32 @p2 $0x1  }
0x17: {  	s4 =	simm.s32 $0x1BF5;
	[smem:$0x3FAE] =	sst s0  }
0x18: {  	s0 =	sld [smem:$0x3F91];
	_ =	swait.ge [sflag:s4], $0x0  }
0x19: {  	s7 =	sld [smem:$0x3F92]  }
0x1a: {  	s8 =	sadd.s32 $0xFFFFE003, lr  }
0x1b: {  	s9 =	sadd.s32 $0xFFFFFEF7, lr;
	s5 =	simm.s32 $0xFFFFFFFF;
	p2 =	slt.u32 s8, $0xFFFFF086  }
0x1c: {  	p1 =	slt.u32 s9, $0xF7A;
	s5 =	simm.s32 @!p2 $0x0  }
0x1d: {  	s5 =	simm.s32 @p1 $0x1;
	p0 =	seq.s32 s7, s2  }
0x1e: {  	s7 =	smul.u32 @!p0 $0xF7A, s2;
	p2 =	seq.s32 @!p0 s5, $0x0  }
0x1f: {  	s9 =	smul.u32 $0xF7A, s1;
	s8 =	simm.s32 @!p0 $0x1BF5;
	p2 =	por !p2, p0  }
0x20: {  	[sflag:s8] =	ssyncset.s32 @!p0 $0xFFFFF086;
	s6 =	sadd.s32 @!p0 s3, s7;
	s7 =	simm.s32 @!p0 $0x108  }
0x21: {  	s3 =	sadd.s32 s3, s9;
	s6 =	sadd.s32 @!p0 $0x88, s6;
	s7 =	simm.s32 @p2 $0x1082  }
0x22: {  	[simem:s7], [sflag:s8] =	dma.local @!p0 [hbm:s6], $0xF7A  }
0x23: {  	s9 =	sor.u32 $0xD0000000, s2;
	s6 =	simm.s32 $0x108;
	_ =	swait.ge @!p0 [sflag:s8], $0x0  }
0x24: {  	s3 =	sadd.s32 $0x88, s3;
	s6 =	simm.s32 @!p1 $0x1082;
	[sflag:s4] =	ssyncset.s32 $0xFFFFF086  }
0x25: {  	[simem:s6], [sflag:s4] =	dma.local [hbm:s3], $0xF7A  }
0x26: {  	[smem:$0x3F92] =	sst s1;
	(tag) =	ssettag s2;
	_ =	strace s9  }
0x27: {  	s1 =	sld [smem:$0x3FA2]  }
0x28: {  	s2 =	sld [smem:$0x3FA3]  }
0x29: {  	s4 =	sld [smem:$0x3FA5]  }
0x2a: {  	p0 =	seq.s32 s5, $0x0;
	s5 =	sld [smem:$0x3FA6]  }
0x2b: {  	s6 =	sld [smem:$0x3FA7]  }
0x2c: {  	s7 =	sld [smem:$0x3FA8]  }
0x2d: {  	s3 =	simm.s32 $0x108;
	s8 =	sld [smem:$0x3FA9]  }
0x2e: {  	s3 =	simm.s32 @!p0 $0x1082;
	s9 =	sld [smem:$0x3FAA]  }
0x2f: {  	lr =	sadd.s32 s0, s3;
	s0 =	sld [smem:$0x3FA1]  }
0x30: {  	s3 =	sld [smem:$0x3FA4]  }
0x31: {  	[smem:$0x3FAD] =	sst s10  }
0x32: {  	s10 =	sld [smem:$0x3FAB];
	_ =	sdelay $0x3  }
0x33: {  	p0 =	seq.s32 s10, $0x1;
	s10 =	sld [smem:$0x3FAD];
	_ =	sdelay $0x3  }
0x34: {  	[smem:$0x3FAD] =	sst s10  }
0x35: {  	s10 =	sld [smem:$0x3FAC];
	_ =	sdelay $0x3  }
0x36: {  	p1 =	seq.s32 s10, $0x1;
	s10 =	sld [smem:$0x3FAD];
	_ =	sdelay $0x3  }
0x37: {  	[smem:$0x3FAD] =	sst s10  }
0x38: {  	s10 =	sld [smem:$0x3FAE]  }
0x39: {  	_ = 	snop;
	(pc) =	sbr.ind lr, $3  }
0x3a: {  	_ = 	snop  }
0x3b: {  	_ = 	snop  }
0x3c: {  	p2 =	seq.s32 s10, $0x1;
	s10 =	sld [smem:$0x3FAD]  }
0x3d: {  	_ =	shalt  }
0x3e: {  	_ =	shalt  }
0x3f: {  	_ =	shalt  }
0x40: {  	_ =	shalt  }
0x41: {  	_ =	shalt  }
0x42: {  	_ =	shalt  }
0x43: {  	_ =	shalt  }
0x44: {  	_ =	shalt  }
0x45: {  	_ =	shalt  }
0x46: {  	_ =	shalt  }
0x47: {  	_ =	shalt  }
0x48: {  	_ =	shalt  }
0x49: {  	_ =	shalt  }
0x4a: {  	_ =	shalt  }
0x4b: {  	_ =	shalt  }
0x4c: {  	_ =	shalt  }
0x4d: {  	_ =	shalt  }
0x4e: {  	_ =	shalt  }
0x4f: {  	_ =	shalt  }
0x50: {  	_ =	shalt  }
0x51: {  	_ =	shalt  }
0x52: {  	_ =	shalt  }
0x53: {  	_ =	shalt  }
0x54: {  	_ =	shalt  }
0x55: {  	_ =	shalt  }
0x56: {  	_ =	shalt  }
0x57: {  	_ =	shalt  }
0x58: {  	_ =	shalt  }
0x59: {  	_ =	shalt  }
0x5a: {  	_ =	shalt  }
0x5b: {  	_ =	shalt  }
0x5c: {  	_ =	shalt  }
0x5d: {  	_ =	shalt  }
0x5e: {  	_ =	shalt  }
0x5f: {  	_ =	shalt  }
0x60: {  	_ =	shalt  }
0x61: {  	_ =	shalt  }
0x62: {  	_ =	shalt  }
0x63: {  	_ =	shalt  }
0x64: {  	_ =	shalt  }
0x65: {  	_ =	shalt  }
0x66: {  	_ =	shalt  }
0x67: {  	_ =	shalt  }
0x68: {  	_ =	shalt  }
0x69: {  	_ =	shalt  }
0x6a: {  	_ =	shalt  }
0x6b: {  	_ =	shalt  }
0x6c: {  	_ =	shalt  }
0x6d: {  	_ =	shalt  }
0x6e: {  	_ =	shalt  }
0x6f: {  	_ =	shalt  }
0x70: {  	_ =	shalt  }
0x71: {  	_ =	shalt  }
0x72: {  	_ =	shalt  }
0x73: {  	_ =	shalt  }
0x74: {  	_ =	shalt  }
0x75: {  	_ =	shalt  }
0x76: {  	_ =	shalt  }
0x77: {  	_ =	shalt  }
0x78: {  	_ =	shalt  }
0x79: {  	_ =	shalt  }
0x7a: {  	_ =	shalt  }
0x7b: {  	_ =	shalt  }
0x7c: {  	_ =	shalt  }
0x7d: {  	_ =	shalt  }
0x7e: {  	_ =	shalt  }
0x7f: {  	_ =	shalt  }
0x80: {  	_ =	shalt  }
0x81: {  	_ =	shalt  }
0x82: {  	_ =	shalt  }
0x83: {  	_ =	shalt  }
0x84: {  	_ =	shalt  }
0x85: {  	_ =	shalt  }
0x86: {  	_ =	shalt  }
0x87: {  	_ =	shalt  }
.Lfunc_end0:
.L_simem_size_0:
called_computation_lowered:
.L_overlay_start_0:
0x88: {  	s2 =	sld [smem:$0x3FD9]  }
0x89: {  	s3 =	sld [smem:$0x3FFE];
	_ =	sdelay $0x1  }
0x8a: {  	s1 =	srdreg.scid  }
0x8b: {  	s0 =	sand.u32 $0x1, s1  }
0x8c: {  	s17 =	sshll.u32 s0, $0xA;
	s2 =	sadd.s32 s3, s2  }
0x8d: {  	s2 =	sadd.s32 s2, s17  }
0x8e: {  	[smem:$0x3FB9] =	sst s2  }
0x8f: {  	_ = 	snop  }
0x90: {  	s2 =	sld [smem:$0x3FD0];
	(tm) =	ssettm $0x1  }
0x91: {  	s18 =	sld [smem:$0x3FFB];
	_ =	sdelay $0x3  }
0x92: {  	_ =	strace s18  }
0x93: {  	s3 =	sld [smem:$0x3FFC];
	_ =	sdelay $0x3  }
0x94: {  	_ =	strace s3  }
0x95: {  	s3 =	sld [smem:$0x3FFD];
	_ =	sdelay $0x3  }
0x96: {  	_ =	strace s3  }
0x97: {  	_ =	strace $0x8FFFFFFF  }
0x98: {  	s19 =	sld [smem:$0x3FDB];
	_ =	sdelay $0x1  }
0x99: {  	s4 =	simm.s32 $_scs_section_size  }
0x9a: {  	s5 =	simm.s32 $_size__tile_overlayer_lowered;
	s6 =	simm.s32 $_tile_overlayer_lowered  }
0x9b: {  	s22 =	simm.s32 $0x1BFF;
	s21 =	sshll.u32 s6, $0x1;
	s3 =	sadd.s32 s4, s19  }
0x9c: {  	s7 =	simm.s32 $0x0;
	s20 =	sshll.u32 s5, $0x1;
	s5 =	sadd.s32 s21, s3  }
0x9d: {  	[timem:s7], [sflag:s22] =	dma.local [hbm:s5], s20  }
0x9e: {  	_ =	swait.ge [sflag:s22], s20  }
0x9f: {  	s4 =	ssub.s32 $0x0, s20;
	[sflag:s22] =	ssyncset.done $0x0  }
0xa0: {  	[sflag:s22] =	ssyncadd.s32 s4;
	_ =	sdelay $0x1  }
0xa1: {  	s23 =	simm.s32 $0x1B8B  }
0xa2: {  	_ =	swait.ge [sflag:s23], $0x1  }
0xa3: {  	[sflag:s23] =	ssyncset.done $0x0  }
0xa4: {  	s25 =	simm.s32 $0x1B8E;
	s24 =	sld [smem:$0x3FFE];
	[sflag:s23] =	ssyncadd.s32 $0xFFFFFFFF  }
0xa5: {  	s26 =	simm.s32 $execute0_lowered;
	[smem:$0x3FD2] =	sst s25  }
0xa6: {  	s5 =	sshll.u32 s26, $0x1;
	_ =	strace $0x80000046;
	[dreg:$0x1] =	wrdreg $0xFFFFFFFF  }
0xa7: {  	s28 =	simm.s32 $_size_execute0_lowered;
	s3 =	sadd.s32 s3, s5;
	[dreg:$0x0] =	wrdreg $0x0  }
0xa8: {  	s5 =	sshll.u32 s28, $0x1;
	[dreg:$0x2] =	wrdreg s3  }
0xa9: {  	[dreg:$0x3] =	wrdreg s5  }
0xaa: {  	[dreg:$0x4] =	wrdreg $0xC0  }
0xab: {  	_ =	task [dreg:s7], $0x5FFFF  }
0xac: {  	[dreg:$0x1] =	wrdreg $0xFFFFFFFF  }
0xad: {  	[dreg:$0x0] =	wrdreg $0x60  }
0xae: {  	[dreg:$0x2] =	wrdreg s24  }
0xaf: {  	[dreg:$0x3] =	wrdreg s2  }
0xb0: {  	[dreg:$0x4] =	wrdreg $0x9  }
0xb1: {  	_ =	task.clear_ibuf [dreg:s7], $0x5FFFF;
	_ =	strace $0x90000046  }
0xb2: {  	s29 =	simm.s32 $0x9;
	_ =	strace $0x80000048  }
0xb3: {  	_ =	swait.ge [sflag:s29], $0x1  }
0xb4: {  	[sflag:s29] =	ssyncadd.s32 $0xFFFFFFFF  }
0xb5: {  	_ =	strace $0x90000048  }
0xb6: {  	_ =	sfence  }
0xb7: {  	s30 =	sld [smem:$0x0];
	_ =	sdelay $0x2  }
0xb8: {  	s31 =	sshll.u32 s1, $0xD;
	s1 =	sshrl.u32 s1, $0x2  }
0xb9: {  	s3 =	sand.u32 $0x4000, s31;
	s1 =	sadd.s32 s1, s30  }
0xba: {  	s0 =	sor.u32 s3, s0;
	s1 =	sshll.u32 s1, $0x11  }
0xbb: {  	s0 =	sor.u32 s1, s0  }
0xbc: {  	s0 =	sadd.s32 $0x8F2B, s0  }
0xbd: {  	[sflag:s0] =	ssyncadd.remote.s32 $0x1  }
0xbe: {  	_ =	sfence.sel $0xFFFF  }
0xbf: {  	[dreg:$0x0] =	wrdreg $0xFFFFFFFF;
	(pc) =	sbr.abs _section_cstart, $3  }
0xc0: {  	[dreg:$0x1] =	wrdreg $0xFFFFFFFF  }
0xc1: {  	_ =	task.clear_ibuf [dreg:s7], $0x2FFFF;
	_ =	strace $0x9FFFFFFF  }
0xc2: {  	(tm) =	ssettm $0x7FFFFFFF  }
0xc3: {  	_ =	shalt  }
tec
execute0_lowered:
.L_overlay_start_1:
0x0: {  	(tag) =	ssettag $0x1  }
0x1: {  	s1 =	rddreg [dreg:$0x0];
	s2 =	srdreg.scid  }
0x2: {  	s3 =	rddreg [dreg:$0x1];
	s4 =	sand.u32 $0x1, s2;
	s2 =	simm.s32 $0x0  }
0x3: {  	s8 =	sadd.s32 $0x208C00, s1;
	[smem:$0x7FF] =	sst s2  }
0x4: {  	s18 =	simm.s32 $0x2100;
	_ =	strace $0x80000047;
	[dreg:$0x3] =	wrdreg s8  }
0x5: {  	s19 =	simm.s32 $0x100;
	[dreg:$0x8] =	wrdreg s18  }
0x6: {  	s20 =	simm.s32 $0x2900;
	[dreg:$0x9] =	wrdreg s19  }
0x7: {  	s21 =	simm.s32 $0x180;
	[dreg:$0xa] =	wrdreg s20  }
0x8: {  	s22 =	simm.s32 $0x3100;
	[dreg:$0xb] =	wrdreg s21  }
0x9: {  	s23 =	simm.s32 $0x200;
	[dreg:$0xc] =	wrdreg s22  }
0xa: {  	s24 =	simm.s32 $0x3900;
	[dreg:$0xd] =	wrdreg s23  }
0xb: {  	s25 =	simm.s32 $0x280;
	[dreg:$0xe] =	wrdreg s24  }
0xc: {  	s0 =	stileid.u32;
	s26 =	simm.s32 $0x4100;
	[dreg:$0xf] =	wrdreg s25  }
0xd: {  	s5 =	sshll.u32 s0, $0x1;
	s0 =	simm.s32 $0x300;
	[dreg:$0x10] =	wrdreg s26  }
0xe: {  	s9 =	simm.s32 $0x5900;
	[dreg:$0x11] =	wrdreg s0  }
0xf: {  	s10 =	simm.s32 $0x480;
	[dreg:$0x16] =	wrdreg s9  }
0x10: {  	s11 =	simm.s32 $0x6100;
	[dreg:$0x17] =	wrdreg s10  }
0x11: {  	s12 =	simm.s32 $0x500;
	[dreg:$0x18] =	wrdreg s11  }
0x12: {  	s13 =	simm.s32 $0x6900;
	[dreg:$0x19] =	wrdreg s12  }
0x13: {  	s8 =	simm.s32 $0x400;
	[dreg:$0x1a] =	wrdreg s13  }
0x14: {  	s18 =	simm.s32 $0x680;
	[dreg:$0x15] =	wrdreg s8  }
0x15: {  	s19 =	simm.s32 $0x8100;
	[dreg:$0x1f] =	wrdreg s18  }
0x16: {  	s20 =	simm.s32 $0x700;
	[smem:$0x7C9] =	sst s19  }
0x17: {  	s21 =	simm.s32 $0x8900;
	[smem:$0x7CA] =	sst s20  }
0x18: {  	s22 =	simm.s32 $0x780;
	[smem:$0x7CB] =	sst s21  }
0x19: {  	s23 =	simm.s32 $0x9100;
	[smem:$0x7CC] =	sst s22  }
0x1a: {  	s24 =	simm.s32 $0x800;
	[smem:$0x7CD] =	sst s23  }
0x1b: {  	s25 =	simm.s32 $0x9900;
	[smem:$0x7CE] =	sst s24  }
0x1c: {  	s26 =	simm.s32 $0x880;
	[smem:$0x7CF] =	sst s25  }
0x1d: {  	s0 =	simm.s32 $0xA100;
	[smem:$0x7D0] =	sst s26  }
0x1e: {  	s5 =	sor.u32 s4, s5;
	s9 =	simm.s32 $0xA00;
	[smem:$0x7D1] =	sst s0  }
0x1f: {  	s6 =	smul.u32 $0x320, s5;
	s10 =	simm.s32 $0xB900;
	[smem:$0x7D6] =	sst s9  }
0x20: {  	s7 =	sshll.u32 s5, $0x4;
	s11 =	simm.s32 $0xA80;
	[smem:$0x7D7] =	sst s10  }
0x21: {  	s14 =	smul.u32 $0x3200, s5;
	s12 =	simm.s32 $0xC100;
	[smem:$0x7D8] =	sst s11  }
0x22: {  	s5 =	sshll.u32 s5, $0x8;
	s13 =	simm.s32 $0xB00;
	[smem:$0x7D9] =	sst s12  }
0x23: {  	s3 =	sadd.s32 s3, s5;
	[smem:$0x7DA] =	sst s13  }
0x24: {  	s5 =	simm.s32 $0x4900;
	[dreg:$0x6] =	wrdreg s3  }
0x25: {  	s8 =	simm.s32 $0xB100;
	[dreg:$0x12] =	wrdreg s5  }
0x26: {  	s18 =	simm.s32 $0xD900;
	[smem:$0x7D5] =	sst s8  }
0x27: {  	s19 =	simm.s32 $0xC80;
	[smem:$0x7DF] =	sst s18  }
0x28: {  	s20 =	simm.s32 $0xE100;
	[smem:$0x7E0] =	sst s19  }
0x29: {  	s21 =	simm.s32 $0xD00;
	[smem:$0x7E1] =	sst s20  }
0x2a: {  	s22 =	simm.s32 $0xE900;
	[smem:$0x7E2] =	sst s21  }
0x2b: {  	s23 =	simm.s32 $0xD80;
	[smem:$0x7E3] =	sst s22  }
0x2c: {  	s24 =	simm.s32 $0xF100;
	[smem:$0x7E4] =	sst s23  }
0x2d: {  	s25 =	simm.s32 $0xE00;
	[smem:$0x7E5] =	sst s24  }
0x2e: {  	s26 =	simm.s32 $0xF900;
	[smem:$0x7E6] =	sst s25  }
0x2f: {  	s0 =	simm.s32 $0xE80;
	[smem:$0x7E7] =	sst s26  }
0x30: {  	s9 =	simm.s32 $0x11100;
	[smem:$0x7E8] =	sst s0  }
0x31: {  	s10 =	simm.s32 $0x1000;
	[smem:$0x7ED] =	sst s9  }
0x32: {  	s11 =	simm.s32 $0x11900;
	[smem:$0x7EE] =	sst s10  }
0x33: {  	s12 =	simm.s32 $0x1080;
	[smem:$0x7EF] =	sst s11  }
0x34: {  	s7 =	sadd.s32 s7, s1;
	s13 =	simm.s32 $0x12100;
	[smem:$0x7F0] =	sst s12  }
0x35: {  	s15 =	sadd.s32 $0x8A00, s7;
	[smem:$0x7F1] =	sst s13  }
0x36: {  	s7 =	simm.s32 $0x5100;
	[dreg:$0x5] =	wrdreg s15  }
0x37: {  	s16 =	sadd.s32 s14, s1;
	s14 =	simm.s32 $0x580;
	[dreg:$0x14] =	wrdreg s7  }
0x38: {  	s5 =	simm.s32 $0x900;
	[dreg:$0x1b] =	wrdreg s14  }
0x39: {  	s28 =	simm.s32 $0x19900;
	s8 =	simm.s32 $0xF80;
	[smem:$0x7D2] =	sst s5  }
0x3a: {  	s29 =	simm.s32 $0x1880;
	s18 =	simm.s32 $0x1200;
	[smem:$0x7EC] =	sst s8  }
0x3b: {  	s30 =	simm.s32 $0x1A100;
	s20 =	simm.s32 $0x13900;
	[smem:$0x7F6] =	sst s18  }
0x3c: {  	s31 =	simm.s32 $0x2;
	s21 =	simm.s32 $0x1280;
	[smem:$0x7F7] =	sst s20  }
0x3d: {  	s4 =	ssub.s32 $0x2, s4;
	s22 =	simm.s32 $0x14100;
	[smem:$0x7F8] =	sst s21  }
0x3e: {  	s6 =	sadd.s32 s6, s1;
	s23 =	simm.s32 $0x1300;
	[smem:$0x7F9] =	sst s22  }
0x3f: {  	s3 =	sadd.s32 $0x8C00, s1;
	s24 =	simm.s32 $0x14900;
	[smem:$0x7FA] =	sst s23  }
0x40: {  	s19 =	sshrl.u32 s4, $0x1;
	s25 =	simm.s32 $0x1380;
	[smem:$0x7FB] =	sst s24  }
0x41: {  	s26 =	simm.s32 $0x15100;
	s9 =	simm.s32 $0x1900;
	[smem:$0x7FC] =	sst s25  }
0x42: {  	s13 =	simm.s32 $0x16100;
	s6 =	sadd.s32 $0x2600, s6;
	[smem:$0x7FD] =	sst s26  }
0x43: {  	s1 =	simm.s32 $0x1;
	s17 =	sadd.s32 $0x408C00, s16;
	[dreg:$0x4] =	wrdreg s6  }
0x44: {  	s15 =	simm.s32 $0x7100;
	s16 =	simm.s32 $0x600;
	[dreg:$0x7] =	wrdreg s17  }
0x45: {  	s7 =	simm.s32 $0x980;
	s14 =	simm.s32 $0xC900;
	[dreg:$0x1c] =	wrdreg s15  }
0x46: {  	s5 =	simm.s32 $0x10100;
	s4 =	ssub.s32 s4, s19;
	[dreg:$0x1d] =	wrdreg s16  }
0x47: {  	s8 =	simm.s32 $0x1A980;
	s18 =	simm.s32 $0x1600;
	[smem:$0x7D4] =	sst s7  }
0x48: {  	s19 =	simm.s32 $0x17900;
	s20 =	simm.s32 $0x1680;
	[smem:$0x7DB] =	sst s14  }
0x49: {  	s21 =	simm.s32 $0x18100;
	s6 =	simm.s32 $0x380;
	[smem:$0x7E9] =	sst s5  }
0x4a: {  	s22 =	simm.s32 $0x1700;
	s17 =	simm.s32 $0x7900;
	[dreg:$0x13] =	wrdreg s6  }
0x4b: {  	s23 =	simm.s32 $0x18900;
	s15 =	simm.s32 $0xB80;
	[dreg:$0x1e] =	wrdreg s17  }
0x4c: {  	s24 =	simm.s32 $0x1780;
	s16 =	simm.s32 $0xD100;
	[smem:$0x7DC] =	sst s15  }
0x4d: {  	s25 =	simm.s32 $0x19100;
	s7 =	simm.s32 $0x10900;
	[smem:$0x7DD] =	sst s16  }
0x4e: {  	s26 =	simm.s32 $0x1800;
	s14 =	simm.s32 $0x1100;
	[smem:$0x7EB] =	sst s7  }
0x4f: {  	s4 =	smax.u32 s4, $0x1;
	s6 =	simm.s32 $0xA900;
	[smem:$0x7F2] =	sst s14  }
0x50: {  	s5 =	simm.s32 $0x3;
	s17 =	simm.s32 $0xC00;
	[smem:$0x7D3] =	sst s6  }
0x51: {  	s15 =	simm.s32 $0x12900;
	s16 =	simm.s32 $0x1180;
	[smem:$0x7DE] =	sst s17  }
0x52: {  	s7 =	simm.s32 $0x80;
	s14 =	simm.s32 $0x1500;
	[smem:$0x7F3] =	sst s15  }
0x53: {  	s6 =	simm.s32 $0xF00;
	[smem:$0x7F4] =	sst s16;
	s17 =	simm.s32 $0x13100  }
0x54: {  	s15 =	simm.s32 $0x16900;
	s16 =	simm.s32 $0x1580;
	[smem:$0x7EA] =	sst s6  }
0x55: {  	[smem:$0x7F5] =	sst s17;
	s6 =	simm.s32 $0x1A900;
	s17 =	simm.s32 $0x17100  }
.LBB2_1:
0x56: {  	s0 =	rddreg [dreg:$0x4]  }
0x57: {  	[tilespmem:s2], [sflag:$0x3] =	stream.linear.gather [hbm4b:s0+s2], $0x1900, $0x38;
	[tilespmem:$0x1B180] =	vst v63  }
0x58: {  	_ =	swait.ge [sflag:s5], $0x1900  }
0x59: {  	[sflag:s5] =	ssyncset.done $0x0  }
0x5a: {  	s11 =	rddreg [dreg:$0x5];
	[sflag:s5] =	ssyncadd.s32 $0xFFFFE700  }
0x5b: {  	[tilespmem:s6], [sflag:$0x3] =	stream.linear.gather [hbm4b:s11+s2], $0x80, $0x38;
	[tilespmem:$0x1B180] =	vst v63  }
0x5c: {  	_ =	swait.ge [sflag:s5], $0x80  }
0x5d: {  	s12 =	rddreg [dreg:$0x3]  }
0x5e: {  	[sflag:s5] =	ssyncset.done $0x0;
	s10 =	rddreg [dreg:$0x8]  }
0x5f: {  	s0 =	rddreg [dreg:$0x9];
	[sflag:s5] =	ssyncadd.s32 $0xFFFFFF80  }
0x60: {  	[tilespmem:s8], [sflag:$0x2] =	stream.indirect.gather [hbm4b:s12+s7], $0x10, s6, s7, $0xb8;
	[tilespmem:$0x1B180] =	vst v63  }
0x61: {  	s11 =	rddreg [dreg:$0xb]  }
0x62: {  	[tilespmem:s9], [sflag:$0x1] =	stream.indirect.gather [hbm4b:s3+s7], $0x10, s2, s7, $0xb8;
	[tilespmem:$0x1B180] =	vst v63  }
0x63: {  	s12 =	rddreg [dreg:$0xc]  }
0x64: {  	[tilespmem:s10], [sflag:$0x1] =	stream.indirect.gather [hbm4b:s3+s7], $0x10, s7, s7, $0xb8;
	[tilespmem:$0x1B180] =	vst v63  }
0x65: {  	s10 =	rddreg [dreg:$0xa]  }
0x66: {  	[tilespmem:s10], [sflag:$0x1] =	stream.indirect.gather [hbm4b:s3+s7], $0x10, s0, s7, $0xb8;
	[tilespmem:$0x1B180] =	vst v63  }
0x67: {  	s0 =	rddreg [dreg:$0xd]  }
0x68: {  	s10 =	rddreg [dreg:$0xe]  }
0x69: {  	[tilespmem:s12], [sflag:$0x1] =	stream.indirect.gather [hbm4b:s3+s7], $0x10, s11, s7, $0xb8;
	[tilespmem:$0x1B180] =	vst v63  }
0x6a: {  	s11 =	rddreg [dreg:$0xf]  }
0x6b: {  	s12 =	rddreg [dreg:$0x10]  }
0x6c: {  	[tilespmem:s10], [sflag:$0x1] =	stream.indirect.gather [hbm4b:s3+s7], $0x10, s0, s7, $0xb8;
	[tilespmem:$0x1B180] =	vst v63  }
0x6d: {  	s0 =	rddreg [dreg:$0x11]  }
0x6e: {  	s10 =	rddreg [dreg:$0x12]  }
0x6f: {  	[tilespmem:s12], [sflag:$0x1] =	stream.indirect.gather [hbm4b:s3+s7], $0x10, s11, s7, $0xb8;
	[tilespmem:$0x1B180] =	vst v63  }
0x70: {  	s11 =	rddreg [dreg:$0x13]  }
0x71: {  	s12 =	rddreg [dreg:$0x14]  }
0x72: {  	[tilespmem:s10], [sflag:$0x1] =	stream.indirect.gather [hbm4b:s3+s7], $0x10, s0, s7, $0xb8;
	[tilespmem:$0x1B180] =	vst v63  }
0x73: {  	s0 =	rddreg [dreg:$0x15]  }
0x74: {  	s10 =	rddreg [dreg:$0x16]  }
0x75: {  	[tilespmem:s12], [sflag:$0x1] =	stream.indirect.gather [hbm4b:s3+s7], $0x10, s11, s7, $0xb8;
	[tilespmem:$0x1B180] =	vst v63  }
0x76: {  	s11 =	rddreg [dreg:$0x17]  }
0x77: {  	s12 =	rddreg [dreg:$0x18]  }
0x78: {  	[tilespmem:s10], [sflag:$0x1] =	stream.indirect.gather [hbm4b:s3+s7], $0x10, s0, s7, $0xb8;
	[tilespmem:$0x1B180] =	vst v63  }
0x79: {  	s0 =	rddreg [dreg:$0x19]  }
0x7a: {  	s10 =	rddreg [dreg:$0x1a]  }
0x7b: {  	[tilespmem:s12], [sflag:$0x1] =	stream.indirect.gather [hbm4b:s3+s7], $0x10, s11, s7, $0xb8;
	[tilespmem:$0x1B180] =	vst v63  }
0x7c: {  	s11 =	rddreg [dreg:$0x1b]  }
0x7d: {  	s12 =	rddreg [dreg:$0x1c]  }
0x7e: {  	[tilespmem:s10], [sflag:$0x1] =	stream.indirect.gather [hbm4b:s3+s7], $0x10, s0, s7, $0xb8;
	[tilespmem:$0x1B180] =	vst v63  }
0x7f: {  	s0 =	rddreg [dreg:$0x1d]  }
0x80: {  	s10 =	rddreg [dreg:$0x1e]  }
0x81: {  	[tilespmem:s12], [sflag:$0x1] =	stream.indirect.gather [hbm4b:s3+s7], $0x10, s11, s7, $0xb8;
	[tilespmem:$0x1B180] =	vst v63  }
0x82: {  	s11 =	rddreg [dreg:$0x1f]  }
0x83: {  	s12 =	sld [smem:$0x7C9]  }
0x84: {  	[tilespmem:s10], [sflag:$0x1] =	stream.indirect.gather [hbm4b:s3+s7], $0x10, s0, s7, $0xb8;
	[tilespmem:$0x1B180] =	vst v63  }
0x85: {  	s0 =	sld [smem:$0x7CA]  }
0x86: {  	s10 =	sld [smem:$0x7CB]  }
0x87: {  	[tilespmem:s12], [sflag:$0x1] =	stream.indirect.gather [hbm4b:s3+s7], $0x10, s11, s7, $0xb8;
	[tilespmem:$0x1B180] =	vst v63  }
0x88: {  	s11 =	sld [smem:$0x7CC]  }
0x89: {  	s12 =	sld [smem:$0x7CD]  }
0x8a: {  	[tilespmem:s10], [sflag:$0x1] =	stream.indirect.gather [hbm4b:s3+s7], $0x10, s0, s7, $0xb8;
	[tilespmem:$0x1B180] =	vst v63  }
0x8b: {  	s0 =	sld [smem:$0x7CE]  }
0x8c: {  	s10 =	sld [smem:$0x7CF]  }
0x8d: {  	[tilespmem:s12], [sflag:$0x1] =	stream.indirect.gather [hbm4b:s3+s7], $0x10, s11, s7, $0xb8;
	[tilespmem:$0x1B180] =	vst v63  }
0x8e: {  	s11 =	sld [smem:$0x7D0]  }
0x8f: {  	s12 =	sld [smem:$0x7D1]  }
0x90: {  	[tilespmem:s10], [sflag:$0x1] =	stream.indirect.gather [hbm4b:s3+s7], $0x10, s0, s7, $0xb8;
	[tilespmem:$0x1B180] =	vst v63  }
0x91: {  	s0 =	sld [smem:$0x7D2]  }
0x92: {  	s10 =	sld [smem:$0x7D3]  }
0x93: {  	[tilespmem:s12], [sflag:$0x1] =	stream.indirect.gather [hbm4b:s3+s7], $0x10, s11, s7, $0xb8;
	[tilespmem:$0x1B180] =	vst v63  }
0x94: {  	s11 =	sld [smem:$0x7D4]  }
0x95: {  	s12 =	sld [smem:$0x7D5]  }
0x96: {  	[tilespmem:s10], [sflag:$0x1] =	stream.indirect.gather [hbm4b:s3+s7], $0x10, s0, s7, $0xb8;
	[tilespmem:$0x1B180] =	vst v63  }
0x97: {  	s0 =	sld [smem:$0x7D6]  }
0x98: {  	s10 =	sld [smem:$0x7D7]  }
0x99: {  	[tilespmem:s12], [sflag:$0x1] =	stream.indirect.gather [hbm4b:s3+s7], $0x10, s11, s7, $0xb8;
	[tilespmem:$0x1B180] =	vst v63  }
0x9a: {  	s11 =	sld [smem:$0x7D8]  }
0x9b: {  	s12 =	sld [smem:$0x7D9]  }
0x9c: {  	[tilespmem:s10], [sflag:$0x1] =	stream.indirect.gather [hbm4b:s3+s7], $0x10, s0, s7, $0xb8;
	[tilespmem:$0x1B180] =	vst v63  }
0x9d: {  	s0 =	sld [smem:$0x7DA]  }
0x9e: {  	s10 =	sld [smem:$0x7DB]  }
0x9f: {  	[tilespmem:s12], [sflag:$0x1] =	stream.indirect.gather [hbm4b:s3+s7], $0x10, s11, s7, $0xb8;
	[tilespmem:$0x1B180] =	vst v63  }
0xa0: {  	s11 =	sld [smem:$0x7DC]  }
0xa1: {  	s12 =	sld [smem:$0x7DD]  }
0xa2: {  	[tilespmem:s10], [sflag:$0x1] =	stream.indirect.gather [hbm4b:s3+s7], $0x10, s0, s7, $0xb8;
	[tilespmem:$0x1B180] =	vst v63  }
0xa3: {  	s0 =	sld [smem:$0x7DE]  }
0xa4: {  	s10 =	sld [smem:$0x7DF]  }
0xa5: {  	[tilespmem:s12], [sflag:$0x1] =	stream.indirect.gather [hbm4b:s3+s7], $0x10, s11, s7, $0xb8;
	[tilespmem:$0x1B180] =	vst v63  }
0xa6: {  	s11 =	sld [smem:$0x7E0]  }
0xa7: {  	s12 =	sld [smem:$0x7E1]  }
0xa8: {  	[tilespmem:s10], [sflag:$0x1] =	stream.indirect.gather [hbm4b:s3+s7], $0x10, s0, s7, $0xb8;
	[tilespmem:$0x1B180] =	vst v63  }
0xa9: {  	s0 =	sld [smem:$0x7E2]  }
0xaa: {  	s10 =	sld [smem:$0x7E3]  }
0xab: {  	[tilespmem:s12], [sflag:$0x1] =	stream.indirect.gather [hbm4b:s3+s7], $0x10, s11, s7, $0xb8;
	[tilespmem:$0x1B180] =	vst v63  }
0xac: {  	s11 =	sld [smem:$0x7E4]  }
0xad: {  	s12 =	sld [smem:$0x7E5]  }
0xae: {  	[tilespmem:s10], [sflag:$0x1] =	stream.indirect.gather [hbm4b:s3+s7], $0x10, s0, s7, $0xb8;
	[tilespmem:$0x1B180] =	vst v63  }
0xaf: {  	s0 =	sld [smem:$0x7E6]  }
0xb0: {  	s10 =	sld [smem:$0x7E7]  }
0xb1: {  	[tilespmem:s12], [sflag:$0x1] =	stream.indirect.gather [hbm4b:s3+s7], $0x10, s11, s7, $0xb8;
	[tilespmem:$0x1B180] =	vst v63  }
0xb2: {  	s11 =	sld [smem:$0x7E8]  }
0xb3: {  	s12 =	sld [smem:$0x7E9]  }
0xb4: {  	[tilespmem:s10], [sflag:$0x1] =	stream.indirect.gather [hbm4b:s3+s7], $0x10, s0, s7, $0xb8;
	[tilespmem:$0x1B180] =	vst v63  }
0xb5: {  	s0 =	sld [smem:$0x7EA]  }
0xb6: {  	s10 =	sld [smem:$0x7EB]  }
0xb7: {  	[tilespmem:s12], [sflag:$0x1] =	stream.indirect.gather [hbm4b:s3+s7], $0x10, s11, s7, $0xb8;
	[tilespmem:$0x1B180] =	vst v63  }
0xb8: {  	s11 =	sld [smem:$0x7EC]  }
0xb9: {  	s12 =	sld [smem:$0x7ED]  }
0xba: {  	[tilespmem:s10], [sflag:$0x1] =	stream.indirect.gather [hbm4b:s3+s7], $0x10, s0, s7, $0xb8;
	[tilespmem:$0x1B180] =	vst v63  }
0xbb: {  	s0 =	sld [smem:$0x7EE]  }
0xbc: {  	s10 =	sld [smem:$0x7EF]  }
0xbd: {  	[tilespmem:s12], [sflag:$0x1] =	stream.indirect.gather [hbm4b:s3+s7], $0x10, s11, s7, $0xb8;
	[tilespmem:$0x1B180] =	vst v63  }
0xbe: {  	s11 =	sld [smem:$0x7F0]  }
0xbf: {  	s12 =	sld [smem:$0x7F1]  }
0xc0: {  	[tilespmem:s10], [sflag:$0x1] =	stream.indirect.gather [hbm4b:s3+s7], $0x10, s0, s7, $0xb8;
	[tilespmem:$0x1B180] =	vst v63  }
0xc1: {  	s0 =	sld [smem:$0x7F2]  }
0xc2: {  	s10 =	sld [smem:$0x7F3]  }
0xc3: {  	[tilespmem:s12], [sflag:$0x1] =	stream.indirect.gather [hbm4b:s3+s7], $0x10, s11, s7, $0xb8;
	[tilespmem:$0x1B180] =	vst v63  }
0xc4: {  	s11 =	sld [smem:$0x7F4]  }
0xc5: {  	s12 =	sld [smem:$0x7F5]  }
0xc6: {  	[tilespmem:s10], [sflag:$0x1] =	stream.indirect.gather [hbm4b:s3+s7], $0x10, s0, s7, $0xb8;
	[tilespmem:$0x1B180] =	vst v63  }
0xc7: {  	s0 =	sld [smem:$0x7F6]  }
0xc8: {  	s10 =	sld [smem:$0x7F7]  }
0xc9: {  	[tilespmem:s12], [sflag:$0x1] =	stream.indirect.gather [hbm4b:s3+s7], $0x10, s11, s7, $0xb8;
	[tilespmem:$0x1B180] =	vst v63  }
0xca: {  	s11 =	sld [smem:$0x7F8]  }
0xcb: {  	s12 =	sld [smem:$0x7F9]  }
0xcc: {  	[tilespmem:s10], [sflag:$0x1] =	stream.indirect.gather [hbm4b:s3+s7], $0x10, s0, s7, $0xb8;
	[tilespmem:$0x1B180] =	vst v63  }
0xcd: {  	s0 =	sld [smem:$0x7FA]  }
0xce: {  	s10 =	sld [smem:$0x7FB]  }
0xcf: {  	[tilespmem:s12], [sflag:$0x1] =	stream.indirect.gather [hbm4b:s3+s7], $0x10, s11, s7, $0xb8;
	[tilespmem:$0x1B180] =	vst v63  }
0xd0: {  	s11 =	sld [smem:$0x7FC]  }
0xd1: {  	s12 =	sld [smem:$0x7FD]  }
0xd2: {  	[tilespmem:s10], [sflag:$0x1] =	stream.indirect.gather [hbm4b:s3+s7], $0x10, s0, s7, $0xb8;
	[tilespmem:$0x1B180] =	vst v63  }
0xd3: {  	_ = 	snop  }
0xd4: {  	[tilespmem:s12], [sflag:$0x1] =	stream.indirect.gather [hbm4b:s3+s7], $0x10, s11, s7, $0xb8;
	[tilespmem:$0x1B180] =	vst v63  }
0xd5: {  	s11 =	simm.s32 $0x1400;
	s12 =	simm.s32 $0x15900  }
0xd6: {  	[tilespmem:s12], [sflag:$0x1] =	stream.indirect.gather [hbm4b:s3+s7], $0x10, s11, s7, $0xb8;
	[tilespmem:$0x1B180] =	vst v63  }
0xd7: {  	s10 =	simm.s32 $0x1480  }
0xd8: {  	[tilespmem:s13], [sflag:$0x1] =	stream.indirect.gather [hbm4b:s3+s7], $0x10, s10, s7, $0xb8;
	[tilespmem:$0x1B180] =	vst v63  }
0xd9: {  	_ = 	snop  }
0xda: {  	[tilespmem:s15], [sflag:$0x1] =	stream.indirect.gather [hbm4b:s3+s7], $0x10, s14, s7, $0xb8;
	[tilespmem:$0x1B180] =	vst v63  }
0xdb: {  	_ = 	snop  }
0xdc: {  	[tilespmem:s17], [sflag:$0x1] =	stream.indirect.gather [hbm4b:s3+s7], $0x10, s16, s7, $0xb8;
	[tilespmem:$0x1B180] =	vst v63  }
0xdd: {  	_ = 	snop  }
0xde: {  	[tilespmem:s19], [sflag:$0x1] =	stream.indirect.gather [hbm4b:s3+s7], $0x10, s18, s7, $0xb8;
	[tilespmem:$0x1B180] =	vst v63  }
0xdf: {  	_ = 	snop  }
0xe0: {  	[tilespmem:s21], [sflag:$0x1] =	stream.indirect.gather [hbm4b:s3+s7], $0x10, s20, s7, $0xb8;
	[tilespmem:$0x1B180] =	vst v63  }
0xe1: {  	_ = 	snop  }
0xe2: {  	[tilespmem:s23], [sflag:$0x1] =	stream.indirect.gather [hbm4b:s3+s7], $0x10, s22, s7, $0xb8;
	[tilespmem:$0x1B180] =	vst v63  }
0xe3: {  	_ = 	snop  }
0xe4: {  	[tilespmem:s25], [sflag:$0x1] =	stream.indirect.gather [hbm4b:s3+s7], $0x10, s24, s7, $0xb8;
	[tilespmem:$0x1B180] =	vst v63  }
0xe5: {  	_ = 	snop  }
0xe6: {  	[tilespmem:s28], [sflag:$0x1] =	stream.indirect.gather [hbm4b:s3+s7], $0x10, s26, s7, $0xb8;
	[tilespmem:$0x1B180] =	vst v63  }
0xe7: {  	_ = 	snop  }
0xe8: {  	[tilespmem:s30], [sflag:$0x1] =	stream.indirect.gather [hbm4b:s3+s7], $0x10, s29, s7, $0xb8;
	[tilespmem:$0x1B180] =	vst v63  }
0xe9: {  	_ =	swait.ge [sflag:s31], $0x800  }
0xea: {  	[sflag:s31] =	ssyncset.done $0x0  }
0xeb: {  	s11 =	rddreg [dreg:$0x6];
	[sflag:s31] =	ssyncadd.s32 $0xFFFFF800  }
0xec: {  	[hbm4b:s11+s2] =	stream.linear.scatter [tilespmem:s8], [sflag:$0x3], $0x800, $0x38;
	[tilespmem:$0x1B180] =	vst v63  }
0xed: {  	_ =	swait.ge [sflag:s5], $0x800  }
0xee: {  	[sflag:s5] =	ssyncset.done $0x0  }
0xef: {  	[sflag:s5] =	ssyncadd.s32 $0xFFFFF800  }
0xf0: {  	_ =	swait.ge [sflag:s1], $0x800  }
0xf1: {  	[sflag:s1] =	ssyncset.done $0x0  }
0xf2: {  	[sflag:s1] =	ssyncadd.s32 $0xFFFFF800  }
0xf3: {  	_ =	swait.ge [sflag:s1], $0x800  }
0xf4: {  	[sflag:s1] =	ssyncset.done $0x0  }
0xf5: {  	[sflag:s1] =	ssyncadd.s32 $0xFFFFF800  }
0xf6: {  	_ =	swait.ge [sflag:s1], $0x800  }
0xf7: {  	[sflag:s1] =	ssyncset.done $0x0  }
0xf8: {  	[sflag:s1] =	ssyncadd.s32 $0xFFFFF800  }
0xf9: {  	_ =	swait.ge [sflag:s1], $0x800  }
0xfa: {  	[sflag:s1] =	ssyncset.done $0x0  }
0xfb: {  	[sflag:s1] =	ssyncadd.s32 $0xFFFFF800  }
0xfc: {  	_ =	swait.ge [sflag:s1], $0x800  }
0xfd: {  	[sflag:s1] =	ssyncset.done $0x0  }
0xfe: {  	[sflag:s1] =	ssyncadd.s32 $0xFFFFF800  }
0xff: {  	_ =	swait.ge [sflag:s1], $0x800  }
0x100: {  	[sflag:s1] =	ssyncset.done $0x0  }
0x101: {  	[sflag:s1] =	ssyncadd.s32 $0xFFFFF800  }
0x102: {  	_ =	swait.ge [sflag:s1], $0x800  }
0x103: {  	[sflag:s1] =	ssyncset.done $0x0  }
0x104: {  	[sflag:s1] =	ssyncadd.s32 $0xFFFFF800  }
0x105: {  	_ =	swait.ge [sflag:s1], $0x800  }
0x106: {  	[sflag:s1] =	ssyncset.done $0x0  }
0x107: {  	[sflag:s1] =	ssyncadd.s32 $0xFFFFF800  }
0x108: {  	_ =	swait.ge [sflag:s1], $0x800  }
0x109: {  	[sflag:s1] =	ssyncset.done $0x0  }
0x10a: {  	[sflag:s1] =	ssyncadd.s32 $0xFFFFF800  }
0x10b: {  	_ =	swait.ge [sflag:s1], $0x800  }
0x10c: {  	[sflag:s1] =	ssyncset.done $0x0  }
0x10d: {  	[sflag:s1] =	ssyncadd.s32 $0xFFFFF800  }
0x10e: {  	_ =	swait.ge [sflag:s1], $0x800  }
0x10f: {  	[sflag:s1] =	ssyncset.done $0x0  }
0x110: {  	[sflag:s1] =	ssyncadd.s32 $0xFFFFF800  }
0x111: {  	_ =	swait.ge [sflag:s1], $0x800  }
0x112: {  	[sflag:s1] =	ssyncset.done $0x0  }
0x113: {  	[sflag:s1] =	ssyncadd.s32 $0xFFFFF800  }
0x114: {  	_ =	swait.ge [sflag:s1], $0x800  }
0x115: {  	[sflag:s1] =	ssyncset.done $0x0  }
0x116: {  	[sflag:s1] =	ssyncadd.s32 $0xFFFFF800  }
0x117: {  	_ =	swait.ge [sflag:s1], $0x800  }
0x118: {  	[sflag:s1] =	ssyncset.done $0x0  }
0x119: {  	[sflag:s1] =	ssyncadd.s32 $0xFFFFF800  }
0x11a: {  	_ =	swait.ge [sflag:s1], $0x800  }
0x11b: {  	[sflag:s1] =	ssyncset.done $0x0  }
0x11c: {  	[sflag:s1] =	ssyncadd.s32 $0xFFFFF800  }
0x11d: {  	_ =	swait.ge [sflag:s1], $0x800  }
0x11e: {  	[sflag:s1] =	ssyncset.done $0x0  }
0x11f: {  	[sflag:s1] =	ssyncadd.s32 $0xFFFFF800  }
0x120: {  	_ =	swait.ge [sflag:s1], $0x800  }
0x121: {  	[sflag:s1] =	ssyncset.done $0x0  }
0x122: {  	[sflag:s1] =	ssyncadd.s32 $0xFFFFF800  }
0x123: {  	_ =	swait.ge [sflag:s1], $0x800  }
0x124: {  	[sflag:s1] =	ssyncset.done $0x0  }
0x125: {  	[sflag:s1] =	ssyncadd.s32 $0xFFFFF800  }
0x126: {  	_ =	swait.ge [sflag:s1], $0x800  }
0x127: {  	[sflag:s1] =	ssyncset.done $0x0  }
0x128: {  	[sflag:s1] =	ssyncadd.s32 $0xFFFFF800  }
0x129: {  	_ =	swait.ge [sflag:s1], $0x800  }
0x12a: {  	[sflag:s1] =	ssyncset.done $0x0  }
0x12b: {  	[sflag:s1] =	ssyncadd.s32 $0xFFFFF800  }
0x12c: {  	_ =	swait.ge [sflag:s1], $0x800  }
0x12d: {  	[sflag:s1] =	ssyncset.done $0x0  }
0x12e: {  	[sflag:s1] =	ssyncadd.s32 $0xFFFFF800  }
0x12f: {  	_ =	swait.ge [sflag:s1], $0x800  }
0x130: {  	[sflag:s1] =	ssyncset.done $0x0  }
0x131: {  	[sflag:s1] =	ssyncadd.s32 $0xFFFFF800  }
0x132: {  	_ =	swait.ge [sflag:s1], $0x800  }
0x133: {  	[sflag:s1] =	ssyncset.done $0x0  }
0x134: {  	[sflag:s1] =	ssyncadd.s32 $0xFFFFF800  }
0x135: {  	_ =	swait.ge [sflag:s1], $0x800  }
0x136: {  	[sflag:s1] =	ssyncset.done $0x0  }
0x137: {  	[sflag:s1] =	ssyncadd.s32 $0xFFFFF800  }
0x138: {  	_ =	swait.ge [sflag:s1], $0x800  }
0x139: {  	[sflag:s1] =	ssyncset.done $0x0  }
0x13a: {  	[sflag:s1] =	ssyncadd.s32 $0xFFFFF800  }
0x13b: {  	_ =	swait.ge [sflag:s1], $0x800  }
0x13c: {  	[sflag:s1] =	ssyncset.done $0x0  }
0x13d: {  	[sflag:s1] =	ssyncadd.s32 $0xFFFFF800  }
0x13e: {  	_ =	swait.ge [sflag:s1], $0x800  }
0x13f: {  	[sflag:s1] =	ssyncset.done $0x0  }
0x140: {  	[sflag:s1] =	ssyncadd.s32 $0xFFFFF800  }
0x141: {  	_ =	swait.ge [sflag:s1], $0x800  }
0x142: {  	[sflag:s1] =	ssyncset.done $0x0  }
0x143: {  	[sflag:s1] =	ssyncadd.s32 $0xFFFFF800  }
0x144: {  	_ =	swait.ge [sflag:s1], $0x800  }
0x145: {  	[sflag:s1] =	ssyncset.done $0x0  }
0x146: {  	[sflag:s1] =	ssyncadd.s32 $0xFFFFF800  }
0x147: {  	_ =	swait.ge [sflag:s1], $0x800  }
0x148: {  	[sflag:s1] =	ssyncset.done $0x0  }
0x149: {  	[sflag:s1] =	ssyncadd.s32 $0xFFFFF800  }
0x14a: {  	_ =	swait.ge [sflag:s1], $0x800  }
0x14b: {  	[sflag:s1] =	ssyncset.done $0x0  }
0x14c: {  	[sflag:s1] =	ssyncadd.s32 $0xFFFFF800  }
0x14d: {  	_ =	swait.ge [sflag:s1], $0x800  }
0x14e: {  	[sflag:s1] =	ssyncset.done $0x0  }
0x14f: {  	[sflag:s1] =	ssyncadd.s32 $0xFFFFF800  }
0x150: {  	_ =	swait.ge [sflag:s1], $0x800  }
0x151: {  	[sflag:s1] =	ssyncset.done $0x0  }
0x152: {  	[sflag:s1] =	ssyncadd.s32 $0xFFFFF800  }
0x153: {  	_ =	swait.ge [sflag:s1], $0x800  }
0x154: {  	[sflag:s1] =	ssyncset.done $0x0  }
0x155: {  	[sflag:s1] =	ssyncadd.s32 $0xFFFFF800  }
0x156: {  	_ =	swait.ge [sflag:s1], $0x800  }
0x157: {  	[sflag:s1] =	ssyncset.done $0x0  }
0x158: {  	[sflag:s1] =	ssyncadd.s32 $0xFFFFF800  }
0x159: {  	_ =	swait.ge [sflag:s1], $0x800  }
0x15a: {  	[sflag:s1] =	ssyncset.done $0x0  }
0x15b: {  	[sflag:s1] =	ssyncadd.s32 $0xFFFFF800  }
0x15c: {  	_ =	swait.ge [sflag:s1], $0x800  }
0x15d: {  	[sflag:s1] =	ssyncset.done $0x0  }
0x15e: {  	[sflag:s1] =	ssyncadd.s32 $0xFFFFF800  }
0x15f: {  	_ =	swait.ge [sflag:s1], $0x800  }
0x160: {  	[sflag:s1] =	ssyncset.done $0x0  }
0x161: {  	[sflag:s1] =	ssyncadd.s32 $0xFFFFF800  }
0x162: {  	_ =	swait.ge [sflag:s1], $0x800  }
0x163: {  	[sflag:s1] =	ssyncset.done $0x0  }
0x164: {  	[sflag:s1] =	ssyncadd.s32 $0xFFFFF800  }
0x165: {  	_ =	swait.ge [sflag:s1], $0x800  }
0x166: {  	[sflag:s1] =	ssyncset.done $0x0  }
0x167: {  	[sflag:s1] =	ssyncadd.s32 $0xFFFFF800  }
0x168: {  	_ =	swait.ge [sflag:s1], $0x800  }
0x169: {  	[sflag:s1] =	ssyncset.done $0x0  }
0x16a: {  	[sflag:s1] =	ssyncadd.s32 $0xFFFFF800  }
0x16b: {  	_ =	swait.ge [sflag:s1], $0x800  }
0x16c: {  	[sflag:s1] =	ssyncset.done $0x0  }
0x16d: {  	[sflag:s1] =	ssyncadd.s32 $0xFFFFF800  }
0x16e: {  	_ =	swait.ge [sflag:s1], $0x800  }
0x16f: {  	[sflag:s1] =	ssyncset.done $0x0  }
0x170: {  	[sflag:s1] =	ssyncadd.s32 $0xFFFFF800  }
0x171: {  	_ =	swait.ge [sflag:s1], $0x800  }
0x172: {  	[sflag:s1] =	ssyncset.done $0x0  }
0x173: {  	[sflag:s1] =	ssyncadd.s32 $0xFFFFF800  }
0x174: {  	_ =	swait.ge [sflag:s1], $0x800  }
0x175: {  	[sflag:s1] =	ssyncset.done $0x0  }
0x176: {  	[sflag:s1] =	ssyncadd.s32 $0xFFFFF800  }
0x177: {  	_ =	swait.ge [sflag:s1], $0x800  }
0x178: {  	[sflag:s1] =	ssyncset.done $0x0  }
0x179: {  	[sflag:s1] =	ssyncadd.s32 $0xFFFFF800  }
0x17a: {  	_ =	swait.ge [sflag:s1], $0x800  }
0x17b: {  	[sflag:s1] =	ssyncset.done $0x0  }
0x17c: {  	[sflag:s1] =	ssyncadd.s32 $0xFFFFF800  }
0x17d: {  	_ =	swait.ge [sflag:s1], $0x800  }
0x17e: {  	[sflag:s1] =	ssyncset.done $0x0  }
0x17f: {  	[sflag:s1] =	ssyncadd.s32 $0xFFFFF800  }
0x180: {  	_ =	swait.ge [sflag:s1], $0x800  }
0x181: {  	[sflag:s1] =	ssyncset.done $0x0  }
0x182: {  	[sflag:s1] =	ssyncadd.s32 $0xFFFFF800  }
0x183: {  	_ =	swait.ge [sflag:s1], $0x800  }
0x184: {  	p0 =	sne.s32 s4, $0x1;
	[sflag:s1] =	ssyncset.done $0x0  }
.Ltmp0:
0x185: {  	s12 =	rddreg [dreg:$0x7];
	[sflag:s1] =	ssyncadd.s32 $0xFFFFF800;
	(pc) =	sbr.rel @p0 .LBB2_1-.Ltmp0, $4  }
0x186: {  	[hbm4b:s12+s2] =	stream.linear.scatter [tilespmem:s9], [sflag:$0x3], $0x19000, $0x38;
	[tilespmem:$0x1B180] =	vst v63  }
0x187: {  	_ =	swait.ge [sflag:s5], $0x19000  }
0x188: {  	[sflag:s5] =	ssyncset.done $0x0  }
0x189: {  	s4 =	sadd.s32 $0xFFFFFFFF, s4;
	[sflag:s5] =	ssyncadd.s32 $0xFFFE7000  }
0x18a: {  	_ =	sfence.sel $0x180000  }
0x18b: {  	[bflag:$0x0] =	sbarrier.arrive $0xFFFF  }
0x18c: {  	_ =	strace $0x90000047  }
0x18d: {  	s0 =	stileid.u32;
	[bflag:$0x2] =	sbarrier.arrive $0xFFFF  }
0x18e: {  	p0 =	sne.s32 s0, $0x0;
	s0 =	rddreg [dreg:$0x2]  }
0x18f: {  	s0 =	sadd.s32 @!p0 $0x100000, s0  }
0x190: {  	[sflag:s0] =	ssyncadd.tile.s32 @!p0 $0x1;
	_ =	shalt  }
.Lfunc_end2:
_tile_overlayer_lowered:
.L_overlay_start_2:
0x191: {  	(tag) =	ssettag $0x2  }
0x192: {  	s0 =	rddreg [dreg:$0x0];
	s2 =	stileid.u32  }
0x193: {  	s1 =	rddreg [dreg:$0x1];
	p0 =	sne.s32 s2, $0x0  }
0x194: {  	s3 =	rddreg [dreg:$0x2];
	[bflag:$0x3] =	sbarrier.arrive $0xFFFF;
	s2 =	simm.s32 @!p0 $0x1C03  }
0x195: {  	[timem:s3], [sflag:s2] =	dma.local @!p0 [hbm:s0], s1  }
0x196: {  	s0 =	simm.s32 @!p0 $0x3  }
0x197: {  	_ =	swait.ge @!p0 [sflag:s0], s1  }
0x198: {  	s1 =	ssub.s32 @!p0 $0x0, s1;
	[sflag:s0] =	ssyncset.done @!p0 $0x0  }
0x199: {  	[sflag:s0] =	ssyncadd.s32 @!p0 s1  }
0x19a: {  	[bflag:$0x3] =	sbarrier.arrive $0xFFFF  }
0x19b: {  	_ =	shalt  }

</sc_bundles>
